<compile_context>
chip_gen: v7x
topology: tpu7x:2x2x1
jax: 0.10.2.dev20260603
libtpu: 0.0.44.dev20260713+nightly
codegen_flags: <defaults>
</compile_context>

<pallas_src>
import jax
import jax.numpy as jnp
from jax import lax
from jax.experimental import pallas as pl
from jax.experimental.pallas import tpu as pltpu
from jax.experimental.pallas import tpu_sc as plsc

N = 1024
C = 192
CP = 256
HC = 32
WC = 32
M = HC * WC
R = 512
GRID_STEPS = N // R

NW = 32
KPW = N // NW
NCH = C // 16

_BIGF = 1e30
_BIGI = 2**30



def _axis3(v16):
    c0 = (v16 * (1.0 / 16.0)).astype(jnp.int32)
    c0f = c0.astype(jnp.float32)
    d0 = v16 - (16.0 * c0f + 8.0)
    side = jnp.where(d0 >= 0.0, 1, -1).astype(jnp.int32)
    c1 = c0 + side
    c1_in = (c1 >= 0) & (c1 <= HC - 1)
    c1 = jnp.where(c1_in, c1, c0 - side)
    cm = c0 - side
    cm_in = (cm >= 0) & (cm <= HC - 1)
    c2 = jnp.where(cm_in, jnp.where(c1_in, cm, c0 - 2 * side), c0 + 2 * side)

    def d2(ci):
        dd = v16 - (16.0 * ci.astype(jnp.float32) + 8.0)
        return dd * dd

    return [(c0, d2(c0)), (c1, d2(c1)), (c2, d2(c2))]


def _floor16(v16):
    t = v16.astype(jnp.int32).astype(jnp.float32)
    return jnp.where(t > v16, t - 1.0, t)


def _sc_body(x_hbm, y_hbm, d2fp_hbm, wsum_hbm, gidx_hbm,
             x_v, y_v, ws_v, idx_v, wt_v, rows_v, gidx_v, sem, sem2):
    wid = lax.axis_index("s") * 2 + lax.axis_index("c")
    base = wid * KPW

    pltpu.sync_copy(x_hbm.at[pl.ds(base, KPW)], x_v)
    pltpu.sync_copy(y_hbm.at[pl.ds(base, KPW)], y_v)

    for h in range(2):
        x16 = x_v[pl.ds(h * 16, 16)]
        y16 = y_v[pl.ds(h * 16, 16)]
        ysn = y16 * (1.0 / 16.0) - 0.5
        xsn = x16 * (1.0 / 16.0) - 0.5
        x0 = _floor16(xsn)
        y0 = _floor16(ysn)
        wx1 = xsn - x0
        wx0 = 1.0 - wx1
        wy1 = ysn - y0
        wy0 = 1.0 - wy1
        corners = [(y0, x0, wy0 * wx0), (y0, x0 + 1.0, wy0 * wx1),
                   (y0 + 1.0, x0, wy1 * wx0), (y0 + 1.0, x0 + 1.0, wy1 * wx1)]
        for c, (yi, xi, w) in enumerate(corners):
            valid = ((yi >= 0.0) & (yi <= HC - 1.0)
                     & (xi >= 0.0) & (xi <= WC - 1.0))
            yc = jnp.minimum(jnp.maximum(yi, 0.0), HC - 1.0).astype(jnp.int32)
            xc = jnp.minimum(jnp.maximum(xi, 0.0), WC - 1.0).astype(jnp.int32)
            wt_v[pl.ds(c * KPW + h * 16, 16)] = jnp.where(valid, w, 0.0)
            idx_v[pl.ds(c * KPW + h * 16, 16)] = yc * WC + xc

    gather = pltpu.async_copy(d2fp_hbm.at[idx_v], rows_v, sem)

    for h in range(2):
        x16 = x_v[pl.ds(h * 16, 16)]
        y16 = y_v[pl.ds(h * 16, 16)]

        cxs = _axis3(x16)
        cys = _axis3(y16)
        cand = []
        for cyi, dy2 in cys:
            for cxi, dx2 in cxs:
                cand.append((dx2 + dy2, cyi * WC + cxi))
        for k in range(4):
            m = cand[0][0]
            for dcur, _ in cand[1:]:
                m = jnp.minimum(m, dcur)
            f = jnp.full((16,), _BIGI, jnp.int32)
            for dcur, fcur in cand:
                f = jnp.minimum(f, jnp.where(dcur == m, fcur, _BIGI))
            gidx_v[pl.ds(k * KPW + h * 16, 16)] = f
            cand = [(jnp.where(fcur == f, jnp.float32(_BIGF), dcur), fcur)
                    for dcur, fcur in cand]

    gidx_cps = [pltpu.async_copy(gidx_v.at[pl.ds(k * KPW, KPW)],
                                 gidx_hbm.at[pl.ds(k * N + base, KPW)], sem2)
                for k in range(4)]
    gather.wait()

    def kp_body(k, carry):
        wb = []
        for c in range(4):
            wv = wt_v[pl.ds(c * KPW + k, 16)]
            wb.append(jnp.full((16,), 0.0, jnp.float32) + wv[0])
        for j in range(NCH):
            s = wb[0] * rows_v[k, pl.ds(j * 16, 16)]
            for c in range(1, 4):
                s = s + wb[c] * rows_v[c * KPW + k, pl.ds(j * 16, 16)]
            ws_v[pl.ds(k * C + j * 16, 16)] = s
        return carry

    lax.fori_loop(0, KPW, kp_body, 0)

    pltpu.sync_copy(ws_v, wsum_hbm.at[pl.ds(base * C, KPW * C)])
    for cp in gidx_cps:
        cp.wait()


_sc_call = pl.kernel(
    _sc_body,
    mesh=plsc.VectorSubcoreMesh(core_axis_name="c", subcore_axis_name="s"),
    out_type=[
        jax.ShapeDtypeStruct((N * C,), jnp.float32),
        jax.ShapeDtypeStruct((4 * N,), jnp.int32),
    ],
    scratch_types=[
        pltpu.VMEM((KPW,), jnp.float32),
        pltpu.VMEM((KPW,), jnp.float32),
        pltpu.VMEM((KPW * C,), jnp.float32),
        pltpu.VMEM((4 * KPW,), jnp.int32),
        pltpu.VMEM((4 * KPW + 16,), jnp.float32),
        pltpu.VMEM((4 * KPW, CP), jnp.float32),
        pltpu.VMEM((4 * KPW,), jnp.int32),
        pltpu.SemaphoreType.DMA,
        pltpu.SemaphoreType.DMA,
    ],
)



def _tc_body(wsum_ref, gidx_ref, kpd_ref, d2ft_ref, loss_ref, pos_out_ref):
    step = pl.program_id(0)
    A = kpd_ref[...]
    W = wsum_ref[...]
    BT = d2ft_ref[...]

    dot = jnp.sum(A * W, axis=1, keepdims=True)
    nrm = jnp.sqrt(jnp.sum(W * W, axis=1, keepdims=True))
    pos = 2.0 - 2.0 * dot / jnp.maximum(nrm, 1e-12)

    cols = jax.lax.broadcasted_iota(jnp.int32, (R, M), 1)

    S = 2.0 - 2.0 * jax.lax.dot_general(
        A, BT, (((1,), (0,)), ((), ())),
        preferred_element_type=jnp.float32)

    for k in range(4):
        S = jnp.where(cols == gidx_ref[:, k:k + 1], _BIGF, S)

    m1 = S[:, 0:128]
    m2 = jnp.full((R, 128), _BIGF, jnp.float32)
    for g in range(1, 8):
        Sg = S[:, g * 128:(g + 1) * 128]
        m2 = jnp.minimum(m2, jnp.maximum(m1, Sg))
        m1 = jnp.minimum(m1, Sg)

    acc = jnp.float32(0.0)
    for _ in range(4):
        mm = jnp.minimum(jnp.min(m1, axis=1, keepdims=True),
                         jnp.min(m2, axis=1, keepdims=True))
        acc = acc + jnp.sum(jnp.maximum(pos - mm + 1.0, 0.0))
        m1 = jnp.where(m1 == mm, _BIGF, m1)
        m2 = jnp.where(m2 == mm, _BIGF, m2)

    possum = jnp.sum(pos)

    @pl.when(step == 0)
    def _():
        loss_ref[...] = jnp.zeros((1, 1), jnp.float32)
        pos_out_ref[...] = jnp.zeros((1, 1), jnp.float32)

    loss_ref[...] += jnp.reshape(acc, (1, 1))
    pos_out_ref[...] += jnp.reshape(possum, (1, 1))

    @pl.when(step == GRID_STEPS - 1)
    def _():
        loss_ref[...] = loss_ref[...] * (1.0 / (4.0 * N))
        pos_out_ref[...] = pos_out_ref[...] * (1.0 / N)


@jax.jit
def _run(x, y, kp1_desc, d2fp, d2ft):
    wsum, gidx = _sc_call(x, y, d2fp)
    loss, posmean = pl.pallas_call(
        _tc_body,
        grid=(GRID_STEPS,),
        in_specs=[
            pl.BlockSpec((R, C), lambda i: (i, 0)),
            pl.BlockSpec((R, 4), lambda i: (i, 0)),
            pl.BlockSpec((R, C), lambda i: (i, 0)),
            pl.BlockSpec((C, M), lambda i: (0, 0)),
        ],
        out_specs=[
            pl.BlockSpec((1, 1), lambda i: (0, 0)),
            pl.BlockSpec((1, 1), lambda i: (0, 0)),
        ],
        out_shape=[
            jax.ShapeDtypeStruct((1, 1), jnp.float32),
            jax.ShapeDtypeStruct((1, 1), jnp.float32),
        ],
    )(wsum.reshape(N, C), gidx.reshape(4, N).T, kp1_desc, d2ft)
    return loss[0, 0], posmean[0, 0]


def kernel(kp1, w_kp1, kp1_desc, desc2):
    d2ft = desc2[0].reshape(C, M)
    d2f = jnp.transpose(d2ft, (1, 0))
    d2fp = jnp.pad(d2f, ((0, 0), (0, CP - C)))
    x = w_kp1[:, 1]
    y = w_kp1[:, 0]
    return _run(x, y, kp1_desc, d2fp, d2ft)

# --- scband reference (transcript-rebuilt; emitter-appended) ---
"""Pipeline reference for scband-hard-triplet-loss-16466904613712 (READ-ONLY COPY).

The authoritative reference and input builder live on the scoring server;
editing this copy changes nothing except your own understanding.
"""

import jax, jax.numpy as jnp
import numpy as np

GRID_SIZE = 16
MARGIN = 1.0
LOSS_LAMBDA = 1.0


def sample_descriptors(desc2, kp, grid_size):
    # desc2: [B, C, Hc, Wc]; kp: [N, 2] pixel coords (y, x) in full image space.
    # Equivalent to F.grid_sample(bilinear, zero padding, align_corners=False) + F.normalize.
    B, C, H, W = desc2.shape
    d = desc2[0]
    ys = kp[:, 0] / grid_size - 0.5
    xs = kp[:, 1] / grid_size - 0.5
    x0 = jnp.floor(xs); y0 = jnp.floor(ys)
    x1 = x0 + 1.0; y1 = y0 + 1.0
    wx1 = xs - x0; wx0 = 1.0 - wx1
    wy1 = ys - y0; wy0 = 1.0 - wy1
    def gather(yi, xi):
        valid = (yi >= 0) & (yi <= H - 1) & (xi >= 0) & (xi <= W - 1)
        yc = jnp.clip(yi, 0, H - 1).astype(jnp.int32)
        xc = jnp.clip(xi, 0, W - 1).astype(jnp.int32)
        v = d[:, yc, xc].T  # [N, C]
        return v * valid.astype(d.dtype)[:, None]
    out = (gather(y0, x0) * (wy0 * wx0)[:, None]
           + gather(y0, x1) * (wy0 * wx1)[:, None]
           + gather(y1, x0) * (wy1 * wx0)[:, None]
           + gather(y1, x1) * (wy1 * wx1)[:, None])
    n = jnp.linalg.norm(out, axis=-1, keepdims=True)
    return out / jnp.maximum(n, 1e-12)


def kp2coord(kp):
    # (y, x) -> (x, y)
    return kp[:, ::-1]


def create_coordinates_grid(size):
    B, C, H, W = size
    X, Y = jnp.meshgrid(jnp.arange(W, dtype=jnp.float32), jnp.arange(H, dtype=jnp.float32), indexing='xy')
    return jnp.stack([X, Y], axis=-1)  # [H, W, 2] in (x, y)


def calculate_similarity_vector(d1, d2):
    # squared-euclidean distance between unit descriptors
    return 2.0 - 2.0 * jnp.sum(d1 * d2, axis=-1)


def calculate_similarity_matrix(d1, d2):
    return 2.0 - 2.0 * d1 @ d2.T


def setup_inputs(seed: int = 0):
    key = jax.random.key(seed)
    k1, k2, k3, k4 = jax.random.split(key, 4)
    N, C, Hc, Wc = 1024, 192, 32, 32
    H_img = Hc * GRID_SIZE  # 512
    kp1 = jax.random.uniform(k1, (N, 2), minval=0.0, maxval=float(H_img), dtype=jnp.float32)
    w_kp1 = jax.random.uniform(k2, (N, 2), minval=0.0, maxval=float(H_img), dtype=jnp.float32)
    kp1_desc = jax.random.normal(k3, (N, C), dtype=jnp.float32)
    kp1_desc = kp1_desc / jnp.linalg.norm(kp1_desc, axis=-1, keepdims=True)
    desc2 = jax.random.normal(k4, (1, C, Hc, Wc), dtype=jnp.float32)
    desc2 = desc2 / jnp.linalg.norm(desc2, axis=1, keepdims=True)
    return {"kp1": kp1, "w_kp1": w_kp1, "kp1_desc": kp1_desc, "desc2": desc2}


def reference(kp1, w_kp1, kp1_desc, desc2):
    grid_size = GRID_SIZE
    w_kp1_desc = sample_descriptors(desc2, w_kp1, grid_size)
    positive_sim = calculate_similarity_vector(kp1_desc, w_kp1_desc)
    positive_sim = jnp.repeat(positive_sim.reshape(-1, 1), 4, axis=1).reshape(-1)
    kp_grid = kp2coord(w_kp1)[:, None, :]  # [N, 1, 2]
    coo_grid = create_coordinates_grid(desc2.shape).reshape(-1, 2)[None, :, :]  # [1, M, 2]
    coo_grid = coo_grid * grid_size + grid_size // 2
    grid_dist = jnp.linalg.norm(kp_grid - coo_grid, axis=-1)  # [N, M]
    ids = jax.lax.top_k(-grid_dist, 4)[1]  # 4 nearest cells (smallest dist)
    r_ids = jnp.repeat(jnp.arange(ids.shape[0]).reshape(-1, 1), ids.shape[1], axis=1).reshape(-1)
    mask = jnp.zeros_like(grid_dist).at[r_ids, ids.reshape(-1)].set(1.0)
    C = desc2.shape[1]
    desc2_flat = jnp.transpose(desc2, (0, 2, 3, 1)).reshape(-1, C)
    desc_sim = calculate_similarity_matrix(kp1_desc, desc2_flat)
    desc_sim = desc_sim + mask * 5
    neg_sim = (-jax.lax.top_k(-desc_sim, 4)[0]).reshape(-1)
    loss = jnp.mean(jnp.maximum(positive_sim - neg_sim + MARGIN, 0.0)) * LOSS_LAMBDA
    return (loss, jnp.mean(positive_sim))

if __name__ == "__main__":
    import jax
    _d = setup_inputs()
    print(jax.jit(kernel)(*tuple(_d.values())))

</pallas_src>

<mosaic_0001>
#map = affine_map<(d0, d1) -> (0)>
#map1 = affine_map<(d0, d1) -> (0, 0)>
module attributes {stable_mosaic.version = 14 : i64} {
  func.func @_sc_body(%arg0: i32, %arg1: i32, %arg2: memref<1024xf32, #tpu.memory_space<hbm>>, %arg3: memref<1024xf32, #tpu.memory_space<hbm>>, %arg4: memref<1024x256xf32, #tpu.memory_space<hbm>>, %arg5: memref<196608xf32, #tpu.memory_space<hbm>>, %arg6: memref<4096xi32, #tpu.memory_space<hbm>>, %arg7: memref<32xf32, #tpu.memory_space<vmem>>, %arg8: memref<32xf32, #tpu.memory_space<vmem>>, %arg9: memref<6144xf32, #tpu.memory_space<vmem>>, %arg10: memref<128xi32, #tpu.memory_space<vmem>>, %arg11: memref<144xf32, #tpu.memory_space<vmem>>, %arg12: memref<128x256xf32, #tpu.memory_space<vmem>>, %arg13: memref<128xi32, #tpu.memory_space<vmem>>, %arg14: memref<!tpu.dma_semaphore, #tpu.memory_space<semaphore_mem>>, %arg15: memref<!tpu.dma_semaphore, #tpu.memory_space<semaphore_mem>>) attributes {dimension_semantics = [#tpu.dimension_semantics<core_parallel>, #tpu.dimension_semantics<subcore_parallel>], iteration_bounds = array<i64: 2, 16>, scalar_prefetch = 0 : i64, scratch_operands = 9 : i64, tpu.core_type = #tpu.core_type<sc_vector_subcore>, window_params = [{transform_indices = #map}, {transform_indices = #map}, {transform_indices = #map1}, {transform_indices = #map}, {transform_indices = #map}]} {
    %mul3A = arith.constant 2 : i32
    %mul3A_0 = arith.muli %arg1, %mul3A : i32
    %add3A = arith.addi %mul3A_0, %arg0 : i32
    %mul3A_1 = arith.constant 32 : i32
    %mul3A_2 = arith.muli %add3A, %mul3A_1 : i32
    "tpu.region"() ({
      %run_scoped3A = tpu.sem_alloc : memref<!tpu.dma_semaphore, #tpu.memory_space<semaphore_mem>>
      %dma_start3A_1682 = tpu.memref_slice %arg2[%mul3A_2] : memref<1024xf32, #tpu.memory_space<hbm>> -> memref<32xf32, #tpu.memory_space<hbm>>
      %dma_start3A_1683 = tpu.memref_slice %arg2[%mul3A_2] : memref<1024xf32, #tpu.memory_space<hbm>> -> memref<32xf32, #tpu.memory_space<hbm>>
      tpu.enqueue_dma source(%dma_start3A_1683 : memref<32xf32, #tpu.memory_space<hbm>>) target(%arg7 : memref<32xf32, #tpu.memory_space<vmem>>) target_semaphore(%run_scoped3A : memref<!tpu.dma_semaphore, #tpu.memory_space<semaphore_mem>>)
      %dma_wait3A_1684 = tpu.memref_slice %arg2[%mul3A_2] : memref<1024xf32, #tpu.memory_space<hbm>> -> memref<32xf32, #tpu.memory_space<hbm>>
      %dma_wait3A_1685 = tpu.memref_slice %arg2[%mul3A_2] : memref<1024xf32, #tpu.memory_space<hbm>> -> memref<32xf32, #tpu.memory_space<hbm>>
      tpu.wait_dma2 semaphore(%run_scoped3A : memref<!tpu.dma_semaphore, #tpu.memory_space<semaphore_mem>>) src(%dma_wait3A_1685 : memref<32xf32, #tpu.memory_space<hbm>>) dst(%arg7 : memref<32xf32, #tpu.memory_space<vmem>>)
      tpu.yield
    }) : () -> ()
    "tpu.region"() ({
      %run_scoped3A = tpu.sem_alloc : memref<!tpu.dma_semaphore, #tpu.memory_space<semaphore_mem>>
      %dma_start3A_1682 = tpu.memref_slice %arg3[%mul3A_2] : memref<1024xf32, #tpu.memory_space<hbm>> -> memref<32xf32, #tpu.memory_space<hbm>>
      %dma_start3A_1683 = tpu.memref_slice %arg3[%mul3A_2] : memref<1024xf32, #tpu.memory_space<hbm>> -> memref<32xf32, #tpu.memory_space<hbm>>
      tpu.enqueue_dma source(%dma_start3A_1683 : memref<32xf32, #tpu.memory_space<hbm>>) target(%arg8 : memref<32xf32, #tpu.memory_space<vmem>>) target_semaphore(%run_scoped3A : memref<!tpu.dma_semaphore, #tpu.memory_space<semaphore_mem>>)
      %dma_wait3A_1684 = tpu.memref_slice %arg3[%mul3A_2] : memref<1024xf32, #tpu.memory_space<hbm>> -> memref<32xf32, #tpu.memory_space<hbm>>
      %dma_wait3A_1685 = tpu.memref_slice %arg3[%mul3A_2] : memref<1024xf32, #tpu.memory_space<hbm>> -> memref<32xf32, #tpu.memory_space<hbm>>
      tpu.wait_dma2 semaphore(%run_scoped3A : memref<!tpu.dma_semaphore, #tpu.memory_space<semaphore_mem>>) src(%dma_wait3A_1685 : memref<32xf32, #tpu.memory_space<hbm>>) dst(%arg8 : memref<32xf32, #tpu.memory_space<vmem>>)
      tpu.yield
    }) : () -> ()
    %get3A = arith.constant 0 : index
    %get3A_3 = tpu.vector_load %arg7[%get3A] {strides = array<i32>} : memref<32xf32, #tpu.memory_space<vmem>>, vector<16xf32>,
    %get3A_4 = vector.shape_cast %get3A_3 : vector<16xf32> to vector<16xf32>
    %get3A_5 = arith.constant 0 : index
    %get3A_6 = tpu.vector_load %arg8[%get3A_5] {strides = array<i32>} : memref<32xf32, #tpu.memory_space<vmem>>, vector<16xf32>,
    %get3A_7 = vector.shape_cast %get3A_6 : vector<16xf32> to vector<16xf32>
    %mul3A_8 = arith.constant 6.250000e-02 : f32
    %mul3A_9 = vector.broadcast %mul3A_8 : f32 to vector<16xf32>
    %mul3A_10 = arith.mulf %get3A_7, %mul3A_9 : vector<16xf32>
    %sub3A = arith.constant 5.000000e-01 : f32
    %sub3A_11 = vector.broadcast %sub3A : f32 to vector<16xf32>
    %sub3A_12 = arith.subf %mul3A_10, %sub3A_11 : vector<16xf32>
    %mul3A_13 = arith.constant 6.250000e-02 : f32
    %mul3A_14 = vector.broadcast %mul3A_13 : f32 to vector<16xf32>
    %mul3A_15 = arith.mulf %get3A_4, %mul3A_14 : vector<16xf32>
    %sub3A_16 = arith.constant 5.000000e-01 : f32
    %sub3A_17 = vector.broadcast %sub3A_16 : f32 to vector<16xf32>
    %sub3A_18 = arith.subf %mul3A_15, %sub3A_17 : vector<16xf32>
    %convert_element_type3A = arith.fptosi %sub3A_18 : vector<16xf32> to vector<16xi32>
    %convert_element_type3A_19 = arith.sitofp %convert_element_type3A : vector<16xi32> to vector<16xf32>
    %gt3A = arith.cmpf ogt, %convert_element_type3A_19, %sub3A_18 : vector<16xf32>
    %sub3A_20 = arith.constant 1.000000e+00 : f32
    %sub3A_21 = vector.broadcast %sub3A_20 : f32 to vector<16xf32>
    %sub3A_22 = arith.subf %convert_element_type3A_19, %sub3A_21 : vector<16xf32>
    %select_n3A = arith.select %gt3A, %sub3A_22, %convert_element_type3A_19 : vector<16xi1>, vector<16xf32>
    %convert_element_type3A_23 = arith.fptosi %sub3A_12 : vector<16xf32> to vector<16xi32>
    %convert_element_type3A_24 = arith.sitofp %convert_element_type3A_23 : vector<16xi32> to vector<16xf32>
    %gt3A_25 = arith.cmpf ogt, %convert_element_type3A_24, %sub3A_12 : vector<16xf32>
    %sub3A_26 = arith.constant 1.000000e+00 : f32
    %sub3A_27 = vector.broadcast %sub3A_26 : f32 to vector<16xf32>
    %sub3A_28 = arith.subf %convert_element_type3A_24, %sub3A_27 : vector<16xf32>
    %select_n3A_29 = arith.select %gt3A_25, %sub3A_28, %convert_element_type3A_24 : vector<16xi1>, vector<16xf32>
    %sub3A_30 = arith.subf %sub3A_18, %select_n3A : vector<16xf32>
    %sub3A_31 = arith.constant 1.000000e+00 : f32
    %sub3A_32 = vector.broadcast %sub3A_31 : f32 to vector<16xf32>
    %sub3A_33 = arith.subf %sub3A_32, %sub3A_30 : vector<16xf32>
    %sub3A_34 = arith.subf %sub3A_12, %select_n3A_29 : vector<16xf32>
    %sub3A_35 = arith.constant 1.000000e+00 : f32
    %sub3A_36 = vector.broadcast %sub3A_35 : f32 to vector<16xf32>
    %sub3A_37 = arith.subf %sub3A_36, %sub3A_34 : vector<16xf32>
    %mul3A_38 = arith.mulf %sub3A_37, %sub3A_33 : vector<16xf32>
    %add3A_39 = arith.constant 1.000000e+00 : f32
    %add3A_40 = vector.broadcast %add3A_39 : f32 to vector<16xf32>
    %add3A_41 = arith.addf %select_n3A, %add3A_40 : vector<16xf32>
    %mul3A_42 = arith.mulf %sub3A_37, %sub3A_30 : vector<16xf32>
    %add3A_43 = arith.constant 1.000000e+00 : f32
    %add3A_44 = vector.broadcast %add3A_43 : f32 to vector<16xf32>
    %add3A_45 = arith.addf %select_n3A_29, %add3A_44 : vector<16xf32>
    %mul3A_46 = arith.mulf %sub3A_34, %sub3A_33 : vector<16xf32>
    %add3A_47 = arith.constant 1.000000e+00 : f32
    %add3A_48 = vector.broadcast %add3A_47 : f32 to vector<16xf32>
    %add3A_49 = arith.addf %select_n3A_29, %add3A_48 : vector<16xf32>
    %add3A_50 = arith.constant 1.000000e+00 : f32
    %add3A_51 = vector.broadcast %add3A_50 : f32 to vector<16xf32>
    %add3A_52 = arith.addf %select_n3A, %add3A_51 : vector<16xf32>
    %mul3A_53 = arith.mulf %sub3A_34, %sub3A_30 : vector<16xf32>
    %ge3A = arith.constant 0.000000e+00 : f32
    %ge3A_54 = vector.broadcast %ge3A : f32 to vector<16xf32>
    %ge3A_55 = arith.cmpf oge, %select_n3A_29, %ge3A_54 : vector<16xf32>
    %le3A = arith.constant 3.100000e+01 : f32
    %le3A_56 = vector.broadcast %le3A : f32 to vector<16xf32>
    %le3A_57 = arith.cmpf ole, %select_n3A_29, %le3A_56 : vector<16xf32>
    %and3A = arith.andi %ge3A_55, %le3A_57 : vector<16xi1>
    %ge3A_58 = arith.constant 0.000000e+00 : f32
    %ge3A_59 = vector.broadcast %ge3A_58 : f32 to vector<16xf32>
    %ge3A_60 = arith.cmpf oge, %select_n3A, %ge3A_59 : vector<16xf32>
    %and3A_61 = arith.andi %and3A, %ge3A_60 : vector<16xi1>
    %le3A_62 = arith.constant 3.100000e+01 : f32
    %le3A_63 = vector.broadcast %le3A_62 : f32 to vector<16xf32>
    %le3A_64 = arith.cmpf ole, %select_n3A, %le3A_63 : vector<16xf32>
    %and3A_65 = arith.andi %and3A_61, %le3A_64 : vector<16xi1>
    %max3A = arith.constant 0.000000e+00 : f32
    %max3A_66 = vector.broadcast %max3A : f32 to vector<16xf32>
    %max3A_67 = arith.maximumf %select_n3A_29, %max3A_66 : vector<16xf32>
    %min3A = arith.constant 3.100000e+01 : f32
    %min3A_68 = vector.broadcast %min3A : f32 to vector<16xf32>
    %min3A_69 = arith.minimumf %max3A_67, %min3A_68 : vector<16xf32>
    %convert_element_type3A_70 = arith.fptosi %min3A_69 : vector<16xf32> to vector<16xi32>
    %max3A_71 = arith.constant 0.000000e+00 : f32
    %max3A_72 = vector.broadcast %max3A_71 : f32 to vector<16xf32>
    %max3A_73 = arith.maximumf %select_n3A, %max3A_72 : vector<16xf32>
    %min3A_74 = arith.constant 3.100000e+01 : f32
    %min3A_75 = vector.broadcast %min3A_74 : f32 to vector<16xf32>
    %min3A_76 = arith.minimumf %max3A_73, %min3A_75 : vector<16xf32>
    %convert_element_type3A_77 = arith.fptosi %min3A_76 : vector<16xf32> to vector<16xi32>
    %jit3A = arith.constant 0.000000e+00 : f32
    %broadcast_in_dim3A = vector.broadcast %jit3A : f32 to vector<16xf32>
    %select_n3A_78 = arith.select %and3A_65, %mul3A_38, %broadcast_in_dim3A : vector<16xi1>, vector<16xf32>
    %swap3A = arith.constant 0 : index
    %swap3A_79 = tpu.vector_load %arg11[%swap3A] {strides = array<i32>} : memref<144xf32, #tpu.memory_space<vmem>>, vector<16xf32>,
    %swap3A_80 = vector.shape_cast %swap3A_79 : vector<16xf32> to vector<16xf32>
    %swap3A_81 = vector.shape_cast %select_n3A_78 : vector<16xf32> to vector<16xf32>
    tpu.vector_store %arg11[%swap3A], %swap3A_81 {strides = array<i32>} : memref<144xf32, #tpu.memory_space<vmem>>, vector<16xf32>,
    %mul3A_82 = arith.constant 32 : i32
    %mul3A_83 = vector.broadcast %mul3A_82 : i32 to vector<16xi32>
    %mul3A_84 = arith.muli %convert_element_type3A_70, %mul3A_83 : vector<16xi32>
    %add3A_85 = arith.addi %mul3A_84, %convert_element_type3A_77 : vector<16xi32>
    %swap3A_86 = arith.constant 0 : index
    %swap3A_87 = tpu.vector_load %arg10[%swap3A_86] {strides = array<i32>} : memref<128xi32, #tpu.memory_space<vmem>>, vector<16xi32>,
    %swap3A_88 = vector.shape_cast %swap3A_87 : vector<16xi32> to vector<16xi32>
    %swap3A_89 = vector.shape_cast %add3A_85 : vector<16xi32> to vector<16xi32>
    tpu.vector_store %arg10[%swap3A_86], %swap3A_89 {strides = array<i32>} : memref<128xi32, #tpu.memory_space<vmem>>, vector<16xi32>,
    %ge3A_90 = arith.constant 0.000000e+00 : f32
    %ge3A_91 = vector.broadcast %ge3A_90 : f32 to vector<16xf32>
    %ge3A_92 = arith.cmpf oge, %select_n3A_29, %ge3A_91 : vector<16xf32>
    %le3A_93 = arith.constant 3.100000e+01 : f32
    %le3A_94 = vector.broadcast %le3A_93 : f32 to vector<16xf32>
    %le3A_95 = arith.cmpf ole, %select_n3A_29, %le3A_94 : vector<16xf32>
    %and3A_96 = arith.andi %ge3A_92, %le3A_95 : vector<16xi1>
    %ge3A_97 = arith.constant 0.000000e+00 : f32
    %ge3A_98 = vector.broadcast %ge3A_97 : f32 to vector<16xf32>
    %ge3A_99 = arith.cmpf oge, %add3A_41, %ge3A_98 : vector<16xf32>
    %and3A_100 = arith.andi %and3A_96, %ge3A_99 : vector<16xi1>
    %le3A_101 = arith.constant 3.100000e+01 : f32
    %le3A_102 = vector.broadcast %le3A_101 : f32 to vector<16xf32>
    %le3A_103 = arith.cmpf ole, %add3A_41, %le3A_102 : vector<16xf32>
    %and3A_104 = arith.andi %and3A_100, %le3A_103 : vector<16xi1>
    %max3A_105 = arith.constant 0.000000e+00 : f32
    %max3A_106 = vector.broadcast %max3A_105 : f32 to vector<16xf32>
    %max3A_107 = arith.maximumf %select_n3A_29, %max3A_106 : vector<16xf32>
    %min3A_108 = arith.constant 3.100000e+01 : f32
    %min3A_109 = vector.broadcast %min3A_108 : f32 to vector<16xf32>
    %min3A_110 = arith.minimumf %max3A_107, %min3A_109 : vector<16xf32>
    %convert_element_type3A_111 = arith.fptosi %min3A_110 : vector<16xf32> to vector<16xi32>
    %max3A_112 = arith.constant 0.000000e+00 : f32
    %max3A_113 = vector.broadcast %max3A_112 : f32 to vector<16xf32>
    %max3A_114 = arith.maximumf %add3A_41, %max3A_113 : vector<16xf32>
    %min3A_115 = arith.constant 3.100000e+01 : f32
    %min3A_116 = vector.broadcast %min3A_115 : f32 to vector<16xf32>
    %min3A_117 = arith.minimumf %max3A_114, %min3A_116 : vector<16xf32>
    %convert_element_type3A_118 = arith.fptosi %min3A_117 : vector<16xf32> to vector<16xi32>
    %jit3A_119 = arith.constant 0.000000e+00 : f32
    %broadcast_in_dim3A_120 = vector.broadcast %jit3A_119 : f32 to vector<16xf32>
    %select_n3A_121 = arith.select %and3A_104, %mul3A_42, %broadcast_in_dim3A_120 : vector<16xi1>, vector<16xf32>
    %swap3A_122 = arith.constant 32 : index
    %swap3A_123 = tpu.vector_load %arg11[%swap3A_122] {strides = array<i32>} : memref<144xf32, #tpu.memory_space<vmem>>, vector<16xf32>,
    %swap3A_124 = vector.shape_cast %swap3A_123 : vector<16xf32> to vector<16xf32>
    %swap3A_125 = vector.shape_cast %select_n3A_121 : vector<16xf32> to vector<16xf32>
    tpu.vector_store %arg11[%swap3A_122], %swap3A_125 {strides = array<i32>} : memref<144xf32, #tpu.memory_space<vmem>>, vector<16xf32>,
    %mul3A_126 = arith.constant 32 : i32
    %mul3A_127 = vector.broadcast %mul3A_126 : i32 to vector<16xi32>
    %mul3A_128 = arith.muli %convert_element_type3A_111, %mul3A_127 : vector<16xi32>
    %add3A_129 = arith.addi %mul3A_128, %convert_element_type3A_118 : vector<16xi32>
    %swap3A_130 = arith.constant 32 : index
    %swap3A_131 = tpu.vector_load %arg10[%swap3A_130] {strides = array<i32>} : memref<128xi32, #tpu.memory_space<vmem>>, vector<16xi32>,
    %swap3A_132 = vector.shape_cast %swap3A_131 : vector<16xi32> to vector<16xi32>
    %swap3A_133 = vector.shape_cast %add3A_129 : vector<16xi32> to vector<16xi32>
    tpu.vector_store %arg10[%swap3A_130], %swap3A_133 {strides = array<i32>} : memref<128xi32, #tpu.memory_space<vmem>>, vector<16xi32>,
    %ge3A_134 = arith.constant 0.000000e+00 : f32
    %ge3A_135 = vector.broadcast %ge3A_134 : f32 to vector<16xf32>
    %ge3A_136 = arith.cmpf oge, %add3A_45, %ge3A_135 : vector<16xf32>
    %le3A_137 = arith.constant 3.100000e+01 : f32
    %le3A_138 = vector.broadcast %le3A_137 : f32 to vector<16xf32>
    %le3A_139 = arith.cmpf ole, %add3A_45, %le3A_138 : vector<16xf32>
    %and3A_140 = arith.andi %ge3A_136, %le3A_139 : vector<16xi1>
    %ge3A_141 = arith.constant 0.000000e+00 : f32
    %ge3A_142 = vector.broadcast %ge3A_141 : f32 to vector<16xf32>
    %ge3A_143 = arith.cmpf oge, %select_n3A, %ge3A_142 : vector<16xf32>
    %and3A_144 = arith.andi %and3A_140, %ge3A_143 : vector<16xi1>
    %le3A_145 = arith.constant 3.100000e+01 : f32
    %le3A_146 = vector.broadcast %le3A_145 : f32 to vector<16xf32>
    %le3A_147 = arith.cmpf ole, %select_n3A, %le3A_146 : vector<16xf32>
    %and3A_148 = arith.andi %and3A_144, %le3A_147 : vector<16xi1>
    %max3A_149 = arith.constant 0.000000e+00 : f32
    %max3A_150 = vector.broadcast %max3A_149 : f32 to vector<16xf32>
    %max3A_151 = arith.maximumf %add3A_45, %max3A_150 : vector<16xf32>
    %min3A_152 = arith.constant 3.100000e+01 : f32
    %min3A_153 = vector.broadcast %min3A_152 : f32 to vector<16xf32>
    %min3A_154 = arith.minimumf %max3A_151, %min3A_153 : vector<16xf32>
    %convert_element_type3A_155 = arith.fptosi %min3A_154 : vector<16xf32> to vector<16xi32>
    %max3A_156 = arith.constant 0.000000e+00 : f32
    %max3A_157 = vector.broadcast %max3A_156 : f32 to vector<16xf32>
    %max3A_158 = arith.maximumf %select_n3A, %max3A_157 : vector<16xf32>
    %min3A_159 = arith.constant 3.100000e+01 : f32
    %min3A_160 = vector.broadcast %min3A_159 : f32 to vector<16xf32>
    %min3A_161 = arith.minimumf %max3A_158, %min3A_160 : vector<16xf32>
    %convert_element_type3A_162 = arith.fptosi %min3A_161 : vector<16xf32> to vector<16xi32>
    %jit3A_163 = arith.constant 0.000000e+00 : f32
    %broadcast_in_dim3A_164 = vector.broadcast %jit3A_163 : f32 to vector<16xf32>
    %select_n3A_165 = arith.select %and3A_148, %mul3A_46, %broadcast_in_dim3A_164 : vector<16xi1>, vector<16xf32>
    %swap3A_166 = arith.constant 64 : index
    %swap3A_167 = tpu.vector_load %arg11[%swap3A_166] {strides = array<i32>} : memref<144xf32, #tpu.memory_space<vmem>>, vector<16xf32>,
    %swap3A_168 = vector.shape_cast %swap3A_167 : vector<16xf32> to vector<16xf32>
    %swap3A_169 = vector.shape_cast %select_n3A_165 : vector<16xf32> to vector<16xf32>
    tpu.vector_store %arg11[%swap3A_166], %swap3A_169 {strides = array<i32>} : memref<144xf32, #tpu.memory_space<vmem>>, vector<16xf32>,
    %mul3A_170 = arith.constant 32 : i32
    %mul3A_171 = vector.broadcast %mul3A_170 : i32 to vector<16xi32>
    %mul3A_172 = arith.muli %convert_element_type3A_155, %mul3A_171 : vector<16xi32>
    %add3A_173 = arith.addi %mul3A_172, %convert_element_type3A_162 : vector<16xi32>
    %swap3A_174 = arith.constant 64 : index
    %swap3A_175 = tpu.vector_load %arg10[%swap3A_174] {strides = array<i32>} : memref<128xi32, #tpu.memory_space<vmem>>, vector<16xi32>,
    %swap3A_176 = vector.shape_cast %swap3A_175 : vector<16xi32> to vector<16xi32>
    %swap3A_177 = vector.shape_cast %add3A_173 : vector<16xi32> to vector<16xi32>
    tpu.vector_store %arg10[%swap3A_174], %swap3A_177 {strides = array<i32>} : memref<128xi32, #tpu.memory_space<vmem>>, vector<16xi32>,
    %ge3A_178 = arith.constant 0.000000e+00 : f32
    %ge3A_179 = vector.broadcast %ge3A_178 : f32 to vector<16xf32>
    %ge3A_180 = arith.cmpf oge, %add3A_49, %ge3A_179 : vector<16xf32>
    %le3A_181 = arith.constant 3.100000e+01 : f32
    %le3A_182 = vector.broadcast %le3A_181 : f32 to vector<16xf32>
    %le3A_183 = arith.cmpf ole, %add3A_49, %le3A_182 : vector<16xf32>
    %and3A_184 = arith.andi %ge3A_180, %le3A_183 : vector<16xi1>
    %ge3A_185 = arith.constant 0.000000e+00 : f32
    %ge3A_186 = vector.broadcast %ge3A_185 : f32 to vector<16xf32>
    %ge3A_187 = arith.cmpf oge, %add3A_52, %ge3A_186 : vector<16xf32>
    %and3A_188 = arith.andi %and3A_184, %ge3A_187 : vector<16xi1>
    %le3A_189 = arith.constant 3.100000e+01 : f32
    %le3A_190 = vector.broadcast %le3A_189 : f32 to vector<16xf32>
    %le3A_191 = arith.cmpf ole, %add3A_52, %le3A_190 : vector<16xf32>
    %and3A_192 = arith.andi %and3A_188, %le3A_191 : vector<16xi1>
    %max3A_193 = arith.constant 0.000000e+00 : f32
    %max3A_194 = vector.broadcast %max3A_193 : f32 to vector<16xf32>
    %max3A_195 = arith.maximumf %add3A_49, %max3A_194 : vector<16xf32>
    %min3A_196 = arith.constant 3.100000e+01 : f32
    %min3A_197 = vector.broadcast %min3A_196 : f32 to vector<16xf32>
    %min3A_198 = arith.minimumf %max3A_195, %min3A_197 : vector<16xf32>
    %convert_element_type3A_199 = arith.fptosi %min3A_198 : vector<16xf32> to vector<16xi32>
    %max3A_200 = arith.constant 0.000000e+00 : f32
    %max3A_201 = vector.broadcast %max3A_200 : f32 to vector<16xf32>
    %max3A_202 = arith.maximumf %add3A_52, %max3A_201 : vector<16xf32>
    %min3A_203 = arith.constant 3.100000e+01 : f32
    %min3A_204 = vector.broadcast %min3A_203 : f32 to vector<16xf32>
    %min3A_205 = arith.minimumf %max3A_202, %min3A_204 : vector<16xf32>
    %convert_element_type3A_206 = arith.fptosi %min3A_205 : vector<16xf32> to vector<16xi32>
    %jit3A_207 = arith.constant 0.000000e+00 : f32
    %broadcast_in_dim3A_208 = vector.broadcast %jit3A_207 : f32 to vector<16xf32>
    %select_n3A_209 = arith.select %and3A_192, %mul3A_53, %broadcast_in_dim3A_208 : vector<16xi1>, vector<16xf32>
    %swap3A_210 = arith.constant 96 : index
    %swap3A_211 = tpu.vector_load %arg11[%swap3A_210] {strides = array<i32>} : memref<144xf32, #tpu.memory_space<vmem>>, vector<16xf32>,
    %swap3A_212 = vector.shape_cast %swap3A_211 : vector<16xf32> to vector<16xf32>
    %swap3A_213 = vector.shape_cast %select_n3A_209 : vector<16xf32> to vector<16xf32>
    tpu.vector_store %arg11[%swap3A_210], %swap3A_213 {strides = array<i32>} : memref<144xf32, #tpu.memory_space<vmem>>, vector<16xf32>,
    %mul3A_214 = arith.constant 32 : i32
    %mul3A_215 = vector.broadcast %mul3A_214 : i32 to vector<16xi32>
    %mul3A_216 = arith.muli %convert_element_type3A_199, %mul3A_215 : vector<16xi32>
    %add3A_217 = arith.addi %mul3A_216, %convert_element_type3A_206 : vector<16xi32>
    %swap3A_218 = arith.constant 96 : index
    %swap3A_219 = tpu.vector_load %arg10[%swap3A_218] {strides = array<i32>} : memref<128xi32, #tpu.memory_space<vmem>>, vector<16xi32>,
    %swap3A_220 = vector.shape_cast %swap3A_219 : vector<16xi32> to vector<16xi32>
    %swap3A_221 = vector.shape_cast %add3A_217 : vector<16xi32> to vector<16xi32>
    tpu.vector_store %arg10[%swap3A_218], %swap3A_221 {strides = array<i32>} : memref<128xi32, #tpu.memory_space<vmem>>, vector<16xi32>,
    %get3A_222 = arith.constant 16 : index
    %get3A_223 = tpu.vector_load %arg7[%get3A_222] {strides = array<i32>} : memref<32xf32, #tpu.memory_space<vmem>>, vector<16xf32>,
    %get3A_224 = vector.shape_cast %get3A_223 : vector<16xf32> to vector<16xf32>
    %get3A_225 = arith.constant 16 : index
    %get3A_226 = tpu.vector_load %arg8[%get3A_225] {strides = array<i32>} : memref<32xf32, #tpu.memory_space<vmem>>, vector<16xf32>,
    %get3A_227 = vector.shape_cast %get3A_226 : vector<16xf32> to vector<16xf32>
    %mul3A_228 = arith.constant 6.250000e-02 : f32
    %mul3A_229 = vector.broadcast %mul3A_228 : f32 to vector<16xf32>
    %mul3A_230 = arith.mulf %get3A_227, %mul3A_229 : vector<16xf32>
    %sub3A_231 = arith.constant 5.000000e-01 : f32
    %sub3A_232 = vector.broadcast %sub3A_231 : f32 to vector<16xf32>
    %sub3A_233 = arith.subf %mul3A_230, %sub3A_232 : vector<16xf32>
    %mul3A_234 = arith.constant 6.250000e-02 : f32
    %mul3A_235 = vector.broadcast %mul3A_234 : f32 to vector<16xf32>
    %mul3A_236 = arith.mulf %get3A_224, %mul3A_235 : vector<16xf32>
    %sub3A_237 = arith.constant 5.000000e-01 : f32
    %sub3A_238 = vector.broadcast %sub3A_237 : f32 to vector<16xf32>
    %sub3A_239 = arith.subf %mul3A_236, %sub3A_238 : vector<16xf32>
    %convert_element_type3A_240 = arith.fptosi %sub3A_239 : vector<16xf32> to vector<16xi32>
    %convert_element_type3A_241 = arith.sitofp %convert_element_type3A_240 : vector<16xi32> to vector<16xf32>
    %gt3A_242 = arith.cmpf ogt, %convert_element_type3A_241, %sub3A_239 : vector<16xf32>
    %sub3A_243 = arith.constant 1.000000e+00 : f32
    %sub3A_244 = vector.broadcast %sub3A_243 : f32 to vector<16xf32>
    %sub3A_245 = arith.subf %convert_element_type3A_241, %sub3A_244 : vector<16xf32>
    %select_n3A_246 = arith.select %gt3A_242, %sub3A_245, %convert_element_type3A_241 : vector<16xi1>, vector<16xf32>
    %convert_element_type3A_247 = arith.fptosi %sub3A_233 : vector<16xf32> to vector<16xi32>
    %convert_element_type3A_248 = arith.sitofp %convert_element_type3A_247 : vector<16xi32> to vector<16xf32>
    %gt3A_249 = arith.cmpf ogt, %convert_element_type3A_248, %sub3A_233 : vector<16xf32>
    %sub3A_250 = arith.constant 1.000000e+00 : f32
    %sub3A_251 = vector.broadcast %sub3A_250 : f32 to vector<16xf32>
    %sub3A_252 = arith.subf %convert_element_type3A_248, %sub3A_251 : vector<16xf32>
    %select_n3A_253 = arith.select %gt3A_249, %sub3A_252, %convert_element_type3A_248 : vector<16xi1>, vector<16xf32>
    %sub3A_254 = arith.subf %sub3A_239, %select_n3A_246 : vector<16xf32>
    %sub3A_255 = arith.constant 1.000000e+00 : f32
    %sub3A_256 = vector.broadcast %sub3A_255 : f32 to vector<16xf32>
    %sub3A_257 = arith.subf %sub3A_256, %sub3A_254 : vector<16xf32>
    %sub3A_258 = arith.subf %sub3A_233, %select_n3A_253 : vector<16xf32>
    %sub3A_259 = arith.constant 1.000000e+00 : f32
    %sub3A_260 = vector.broadcast %sub3A_259 : f32 to vector<16xf32>
    %sub3A_261 = arith.subf %sub3A_260, %sub3A_258 : vector<16xf32>
    %mul3A_262 = arith.mulf %sub3A_261, %sub3A_257 : vector<16xf32>
    %add3A_263 = arith.constant 1.000000e+00 : f32
    %add3A_264 = vector.broadcast %add3A_263 : f32 to vector<16xf32>
    %add3A_265 = arith.addf %select_n3A_246, %add3A_264 : vector<16xf32>
    %mul3A_266 = arith.mulf %sub3A_261, %sub3A_254 : vector<16xf32>
    %add3A_267 = arith.constant 1.000000e+00 : f32
    %add3A_268 = vector.broadcast %add3A_267 : f32 to vector<16xf32>
    %add3A_269 = arith.addf %select_n3A_253, %add3A_268 : vector<16xf32>
    %mul3A_270 = arith.mulf %sub3A_258, %sub3A_257 : vector<16xf32>
    %add3A_271 = arith.constant 1.000000e+00 : f32
    %add3A_272 = vector.broadcast %add3A_271 : f32 to vector<16xf32>
    %add3A_273 = arith.addf %select_n3A_253, %add3A_272 : vector<16xf32>
    %add3A_274 = arith.constant 1.000000e+00 : f32
    %add3A_275 = vector.broadcast %add3A_274 : f32 to vector<16xf32>
    %add3A_276 = arith.addf %select_n3A_246, %add3A_275 : vector<16xf32>
    %mul3A_277 = arith.mulf %sub3A_258, %sub3A_254 : vector<16xf32>
    %ge3A_278 = arith.constant 0.000000e+00 : f32
    %ge3A_279 = vector.broadcast %ge3A_278 : f32 to vector<16xf32>
    %ge3A_280 = arith.cmpf oge, %select_n3A_253, %ge3A_279 : vector<16xf32>
    %le3A_281 = arith.constant 3.100000e+01 : f32
    %le3A_282 = vector.broadcast %le3A_281 : f32 to vector<16xf32>
    %le3A_283 = arith.cmpf ole, %select_n3A_253, %le3A_282 : vector<16xf32>
    %and3A_284 = arith.andi %ge3A_280, %le3A_283 : vector<16xi1>
    %ge3A_285 = arith.constant 0.000000e+00 : f32
    %ge3A_286 = vector.broadcast %ge3A_285 : f32 to vector<16xf32>
    %ge3A_287 = arith.cmpf oge, %select_n3A_246, %ge3A_286 : vector<16xf32>
    %and3A_288 = arith.andi %and3A_284, %ge3A_287 : vector<16xi1>
    %le3A_289 = arith.constant 3.100000e+01 : f32
    %le3A_290 = vector.broadcast %le3A_289 : f32 to vector<16xf32>
    %le3A_291 = arith.cmpf ole, %select_n3A_246, %le3A_290 : vector<16xf32>
    %and3A_292 = arith.andi %and3A_288, %le3A_291 : vector<16xi1>
    %max3A_293 = arith.constant 0.000000e+00 : f32
    %max3A_294 = vector.broadcast %max3A_293 : f32 to vector<16xf32>
    %max3A_295 = arith.maximumf %select_n3A_253, %max3A_294 : vector<16xf32>
    %min3A_296 = arith.constant 3.100000e+01 : f32
    %min3A_297 = vector.broadcast %min3A_296 : f32 to vector<16xf32>
    %min3A_298 = arith.minimumf %max3A_295, %min3A_297 : vector<16xf32>
    %convert_element_type3A_299 = arith.fptosi %min3A_298 : vector<16xf32> to vector<16xi32>
    %max3A_300 = arith.constant 0.000000e+00 : f32
    %max3A_301 = vector.broadcast %max3A_300 : f32 to vector<16xf32>
    %max3A_302 = arith.maximumf %select_n3A_246, %max3A_301 : vector<16xf32>
    %min3A_303 = arith.constant 3.100000e+01 : f32
    %min3A_304 = vector.broadcast %min3A_303 : f32 to vector<16xf32>
    %min3A_305 = arith.minimumf %max3A_302, %min3A_304 : vector<16xf32>
    %convert_element_type3A_306 = arith.fptosi %min3A_305 : vector<16xf32> to vector<16xi32>
    %jit3A_307 = arith.constant 0.000000e+00 : f32
    %broadcast_in_dim3A_308 = vector.broadcast %jit3A_307 : f32 to vector<16xf32>
    %select_n3A_309 = arith.select %and3A_292, %mul3A_262, %broadcast_in_dim3A_308 : vector<16xi1>, vector<16xf32>
    %swap3A_310 = arith.constant 16 : index
    %swap3A_311 = tpu.vector_load %arg11[%swap3A_310] {strides = array<i32>} : memref<144xf32, #tpu.memory_space<vmem>>, vector<16xf32>,
    %swap3A_312 = vector.shape_cast %swap3A_311 : vector<16xf32> to vector<16xf32>
    %swap3A_313 = vector.shape_cast %select_n3A_309 : vector<16xf32> to vector<16xf32>
    tpu.vector_store %arg11[%swap3A_310], %swap3A_313 {strides = array<i32>} : memref<144xf32, #tpu.memory_space<vmem>>, vector<16xf32>,
    %mul3A_314 = arith.constant 32 : i32
    %mul3A_315 = vector.broadcast %mul3A_314 : i32 to vector<16xi32>
    %mul3A_316 = arith.muli %convert_element_type3A_299, %mul3A_315 : vector<16xi32>
    %add3A_317 = arith.addi %mul3A_316, %convert_element_type3A_306 : vector<16xi32>
    %swap3A_318 = arith.constant 16 : index
    %swap3A_319 = tpu.vector_load %arg10[%swap3A_318] {strides = array<i32>} : memref<128xi32, #tpu.memory_space<vmem>>, vector<16xi32>,
    %swap3A_320 = vector.shape_cast %swap3A_319 : vector<16xi32> to vector<16xi32>
    %swap3A_321 = vector.shape_cast %add3A_317 : vector<16xi32> to vector<16xi32>
    tpu.vector_store %arg10[%swap3A_318], %swap3A_321 {strides = array<i32>} : memref<128xi32, #tpu.memory_space<vmem>>, vector<16xi32>,
    %ge3A_322 = arith.constant 0.000000e+00 : f32
    %ge3A_323 = vector.broadcast %ge3A_322 : f32 to vector<16xf32>
    %ge3A_324 = arith.cmpf oge, %select_n3A_253, %ge3A_323 : vector<16xf32>
    %le3A_325 = arith.constant 3.100000e+01 : f32
    %le3A_326 = vector.broadcast %le3A_325 : f32 to vector<16xf32>
    %le3A_327 = arith.cmpf ole, %select_n3A_253, %le3A_326 : vector<16xf32>
    %and3A_328 = arith.andi %ge3A_324, %le3A_327 : vector<16xi1>
    %ge3A_329 = arith.constant 0.000000e+00 : f32
    %ge3A_330 = vector.broadcast %ge3A_329 : f32 to vector<16xf32>
    %ge3A_331 = arith.cmpf oge, %add3A_265, %ge3A_330 : vector<16xf32>
    %and3A_332 = arith.andi %and3A_328, %ge3A_331 : vector<16xi1>
    %le3A_333 = arith.constant 3.100000e+01 : f32
    %le3A_334 = vector.broadcast %le3A_333 : f32 to vector<16xf32>
    %le3A_335 = arith.cmpf ole, %add3A_265, %le3A_334 : vector<16xf32>
    %and3A_336 = arith.andi %and3A_332, %le3A_335 : vector<16xi1>
    %max3A_337 = arith.constant 0.000000e+00 : f32
    %max3A_338 = vector.broadcast %max3A_337 : f32 to vector<16xf32>
    %max3A_339 = arith.maximumf %select_n3A_253, %max3A_338 : vector<16xf32>
    %min3A_340 = arith.constant 3.100000e+01 : f32
    %min3A_341 = vector.broadcast %min3A_340 : f32 to vector<16xf32>
    %min3A_342 = arith.minimumf %max3A_339, %min3A_341 : vector<16xf32>
    %convert_element_type3A_343 = arith.fptosi %min3A_342 : vector<16xf32> to vector<16xi32>
    %max3A_344 = arith.constant 0.000000e+00 : f32
    %max3A_345 = vector.broadcast %max3A_344 : f32 to vector<16xf32>
    %max3A_346 = arith.maximumf %add3A_265, %max3A_345 : vector<16xf32>
    %min3A_347 = arith.constant 3.100000e+01 : f32
    %min3A_348 = vector.broadcast %min3A_347 : f32 to vector<16xf32>
    %min3A_349 = arith.minimumf %max3A_346, %min3A_348 : vector<16xf32>
    %convert_element_type3A_350 = arith.fptosi %min3A_349 : vector<16xf32> to vector<16xi32>
    %jit3A_351 = arith.constant 0.000000e+00 : f32
    %broadcast_in_dim3A_352 = vector.broadcast %jit3A_351 : f32 to vector<16xf32>
    %select_n3A_353 = arith.select %and3A_336, %mul3A_266, %broadcast_in_dim3A_352 : vector<16xi1>, vector<16xf32>
    %swap3A_354 = arith.constant 48 : index
    %swap3A_355 = tpu.vector_load %arg11[%swap3A_354] {strides = array<i32>} : memref<144xf32, #tpu.memory_space<vmem>>, vector<16xf32>,
    %swap3A_356 = vector.shape_cast %swap3A_355 : vector<16xf32> to vector<16xf32>
    %swap3A_357 = vector.shape_cast %select_n3A_353 : vector<16xf32> to vector<16xf32>
    tpu.vector_store %arg11[%swap3A_354], %swap3A_357 {strides = array<i32>} : memref<144xf32, #tpu.memory_space<vmem>>, vector<16xf32>,
    %mul3A_358 = arith.constant 32 : i32
    %mul3A_359 = vector.broadcast %mul3A_358 : i32 to vector<16xi32>
    %mul3A_360 = arith.muli %convert_element_type3A_343, %mul3A_359 : vector<16xi32>
    %add3A_361 = arith.addi %mul3A_360, %convert_element_type3A_350 : vector<16xi32>
    %swap3A_362 = arith.constant 48 : index
    %swap3A_363 = tpu.vector_load %arg10[%swap3A_362] {strides = array<i32>} : memref<128xi32, #tpu.memory_space<vmem>>, vector<16xi32>,
    %swap3A_364 = vector.shape_cast %swap3A_363 : vector<16xi32> to vector<16xi32>
    %swap3A_365 = vector.shape_cast %add3A_361 : vector<16xi32> to vector<16xi32>
    tpu.vector_store %arg10[%swap3A_362], %swap3A_365 {strides = array<i32>} : memref<128xi32, #tpu.memory_space<vmem>>, vector<16xi32>,
    %ge3A_366 = arith.constant 0.000000e+00 : f32
    %ge3A_367 = vector.broadcast %ge3A_366 : f32 to vector<16xf32>
    %ge3A_368 = arith.cmpf oge, %add3A_269, %ge3A_367 : vector<16xf32>
    %le3A_369 = arith.constant 3.100000e+01 : f32
    %le3A_370 = vector.broadcast %le3A_369 : f32 to vector<16xf32>
    %le3A_371 = arith.cmpf ole, %add3A_269, %le3A_370 : vector<16xf32>
    %and3A_372 = arith.andi %ge3A_368, %le3A_371 : vector<16xi1>
    %ge3A_373 = arith.constant 0.000000e+00 : f32
    %ge3A_374 = vector.broadcast %ge3A_373 : f32 to vector<16xf32>
    %ge3A_375 = arith.cmpf oge, %select_n3A_246, %ge3A_374 : vector<16xf32>
    %and3A_376 = arith.andi %and3A_372, %ge3A_375 : vector<16xi1>
    %le3A_377 = arith.constant 3.100000e+01 : f32
    %le3A_378 = vector.broadcast %le3A_377 : f32 to vector<16xf32>
    %le3A_379 = arith.cmpf ole, %select_n3A_246, %le3A_378 : vector<16xf32>
    %and3A_380 = arith.andi %and3A_376, %le3A_379 : vector<16xi1>
    %max3A_381 = arith.constant 0.000000e+00 : f32
    %max3A_382 = vector.broadcast %max3A_381 : f32 to vector<16xf32>
    %max3A_383 = arith.maximumf %add3A_269, %max3A_382 : vector<16xf32>
    %min3A_384 = arith.constant 3.100000e+01 : f32
    %min3A_385 = vector.broadcast %min3A_384 : f32 to vector<16xf32>
    %min3A_386 = arith.minimumf %max3A_383, %min3A_385 : vector<16xf32>
    %convert_element_type3A_387 = arith.fptosi %min3A_386 : vector<16xf32> to vector<16xi32>
    %max3A_388 = arith.constant 0.000000e+00 : f32
    %max3A_389 = vector.broadcast %max3A_388 : f32 to vector<16xf32>
    %max3A_390 = arith.maximumf %select_n3A_246, %max3A_389 : vector<16xf32>
    %min3A_391 = arith.constant 3.100000e+01 : f32
    %min3A_392 = vector.broadcast %min3A_391 : f32 to vector<16xf32>
    %min3A_393 = arith.minimumf %max3A_390, %min3A_392 : vector<16xf32>
    %convert_element_type3A_394 = arith.fptosi %min3A_393 : vector<16xf32> to vector<16xi32>
    %jit3A_395 = arith.constant 0.000000e+00 : f32
    %broadcast_in_dim3A_396 = vector.broadcast %jit3A_395 : f32 to vector<16xf32>
    %select_n3A_397 = arith.select %and3A_380, %mul3A_270, %broadcast_in_dim3A_396 : vector<16xi1>, vector<16xf32>
    %swap3A_398 = arith.constant 80 : index
    %swap3A_399 = tpu.vector_load %arg11[%swap3A_398] {strides = array<i32>} : memref<144xf32, #tpu.memory_space<vmem>>, vector<16xf32>,
    %swap3A_400 = vector.shape_cast %swap3A_399 : vector<16xf32> to vector<16xf32>
    %swap3A_401 = vector.shape_cast %select_n3A_397 : vector<16xf32> to vector<16xf32>
    tpu.vector_store %arg11[%swap3A_398], %swap3A_401 {strides = array<i32>} : memref<144xf32, #tpu.memory_space<vmem>>, vector<16xf32>,
    %mul3A_402 = arith.constant 32 : i32
    %mul3A_403 = vector.broadcast %mul3A_402 : i32 to vector<16xi32>
    %mul3A_404 = arith.muli %convert_element_type3A_387, %mul3A_403 : vector<16xi32>
    %add3A_405 = arith.addi %mul3A_404, %convert_element_type3A_394 : vector<16xi32>
    %swap3A_406 = arith.constant 80 : index
    %swap3A_407 = tpu.vector_load %arg10[%swap3A_406] {strides = array<i32>} : memref<128xi32, #tpu.memory_space<vmem>>, vector<16xi32>,
    %swap3A_408 = vector.shape_cast %swap3A_407 : vector<16xi32> to vector<16xi32>
    %swap3A_409 = vector.shape_cast %add3A_405 : vector<16xi32> to vector<16xi32>
    tpu.vector_store %arg10[%swap3A_406], %swap3A_409 {strides = array<i32>} : memref<128xi32, #tpu.memory_space<vmem>>, vector<16xi32>,
    %ge3A_410 = arith.constant 0.000000e+00 : f32
    %ge3A_411 = vector.broadcast %ge3A_410 : f32 to vector<16xf32>
    %ge3A_412 = arith.cmpf oge, %add3A_273, %ge3A_411 : vector<16xf32>
    %le3A_413 = arith.constant 3.100000e+01 : f32
    %le3A_414 = vector.broadcast %le3A_413 : f32 to vector<16xf32>
    %le3A_415 = arith.cmpf ole, %add3A_273, %le3A_414 : vector<16xf32>
    %and3A_416 = arith.andi %ge3A_412, %le3A_415 : vector<16xi1>
    %ge3A_417 = arith.constant 0.000000e+00 : f32
    %ge3A_418 = vector.broadcast %ge3A_417 : f32 to vector<16xf32>
    %ge3A_419 = arith.cmpf oge, %add3A_276, %ge3A_418 : vector<16xf32>
    %and3A_420 = arith.andi %and3A_416, %ge3A_419 : vector<16xi1>
    %le3A_421 = arith.constant 3.100000e+01 : f32
    %le3A_422 = vector.broadcast %le3A_421 : f32 to vector<16xf32>
    %le3A_423 = arith.cmpf ole, %add3A_276, %le3A_422 : vector<16xf32>
    %and3A_424 = arith.andi %and3A_420, %le3A_423 : vector<16xi1>
    %max3A_425 = arith.constant 0.000000e+00 : f32
    %max3A_426 = vector.broadcast %max3A_425 : f32 to vector<16xf32>
    %max3A_427 = arith.maximumf %add3A_273, %max3A_426 : vector<16xf32>
    %min3A_428 = arith.constant 3.100000e+01 : f32
    %min3A_429 = vector.broadcast %min3A_428 : f32 to vector<16xf32>
    %min3A_430 = arith.minimumf %max3A_427, %min3A_429 : vector<16xf32>
    %convert_element_type3A_431 = arith.fptosi %min3A_430 : vector<16xf32> to vector<16xi32>
    %max3A_432 = arith.constant 0.000000e+00 : f32
    %max3A_433 = vector.broadcast %max3A_432 : f32 to vector<16xf32>
    %max3A_434 = arith.maximumf %add3A_276, %max3A_433 : vector<16xf32>
    %min3A_435 = arith.constant 3.100000e+01 : f32
    %min3A_436 = vector.broadcast %min3A_435 : f32 to vector<16xf32>
    %min3A_437 = arith.minimumf %max3A_434, %min3A_436 : vector<16xf32>
    %convert_element_type3A_438 = arith.fptosi %min3A_437 : vector<16xf32> to vector<16xi32>
    %jit3A_439 = arith.constant 0.000000e+00 : f32
    %broadcast_in_dim3A_440 = vector.broadcast %jit3A_439 : f32 to vector<16xf32>
    %select_n3A_441 = arith.select %and3A_424, %mul3A_277, %broadcast_in_dim3A_440 : vector<16xi1>, vector<16xf32>
    %swap3A_442 = arith.constant 112 : index
    %swap3A_443 = tpu.vector_load %arg11[%swap3A_442] {strides = array<i32>} : memref<144xf32, #tpu.memory_space<vmem>>, vector<16xf32>,
    %swap3A_444 = vector.shape_cast %swap3A_443 : vector<16xf32> to vector<16xf32>
    %swap3A_445 = vector.shape_cast %select_n3A_441 : vector<16xf32> to vector<16xf32>
    tpu.vector_store %arg11[%swap3A_442], %swap3A_445 {strides = array<i32>} : memref<144xf32, #tpu.memory_space<vmem>>, vector<16xf32>,
    %mul3A_446 = arith.constant 32 : i32
    %mul3A_447 = vector.broadcast %mul3A_446 : i32 to vector<16xi32>
    %mul3A_448 = arith.muli %convert_element_type3A_431, %mul3A_447 : vector<16xi32>
    %add3A_449 = arith.addi %mul3A_448, %convert_element_type3A_438 : vector<16xi32>
    %swap3A_450 = arith.constant 112 : index
    %swap3A_451 = tpu.vector_load %arg10[%swap3A_450] {strides = array<i32>} : memref<128xi32, #tpu.memory_space<vmem>>, vector<16xi32>,
    %swap3A_452 = vector.shape_cast %swap3A_451 : vector<16xi32> to vector<16xi32>
    %swap3A_453 = vector.shape_cast %add3A_449 : vector<16xi32> to vector<16xi32>
    tpu.vector_store %arg10[%swap3A_450], %swap3A_453 {strides = array<i32>} : memref<128xi32, #tpu.memory_space<vmem>>, vector<16xi32>,
    %dma_start3A = arith.constant 0 : i32
    %dma_start3A_454 = arith.constant 0 : i32
    %dma_start3A_455 = tpu.memref_slice %arg4[%dma_start3A, %dma_start3A_454] : memref<1024x256xf32, #tpu.memory_space<hbm>> -> memref<1024x256xf32, #tpu.memory_space<hbm>>
    tpu.enqueue_indirect_dma source(%dma_start3A_455 : memref<1024x256xf32, #tpu.memory_space<hbm>>) target(%arg12 : memref<128x256xf32, #tpu.memory_space<vmem>>) offsets(%arg10 : memref<128xi32, #tpu.memory_space<vmem>>) semaphore(%arg14 : memref<!tpu.dma_semaphore, #tpu.memory_space<semaphore_mem>>)
    %get3A_456 = arith.constant 0 : index
    %get3A_457 = tpu.vector_load %arg7[%get3A_456] {strides = array<i32>} : memref<32xf32, #tpu.memory_space<vmem>>, vector<16xf32>,
    %get3A_458 = vector.shape_cast %get3A_457 : vector<16xf32> to vector<16xf32>
    %get3A_459 = arith.constant 0 : index
    %get3A_460 = tpu.vector_load %arg8[%get3A_459] {strides = array<i32>} : memref<32xf32, #tpu.memory_space<vmem>>, vector<16xf32>,
    %get3A_461 = vector.shape_cast %get3A_460 : vector<16xf32> to vector<16xf32>
    %mul3A_462 = arith.constant 6.250000e-02 : f32
    %mul3A_463 = vector.broadcast %mul3A_462 : f32 to vector<16xf32>
    %mul3A_464 = arith.mulf %get3A_458, %mul3A_463 : vector<16xf32>
    %convert_element_type3A_465 = arith.fptosi %mul3A_464 : vector<16xf32> to vector<16xi32>
    %convert_element_type3A_466 = arith.sitofp %convert_element_type3A_465 : vector<16xi32> to vector<16xf32>
    %mul3A_467 = arith.constant 1.600000e+01 : f32
    %mul3A_468 = vector.broadcast %mul3A_467 : f32 to vector<16xf32>
    %mul3A_469 = arith.mulf %mul3A_468, %convert_element_type3A_466 : vector<16xf32>
    %add3A_470 = arith.constant 8.000000e+00 : f32
    %add3A_471 = vector.broadcast %add3A_470 : f32 to vector<16xf32>
    %add3A_472 = arith.addf %mul3A_469, %add3A_471 : vector<16xf32>
    %sub3A_473 = arith.subf %get3A_458, %add3A_472 : vector<16xf32>
    %ge3A_474 = arith.constant 0.000000e+00 : f32
    %ge3A_475 = vector.broadcast %ge3A_474 : f32 to vector<16xf32>
    %ge3A_476 = arith.cmpf oge, %sub3A_473, %ge3A_475 : vector<16xf32>
    %jit3A_477 = arith.constant 1 : i32
    %jit3A_478 = arith.constant -1 : i32
    %broadcast_in_dim3A_479 = vector.broadcast %jit3A_477 : i32 to vector<16xi32>
    %broadcast_in_dim3A_480 = vector.broadcast %jit3A_478 : i32 to vector<16xi32>
    %select_n3A_481 = arith.select %ge3A_476, %broadcast_in_dim3A_479, %broadcast_in_dim3A_480 : vector<16xi1>, vector<16xi32>
    %add3A_482 = arith.addi %convert_element_type3A_465, %select_n3A_481 : vector<16xi32>
    %ge3A_483 = arith.constant 0 : i32
    %ge3A_484 = vector.broadcast %ge3A_483 : i32 to vector<16xi32>
    %ge3A_485 = arith.cmpi sge, %add3A_482, %ge3A_484 : vector<16xi32>
    %le3A_486 = arith.constant 31 : i32
    %le3A_487 = vector.broadcast %le3A_486 : i32 to vector<16xi32>
    %le3A_488 = arith.cmpi sle, %add3A_482, %le3A_487 : vector<16xi32>
    %and3A_489 = arith.andi %ge3A_485, %le3A_488 : vector<16xi1>
    %sub3A_490 = arith.subi %convert_element_type3A_465, %select_n3A_481 : vector<16xi32>
    %select_n3A_491 = arith.select %and3A_489, %add3A_482, %sub3A_490 : vector<16xi1>, vector<16xi32>
    %sub3A_492 = arith.subi %convert_element_type3A_465, %select_n3A_481 : vector<16xi32>
    %ge3A_493 = arith.constant 0 : i32
    %ge3A_494 = vector.broadcast %ge3A_493 : i32 to vector<16xi32>
    %ge3A_495 = arith.cmpi sge, %sub3A_492, %ge3A_494 : vector<16xi32>
    %le3A_496 = arith.constant 31 : i32
    %le3A_497 = vector.broadcast %le3A_496 : i32 to vector<16xi32>
    %le3A_498 = arith.cmpi sle, %sub3A_492, %le3A_497 : vector<16xi32>
    %and3A_499 = arith.andi %ge3A_495, %le3A_498 : vector<16xi1>
    %mul3A_500 = arith.constant 2 : i32
    %mul3A_501 = vector.broadcast %mul3A_500 : i32 to vector<16xi32>
    %mul3A_502 = arith.muli %mul3A_501, %select_n3A_481 : vector<16xi32>
    %sub3A_503 = arith.subi %convert_element_type3A_465, %mul3A_502 : vector<16xi32>
    %select_n3A_504 = arith.select %and3A_489, %sub3A_492, %sub3A_503 : vector<16xi1>, vector<16xi32>
    %mul3A_505 = arith.constant 2 : i32
    %mul3A_506 = vector.broadcast %mul3A_505 : i32 to vector<16xi32>
    %mul3A_507 = arith.muli %mul3A_506, %select_n3A_481 : vector<16xi32>
    %add3A_508 = arith.addi %convert_element_type3A_465, %mul3A_507 : vector<16xi32>
    %select_n3A_509 = arith.select %and3A_499, %select_n3A_504, %add3A_508 : vector<16xi1>, vector<16xi32>
    %convert_element_type3A_510 = arith.sitofp %convert_element_type3A_465 : vector<16xi32> to vector<16xf32>
    %mul3A_511 = arith.constant 1.600000e+01 : f32
    %mul3A_512 = vector.broadcast %mul3A_511 : f32 to vector<16xf32>
    %mul3A_513 = arith.mulf %mul3A_512, %convert_element_type3A_510 : vector<16xf32>
    %add3A_514 = arith.constant 8.000000e+00 : f32
    %add3A_515 = vector.broadcast %add3A_514 : f32 to vector<16xf32>
    %add3A_516 = arith.addf %mul3A_513, %add3A_515 : vector<16xf32>
    %sub3A_517 = arith.subf %get3A_458, %add3A_516 : vector<16xf32>
    %mul3A_518 = arith.mulf %sub3A_517, %sub3A_517 : vector<16xf32>
    %convert_element_type3A_519 = arith.sitofp %select_n3A_491 : vector<16xi32> to vector<16xf32>
    %mul3A_520 = arith.constant 1.600000e+01 : f32
    %mul3A_521 = vector.broadcast %mul3A_520 : f32 to vector<16xf32>
    %mul3A_522 = arith.mulf %mul3A_521, %convert_element_type3A_519 : vector<16xf32>
    %add3A_523 = arith.constant 8.000000e+00 : f32
    %add3A_524 = vector.broadcast %add3A_523 : f32 to vector<16xf32>
    %add3A_525 = arith.addf %mul3A_522, %add3A_524 : vector<16xf32>
    %sub3A_526 = arith.subf %get3A_458, %add3A_525 : vector<16xf32>
    %mul3A_527 = arith.mulf %sub3A_526, %sub3A_526 : vector<16xf32>
    %convert_element_type3A_528 = arith.sitofp %select_n3A_509 : vector<16xi32> to vector<16xf32>
    %mul3A_529 = arith.constant 1.600000e+01 : f32
    %mul3A_530 = vector.broadcast %mul3A_529 : f32 to vector<16xf32>
    %mul3A_531 = arith.mulf %mul3A_530, %convert_element_type3A_528 : vector<16xf32>
    %add3A_532 = arith.constant 8.000000e+00 : f32
    %add3A_533 = vector.broadcast %add3A_532 : f32 to vector<16xf32>
    %add3A_534 = arith.addf %mul3A_531, %add3A_533 : vector<16xf32>
    %sub3A_535 = arith.subf %get3A_458, %add3A_534 : vector<16xf32>
    %mul3A_536 = arith.mulf %sub3A_535, %sub3A_535 : vector<16xf32>
    %mul3A_537 = arith.constant 6.250000e-02 : f32
    %mul3A_538 = vector.broadcast %mul3A_537 : f32 to vector<16xf32>
    %mul3A_539 = arith.mulf %get3A_461, %mul3A_538 : vector<16xf32>
    %convert_element_type3A_540 = arith.fptosi %mul3A_539 : vector<16xf32> to vector<16xi32>
    %convert_element_type3A_541 = arith.sitofp %convert_element_type3A_540 : vector<16xi32> to vector<16xf32>
    %mul3A_542 = arith.constant 1.600000e+01 : f32
    %mul3A_543 = vector.broadcast %mul3A_542 : f32 to vector<16xf32>
    %mul3A_544 = arith.mulf %mul3A_543, %convert_element_type3A_541 : vector<16xf32>
    %add3A_545 = arith.constant 8.000000e+00 : f32
    %add3A_546 = vector.broadcast %add3A_545 : f32 to vector<16xf32>
    %add3A_547 = arith.addf %mul3A_544, %add3A_546 : vector<16xf32>
    %sub3A_548 = arith.subf %get3A_461, %add3A_547 : vector<16xf32>
    %ge3A_549 = arith.constant 0.000000e+00 : f32
    %ge3A_550 = vector.broadcast %ge3A_549 : f32 to vector<16xf32>
    %ge3A_551 = arith.cmpf oge, %sub3A_548, %ge3A_550 : vector<16xf32>
    %jit3A_552 = arith.constant 1 : i32
    %jit3A_553 = arith.constant -1 : i32
    %broadcast_in_dim3A_554 = vector.broadcast %jit3A_552 : i32 to vector<16xi32>
    %broadcast_in_dim3A_555 = vector.broadcast %jit3A_553 : i32 to vector<16xi32>
    %select_n3A_556 = arith.select %ge3A_551, %broadcast_in_dim3A_554, %broadcast_in_dim3A_555 : vector<16xi1>, vector<16xi32>
    %add3A_557 = arith.addi %convert_element_type3A_540, %select_n3A_556 : vector<16xi32>
    %ge3A_558 = arith.constant 0 : i32
    %ge3A_559 = vector.broadcast %ge3A_558 : i32 to vector<16xi32>
    %ge3A_560 = arith.cmpi sge, %add3A_557, %ge3A_559 : vector<16xi32>
    %le3A_561 = arith.constant 31 : i32
    %le3A_562 = vector.broadcast %le3A_561 : i32 to vector<16xi32>
    %le3A_563 = arith.cmpi sle, %add3A_557, %le3A_562 : vector<16xi32>
    %and3A_564 = arith.andi %ge3A_560, %le3A_563 : vector<16xi1>
    %sub3A_565 = arith.subi %convert_element_type3A_540, %select_n3A_556 : vector<16xi32>
    %select_n3A_566 = arith.select %and3A_564, %add3A_557, %sub3A_565 : vector<16xi1>, vector<16xi32>
    %sub3A_567 = arith.subi %convert_element_type3A_540, %select_n3A_556 : vector<16xi32>
    %ge3A_568 = arith.constant 0 : i32
    %ge3A_569 = vector.broadcast %ge3A_568 : i32 to vector<16xi32>
    %ge3A_570 = arith.cmpi sge, %sub3A_567, %ge3A_569 : vector<16xi32>
    %le3A_571 = arith.constant 31 : i32
    %le3A_572 = vector.broadcast %le3A_571 : i32 to vector<16xi32>
    %le3A_573 = arith.cmpi sle, %sub3A_567, %le3A_572 : vector<16xi32>
    %and3A_574 = arith.andi %ge3A_570, %le3A_573 : vector<16xi1>
    %mul3A_575 = arith.constant 2 : i32
    %mul3A_576 = vector.broadcast %mul3A_575 : i32 to vector<16xi32>
    %mul3A_577 = arith.muli %mul3A_576, %select_n3A_556 : vector<16xi32>
    %sub3A_578 = arith.subi %convert_element_type3A_540, %mul3A_577 : vector<16xi32>
    %select_n3A_579 = arith.select %and3A_564, %sub3A_567, %sub3A_578 : vector<16xi1>, vector<16xi32>
    %mul3A_580 = arith.constant 2 : i32
    %mul3A_581 = vector.broadcast %mul3A_580 : i32 to vector<16xi32>
    %mul3A_582 = arith.muli %mul3A_581, %select_n3A_556 : vector<16xi32>
    %add3A_583 = arith.addi %convert_element_type3A_540, %mul3A_582 : vector<16xi32>
    %select_n3A_584 = arith.select %and3A_574, %select_n3A_579, %add3A_583 : vector<16xi1>, vector<16xi32>
    %convert_element_type3A_585 = arith.sitofp %convert_element_type3A_540 : vector<16xi32> to vector<16xf32>
    %mul3A_586 = arith.constant 1.600000e+01 : f32
    %mul3A_587 = vector.broadcast %mul3A_586 : f32 to vector<16xf32>
    %mul3A_588 = arith.mulf %mul3A_587, %convert_element_type3A_585 : vector<16xf32>
    %add3A_589 = arith.constant 8.000000e+00 : f32
    %add3A_590 = vector.broadcast %add3A_589 : f32 to vector<16xf32>
    %add3A_591 = arith.addf %mul3A_588, %add3A_590 : vector<16xf32>
    %sub3A_592 = arith.subf %get3A_461, %add3A_591 : vector<16xf32>
    %mul3A_593 = arith.mulf %sub3A_592, %sub3A_592 : vector<16xf32>
    %convert_element_type3A_594 = arith.sitofp %select_n3A_566 : vector<16xi32> to vector<16xf32>
    %mul3A_595 = arith.constant 1.600000e+01 : f32
    %mul3A_596 = vector.broadcast %mul3A_595 : f32 to vector<16xf32>
    %mul3A_597 = arith.mulf %mul3A_596, %convert_element_type3A_594 : vector<16xf32>
    %add3A_598 = arith.constant 8.000000e+00 : f32
    %add3A_599 = vector.broadcast %add3A_598 : f32 to vector<16xf32>
    %add3A_600 = arith.addf %mul3A_597, %add3A_599 : vector<16xf32>
    %sub3A_601 = arith.subf %get3A_461, %add3A_600 : vector<16xf32>
    %mul3A_602 = arith.mulf %sub3A_601, %sub3A_601 : vector<16xf32>
    %convert_element_type3A_603 = arith.sitofp %select_n3A_584 : vector<16xi32> to vector<16xf32>
    %mul3A_604 = arith.constant 1.600000e+01 : f32
    %mul3A_605 = vector.broadcast %mul3A_604 : f32 to vector<16xf32>
    %mul3A_606 = arith.mulf %mul3A_605, %convert_element_type3A_603 : vector<16xf32>
    %add3A_607 = arith.constant 8.000000e+00 : f32
    %add3A_608 = vector.broadcast %add3A_607 : f32 to vector<16xf32>
    %add3A_609 = arith.addf %mul3A_606, %add3A_608 : vector<16xf32>
    %sub3A_610 = arith.subf %get3A_461, %add3A_609 : vector<16xf32>
    %mul3A_611 = arith.mulf %sub3A_610, %sub3A_610 : vector<16xf32>
    %add3A_612 = arith.addf %mul3A_518, %mul3A_593 : vector<16xf32>
    %mul3A_613 = arith.constant 32 : i32
    %mul3A_614 = vector.broadcast %mul3A_613 : i32 to vector<16xi32>
    %mul3A_615 = arith.muli %convert_element_type3A_540, %mul3A_614 : vector<16xi32>
    %add3A_616 = arith.addi %mul3A_615, %convert_element_type3A_465 : vector<16xi32>
    %add3A_617 = arith.addf %mul3A_527, %mul3A_593 : vector<16xf32>
    %mul3A_618 = arith.constant 32 : i32
    %mul3A_619 = vector.broadcast %mul3A_618 : i32 to vector<16xi32>
    %mul3A_620 = arith.muli %convert_element_type3A_540, %mul3A_619 : vector<16xi32>
    %add3A_621 = arith.addi %mul3A_620, %select_n3A_491 : vector<16xi32>
    %add3A_622 = arith.addf %mul3A_536, %mul3A_593 : vector<16xf32>
    %mul3A_623 = arith.constant 32 : i32
    %mul3A_624 = vector.broadcast %mul3A_623 : i32 to vector<16xi32>
    %mul3A_625 = arith.muli %convert_element_type3A_540, %mul3A_624 : vector<16xi32>
    %add3A_626 = arith.addi %mul3A_625, %select_n3A_509 : vector<16xi32>
    %add3A_627 = arith.addf %mul3A_518, %mul3A_602 : vector<16xf32>
    %mul3A_628 = arith.constant 32 : i32
    %mul3A_629 = vector.broadcast %mul3A_628 : i32 to vector<16xi32>
    %mul3A_630 = arith.muli %select_n3A_566, %mul3A_629 : vector<16xi32>
    %add3A_631 = arith.addi %mul3A_630, %convert_element_type3A_465 : vector<16xi32>
    %add3A_632 = arith.addf %mul3A_527, %mul3A_602 : vector<16xf32>
    %mul3A_633 = arith.constant 32 : i32
    %mul3A_634 = vector.broadcast %mul3A_633 : i32 to vector<16xi32>
    %mul3A_635 = arith.muli %select_n3A_566, %mul3A_634 : vector<16xi32>
    %add3A_636 = arith.addi %mul3A_635, %select_n3A_491 : vector<16xi32>
    %add3A_637 = arith.addf %mul3A_536, %mul3A_602 : vector<16xf32>
    %mul3A_638 = arith.constant 32 : i32
    %mul3A_639 = vector.broadcast %mul3A_638 : i32 to vector<16xi32>
    %mul3A_640 = arith.muli %select_n3A_566, %mul3A_639 : vector<16xi32>
    %add3A_641 = arith.addi %mul3A_640, %select_n3A_509 : vector<16xi32>
    %add3A_642 = arith.addf %mul3A_518, %mul3A_611 : vector<16xf32>
    %mul3A_643 = arith.constant 32 : i32
    %mul3A_644 = vector.broadcast %mul3A_643 : i32 to vector<16xi32>
    %mul3A_645 = arith.muli %select_n3A_584, %mul3A_644 : vector<16xi32>
    %add3A_646 = arith.addi %mul3A_645, %convert_element_type3A_465 : vector<16xi32>
    %add3A_647 = arith.addf %mul3A_527, %mul3A_611 : vector<16xf32>
    %mul3A_648 = arith.constant 32 : i32
    %mul3A_649 = vector.broadcast %mul3A_648 : i32 to vector<16xi32>
    %mul3A_650 = arith.muli %select_n3A_584, %mul3A_649 : vector<16xi32>
    %add3A_651 = arith.addi %mul3A_650, %select_n3A_491 : vector<16xi32>
    %add3A_652 = arith.addf %mul3A_536, %mul3A_611 : vector<16xf32>
    %mul3A_653 = arith.constant 32 : i32
    %mul3A_654 = vector.broadcast %mul3A_653 : i32 to vector<16xi32>
    %mul3A_655 = arith.muli %select_n3A_584, %mul3A_654 : vector<16xi32>
    %add3A_656 = arith.addi %mul3A_655, %select_n3A_509 : vector<16xi32>
    %min3A_657 = arith.minimumf %add3A_612, %add3A_617 : vector<16xf32>
    %min3A_658 = arith.minimumf %min3A_657, %add3A_622 : vector<16xf32>
    %min3A_659 = arith.minimumf %min3A_658, %add3A_627 : vector<16xf32>
    %min3A_660 = arith.minimumf %min3A_659, %add3A_632 : vector<16xf32>
    %min3A_661 = arith.minimumf %min3A_660, %add3A_637 : vector<16xf32>
    %min3A_662 = arith.minimumf %min3A_661, %add3A_642 : vector<16xf32>
    %min3A_663 = arith.minimumf %min3A_662, %add3A_647 : vector<16xf32>
    %min3A_664 = arith.minimumf %min3A_663, %add3A_652 : vector<16xf32>
    %broadcast_in_dim3A_665 = arith.constant 1073741824 : i32
    %broadcast_in_dim3A_666 = vector.broadcast %broadcast_in_dim3A_665 : i32 to vector<16xi32>
    %eq3A = arith.cmpf oeq, %add3A_612, %min3A_664 : vector<16xf32>
    %jit3A_667 = arith.constant 1073741824 : i32
    %broadcast_in_dim3A_668 = vector.broadcast %jit3A_667 : i32 to vector<16xi32>
    %select_n3A_669 = arith.select %eq3A, %add3A_616, %broadcast_in_dim3A_668 : vector<16xi1>, vector<16xi32>
    %min3A_670 = arith.minsi %broadcast_in_dim3A_666, %select_n3A_669 : vector<16xi32>
    %eq3A_671 = arith.cmpf oeq, %add3A_617, %min3A_664 : vector<16xf32>
    %jit3A_672 = arith.constant 1073741824 : i32
    %broadcast_in_dim3A_673 = vector.broadcast %jit3A_672 : i32 to vector<16xi32>
    %select_n3A_674 = arith.select %eq3A_671, %add3A_621, %broadcast_in_dim3A_673 : vector<16xi1>, vector<16xi32>
    %min3A_675 = arith.minsi %min3A_670, %select_n3A_674 : vector<16xi32>
    %eq3A_676 = arith.cmpf oeq, %add3A_622, %min3A_664 : vector<16xf32>
    %jit3A_677 = arith.constant 1073741824 : i32
    %broadcast_in_dim3A_678 = vector.broadcast %jit3A_677 : i32 to vector<16xi32>
    %select_n3A_679 = arith.select %eq3A_676, %add3A_626, %broadcast_in_dim3A_678 : vector<16xi1>, vector<16xi32>
    %min3A_680 = arith.minsi %min3A_675, %select_n3A_679 : vector<16xi32>
    %eq3A_681 = arith.cmpf oeq, %add3A_627, %min3A_664 : vector<16xf32>
    %jit3A_682 = arith.constant 1073741824 : i32
    %broadcast_in_dim3A_683 = vector.broadcast %jit3A_682 : i32 to vector<16xi32>
    %select_n3A_684 = arith.select %eq3A_681, %add3A_631, %broadcast_in_dim3A_683 : vector<16xi1>, vector<16xi32>
    %min3A_685 = arith.minsi %min3A_680, %select_n3A_684 : vector<16xi32>
    %eq3A_686 = arith.cmpf oeq, %add3A_632, %min3A_664 : vector<16xf32>
    %jit3A_687 = arith.constant 1073741824 : i32
    %broadcast_in_dim3A_688 = vector.broadcast %jit3A_687 : i32 to vector<16xi32>
    %select_n3A_689 = arith.select %eq3A_686, %add3A_636, %broadcast_in_dim3A_688 : vector<16xi1>, vector<16xi32>
    %min3A_690 = arith.minsi %min3A_685, %select_n3A_689 : vector<16xi32>
    %eq3A_691 = arith.cmpf oeq, %add3A_637, %min3A_664 : vector<16xf32>
    %jit3A_692 = arith.constant 1073741824 : i32
    %broadcast_in_dim3A_693 = vector.broadcast %jit3A_692 : i32 to vector<16xi32>
    %select_n3A_694 = arith.select %eq3A_691, %add3A_641, %broadcast_in_dim3A_693 : vector<16xi1>, vector<16xi32>
    %min3A_695 = arith.minsi %min3A_690, %select_n3A_694 : vector<16xi32>
    %eq3A_696 = arith.cmpf oeq, %add3A_642, %min3A_664 : vector<16xf32>
    %jit3A_697 = arith.constant 1073741824 : i32
    %broadcast_in_dim3A_698 = vector.broadcast %jit3A_697 : i32 to vector<16xi32>
    %select_n3A_699 = arith.select %eq3A_696, %add3A_646, %broadcast_in_dim3A_698 : vector<16xi1>, vector<16xi32>
    %min3A_700 = arith.minsi %min3A_695, %select_n3A_699 : vector<16xi32>
    %eq3A_701 = arith.cmpf oeq, %add3A_647, %min3A_664 : vector<16xf32>
    %jit3A_702 = arith.constant 1073741824 : i32
    %broadcast_in_dim3A_703 = vector.broadcast %jit3A_702 : i32 to vector<16xi32>
    %select_n3A_704 = arith.select %eq3A_701, %add3A_651, %broadcast_in_dim3A_703 : vector<16xi1>, vector<16xi32>
    %min3A_705 = arith.minsi %min3A_700, %select_n3A_704 : vector<16xi32>
    %eq3A_706 = arith.cmpf oeq, %add3A_652, %min3A_664 : vector<16xf32>
    %jit3A_707 = arith.constant 1073741824 : i32
    %broadcast_in_dim3A_708 = vector.broadcast %jit3A_707 : i32 to vector<16xi32>
    %select_n3A_709 = arith.select %eq3A_706, %add3A_656, %broadcast_in_dim3A_708 : vector<16xi1>, vector<16xi32>
    %min3A_710 = arith.minsi %min3A_705, %select_n3A_709 : vector<16xi32>
    %swap3A_711 = arith.constant 0 : index
    %swap3A_712 = tpu.vector_load %arg13[%swap3A_711] {strides = array<i32>} : memref<128xi32, #tpu.memory_space<vmem>>, vector<16xi32>,
    %swap3A_713 = vector.shape_cast %swap3A_712 : vector<16xi32> to vector<16xi32>
    %swap3A_714 = vector.shape_cast %min3A_710 : vector<16xi32> to vector<16xi32>
    tpu.vector_store %arg13[%swap3A_711], %swap3A_714 {strides = array<i32>} : memref<128xi32, #tpu.memory_space<vmem>>, vector<16xi32>,
    %eq3A_715 = arith.cmpi eq, %add3A_616, %min3A_710 : vector<16xi32>
    %jit3A_716 = arith.constant 1.000000e+30 : f32
    %broadcast_in_dim3A_717 = vector.broadcast %jit3A_716 : f32 to vector<16xf32>
    %select_n3A_718 = arith.select %eq3A_715, %broadcast_in_dim3A_717, %add3A_612 : vector<16xi1>, vector<16xf32>
    %eq3A_719 = arith.cmpi eq, %add3A_621, %min3A_710 : vector<16xi32>
    %jit3A_720 = arith.constant 1.000000e+30 : f32
    %broadcast_in_dim3A_721 = vector.broadcast %jit3A_720 : f32 to vector<16xf32>
    %select_n3A_722 = arith.select %eq3A_719, %broadcast_in_dim3A_721, %add3A_617 : vector<16xi1>, vector<16xf32>
    %eq3A_723 = arith.cmpi eq, %add3A_626, %min3A_710 : vector<16xi32>
    %jit3A_724 = arith.constant 1.000000e+30 : f32
    %broadcast_in_dim3A_725 = vector.broadcast %jit3A_724 : f32 to vector<16xf32>
    %select_n3A_726 = arith.select %eq3A_723, %broadcast_in_dim3A_725, %add3A_622 : vector<16xi1>, vector<16xf32>
    %eq3A_727 = arith.cmpi eq, %add3A_631, %min3A_710 : vector<16xi32>
    %jit3A_728 = arith.constant 1.000000e+30 : f32
    %broadcast_in_dim3A_729 = vector.broadcast %jit3A_728 : f32 to vector<16xf32>
    %select_n3A_730 = arith.select %eq3A_727, %broadcast_in_dim3A_729, %add3A_627 : vector<16xi1>, vector<16xf32>
    %eq3A_731 = arith.cmpi eq, %add3A_636, %min3A_710 : vector<16xi32>
    %jit3A_732 = arith.constant 1.000000e+30 : f32
    %broadcast_in_dim3A_733 = vector.broadcast %jit3A_732 : f32 to vector<16xf32>
    %select_n3A_734 = arith.select %eq3A_731, %broadcast_in_dim3A_733, %add3A_632 : vector<16xi1>, vector<16xf32>
    %eq3A_735 = arith.cmpi eq, %add3A_641, %min3A_710 : vector<16xi32>
    %jit3A_736 = arith.constant 1.000000e+30 : f32
    %broadcast_in_dim3A_737 = vector.broadcast %jit3A_736 : f32 to vector<16xf32>
    %select_n3A_738 = arith.select %eq3A_735, %broadcast_in_dim3A_737, %add3A_637 : vector<16xi1>, vector<16xf32>
    %eq3A_739 = arith.cmpi eq, %add3A_646, %min3A_710 : vector<16xi32>
    %jit3A_740 = arith.constant 1.000000e+30 : f32
    %broadcast_in_dim3A_741 = vector.broadcast %jit3A_740 : f32 to vector<16xf32>
    %select_n3A_742 = arith.select %eq3A_739, %broadcast_in_dim3A_741, %add3A_642 : vector<16xi1>, vector<16xf32>
    %eq3A_743 = arith.cmpi eq, %add3A_651, %min3A_710 : vector<16xi32>
    %jit3A_744 = arith.constant 1.000000e+30 : f32
    %broadcast_in_dim3A_745 = vector.broadcast %jit3A_744 : f32 to vector<16xf32>
    %select_n3A_746 = arith.select %eq3A_743, %broadcast_in_dim3A_745, %add3A_647 : vector<16xi1>, vector<16xf32>
    %eq3A_747 = arith.cmpi eq, %add3A_656, %min3A_710 : vector<16xi32>
    %jit3A_748 = arith.constant 1.000000e+30 : f32
    %broadcast_in_dim3A_749 = vector.broadcast %jit3A_748 : f32 to vector<16xf32>
    %select_n3A_750 = arith.select %eq3A_747, %broadcast_in_dim3A_749, %add3A_652 : vector<16xi1>, vector<16xf32>
    %min3A_751 = arith.minimumf %select_n3A_718, %select_n3A_722 : vector<16xf32>
    %min3A_752 = arith.minimumf %min3A_751, %select_n3A_726 : vector<16xf32>
    %min3A_753 = arith.minimumf %min3A_752, %select_n3A_730 : vector<16xf32>
    %min3A_754 = arith.minimumf %min3A_753, %select_n3A_734 : vector<16xf32>
    %min3A_755 = arith.minimumf %min3A_754, %select_n3A_738 : vector<16xf32>
    %min3A_756 = arith.minimumf %min3A_755, %select_n3A_742 : vector<16xf32>
    %min3A_757 = arith.minimumf %min3A_756, %select_n3A_746 : vector<16xf32>
    %min3A_758 = arith.minimumf %min3A_757, %select_n3A_750 : vector<16xf32>
    %broadcast_in_dim3A_759 = arith.constant 1073741824 : i32
    %broadcast_in_dim3A_760 = vector.broadcast %broadcast_in_dim3A_759 : i32 to vector<16xi32>
    %eq3A_761 = arith.cmpf oeq, %select_n3A_718, %min3A_758 : vector<16xf32>
    %jit3A_762 = arith.constant 1073741824 : i32
    %broadcast_in_dim3A_763 = vector.broadcast %jit3A_762 : i32 to vector<16xi32>
    %select_n3A_764 = arith.select %eq3A_761, %add3A_616, %broadcast_in_dim3A_763 : vector<16xi1>, vector<16xi32>
    %min3A_765 = arith.minsi %broadcast_in_dim3A_760, %select_n3A_764 : vector<16xi32>
    %eq3A_766 = arith.cmpf oeq, %select_n3A_722, %min3A_758 : vector<16xf32>
    %jit3A_767 = arith.constant 1073741824 : i32
    %broadcast_in_dim3A_768 = vector.broadcast %jit3A_767 : i32 to vector<16xi32>
    %select_n3A_769 = arith.select %eq3A_766, %add3A_621, %broadcast_in_dim3A_768 : vector<16xi1>, vector<16xi32>
    %min3A_770 = arith.minsi %min3A_765, %select_n3A_769 : vector<16xi32>
    %eq3A_771 = arith.cmpf oeq, %select_n3A_726, %min3A_758 : vector<16xf32>
    %jit3A_772 = arith.constant 1073741824 : i32
    %broadcast_in_dim3A_773 = vector.broadcast %jit3A_772 : i32 to vector<16xi32>
    %select_n3A_774 = arith.select %eq3A_771, %add3A_626, %broadcast_in_dim3A_773 : vector<16xi1>, vector<16xi32>
    %min3A_775 = arith.minsi %min3A_770, %select_n3A_774 : vector<16xi32>
    %eq3A_776 = arith.cmpf oeq, %select_n3A_730, %min3A_758 : vector<16xf32>
    %jit3A_777 = arith.constant 1073741824 : i32
    %broadcast_in_dim3A_778 = vector.broadcast %jit3A_777 : i32 to vector<16xi32>
    %select_n3A_779 = arith.select %eq3A_776, %add3A_631, %broadcast_in_dim3A_778 : vector<16xi1>, vector<16xi32>
    %min3A_780 = arith.minsi %min3A_775, %select_n3A_779 : vector<16xi32>
    %eq3A_781 = arith.cmpf oeq, %select_n3A_734, %min3A_758 : vector<16xf32>
    %jit3A_782 = arith.constant 1073741824 : i32
    %broadcast_in_dim3A_783 = vector.broadcast %jit3A_782 : i32 to vector<16xi32>
    %select_n3A_784 = arith.select %eq3A_781, %add3A_636, %broadcast_in_dim3A_783 : vector<16xi1>, vector<16xi32>
    %min3A_785 = arith.minsi %min3A_780, %select_n3A_784 : vector<16xi32>
    %eq3A_786 = arith.cmpf oeq, %select_n3A_738, %min3A_758 : vector<16xf32>
    %jit3A_787 = arith.constant 1073741824 : i32
    %broadcast_in_dim3A_788 = vector.broadcast %jit3A_787 : i32 to vector<16xi32>
    %select_n3A_789 = arith.select %eq3A_786, %add3A_641, %broadcast_in_dim3A_788 : vector<16xi1>, vector<16xi32>
    %min3A_790 = arith.minsi %min3A_785, %select_n3A_789 : vector<16xi32>
    %eq3A_791 = arith.cmpf oeq, %select_n3A_742, %min3A_758 : vector<16xf32>
    %jit3A_792 = arith.constant 1073741824 : i32
    %broadcast_in_dim3A_793 = vector.broadcast %jit3A_792 : i32 to vector<16xi32>
    %select_n3A_794 = arith.select %eq3A_791, %add3A_646, %broadcast_in_dim3A_793 : vector<16xi1>, vector<16xi32>
    %min3A_795 = arith.minsi %min3A_790, %select_n3A_794 : vector<16xi32>
    %eq3A_796 = arith.cmpf oeq, %select_n3A_746, %min3A_758 : vector<16xf32>
    %jit3A_797 = arith.constant 1073741824 : i32
    %broadcast_in_dim3A_798 = vector.broadcast %jit3A_797 : i32 to vector<16xi32>
    %select_n3A_799 = arith.select %eq3A_796, %add3A_651, %broadcast_in_dim3A_798 : vector<16xi1>, vector<16xi32>
    %min3A_800 = arith.minsi %min3A_795, %select_n3A_799 : vector<16xi32>
    %eq3A_801 = arith.cmpf oeq, %select_n3A_750, %min3A_758 : vector<16xf32>
    %jit3A_802 = arith.constant 1073741824 : i32
    %broadcast_in_dim3A_803 = vector.broadcast %jit3A_802 : i32 to vector<16xi32>
    %select_n3A_804 = arith.select %eq3A_801, %add3A_656, %broadcast_in_dim3A_803 : vector<16xi1>, vector<16xi32>
    %min3A_805 = arith.minsi %min3A_800, %select_n3A_804 : vector<16xi32>
    %swap3A_806 = arith.constant 32 : index
    %swap3A_807 = tpu.vector_load %arg13[%swap3A_806] {strides = array<i32>} : memref<128xi32, #tpu.memory_space<vmem>>, vector<16xi32>,
    %swap3A_808 = vector.shape_cast %swap3A_807 : vector<16xi32> to vector<16xi32>
    %swap3A_809 = vector.shape_cast %min3A_805 : vector<16xi32> to vector<16xi32>
    tpu.vector_store %arg13[%swap3A_806], %swap3A_809 {strides = array<i32>} : memref<128xi32, #tpu.memory_space<vmem>>, vector<16xi32>,
    %eq3A_810 = arith.cmpi eq, %add3A_616, %min3A_805 : vector<16xi32>
    %jit3A_811 = arith.constant 1.000000e+30 : f32
    %broadcast_in_dim3A_812 = vector.broadcast %jit3A_811 : f32 to vector<16xf32>
    %select_n3A_813 = arith.select %eq3A_810, %broadcast_in_dim3A_812, %select_n3A_718 : vector<16xi1>, vector<16xf32>
    %eq3A_814 = arith.cmpi eq, %add3A_621, %min3A_805 : vector<16xi32>
    %jit3A_815 = arith.constant 1.000000e+30 : f32
    %broadcast_in_dim3A_816 = vector.broadcast %jit3A_815 : f32 to vector<16xf32>
    %select_n3A_817 = arith.select %eq3A_814, %broadcast_in_dim3A_816, %select_n3A_722 : vector<16xi1>, vector<16xf32>
    %eq3A_818 = arith.cmpi eq, %add3A_626, %min3A_805 : vector<16xi32>
    %jit3A_819 = arith.constant 1.000000e+30 : f32
    %broadcast_in_dim3A_820 = vector.broadcast %jit3A_819 : f32 to vector<16xf32>
    %select_n3A_821 = arith.select %eq3A_818, %broadcast_in_dim3A_820, %select_n3A_726 : vector<16xi1>, vector<16xf32>
    %eq3A_822 = arith.cmpi eq, %add3A_631, %min3A_805 : vector<16xi32>
    %jit3A_823 = arith.constant 1.000000e+30 : f32
    %broadcast_in_dim3A_824 = vector.broadcast %jit3A_823 : f32 to vector<16xf32>
    %select_n3A_825 = arith.select %eq3A_822, %broadcast_in_dim3A_824, %select_n3A_730 : vector<16xi1>, vector<16xf32>
    %eq3A_826 = arith.cmpi eq, %add3A_636, %min3A_805 : vector<16xi32>
    %jit3A_827 = arith.constant 1.000000e+30 : f32
    %broadcast_in_dim3A_828 = vector.broadcast %jit3A_827 : f32 to vector<16xf32>
    %select_n3A_829 = arith.select %eq3A_826, %broadcast_in_dim3A_828, %select_n3A_734 : vector<16xi1>, vector<16xf32>
    %eq3A_830 = arith.cmpi eq, %add3A_641, %min3A_805 : vector<16xi32>
    %jit3A_831 = arith.constant 1.000000e+30 : f32
    %broadcast_in_dim3A_832 = vector.broadcast %jit3A_831 : f32 to vector<16xf32>
    %select_n3A_833 = arith.select %eq3A_830, %broadcast_in_dim3A_832, %select_n3A_738 : vector<16xi1>, vector<16xf32>
    %eq3A_834 = arith.cmpi eq, %add3A_646, %min3A_805 : vector<16xi32>
    %jit3A_835 = arith.constant 1.000000e+30 : f32
    %broadcast_in_dim3A_836 = vector.broadcast %jit3A_835 : f32 to vector<16xf32>
    %select_n3A_837 = arith.select %eq3A_834, %broadcast_in_dim3A_836, %select_n3A_742 : vector<16xi1>, vector<16xf32>
    %eq3A_838 = arith.cmpi eq, %add3A_651, %min3A_805 : vector<16xi32>
    %jit3A_839 = arith.constant 1.000000e+30 : f32
    %broadcast_in_dim3A_840 = vector.broadcast %jit3A_839 : f32 to vector<16xf32>
    %select_n3A_841 = arith.select %eq3A_838, %broadcast_in_dim3A_840, %select_n3A_746 : vector<16xi1>, vector<16xf32>
    %eq3A_842 = arith.cmpi eq, %add3A_656, %min3A_805 : vector<16xi32>
    %jit3A_843 = arith.constant 1.000000e+30 : f32
    %broadcast_in_dim3A_844 = vector.broadcast %jit3A_843 : f32 to vector<16xf32>
    %select_n3A_845 = arith.select %eq3A_842, %broadcast_in_dim3A_844, %select_n3A_750 : vector<16xi1>, vector<16xf32>
    %min3A_846 = arith.minimumf %select_n3A_813, %select_n3A_817 : vector<16xf32>
    %min3A_847 = arith.minimumf %min3A_846, %select_n3A_821 : vector<16xf32>
    %min3A_848 = arith.minimumf %min3A_847, %select_n3A_825 : vector<16xf32>
    %min3A_849 = arith.minimumf %min3A_848, %select_n3A_829 : vector<16xf32>
    %min3A_850 = arith.minimumf %min3A_849, %select_n3A_833 : vector<16xf32>
    %min3A_851 = arith.minimumf %min3A_850, %select_n3A_837 : vector<16xf32>
    %min3A_852 = arith.minimumf %min3A_851, %select_n3A_841 : vector<16xf32>
    %min3A_853 = arith.minimumf %min3A_852, %select_n3A_845 : vector<16xf32>
    %broadcast_in_dim3A_854 = arith.constant 1073741824 : i32
    %broadcast_in_dim3A_855 = vector.broadcast %broadcast_in_dim3A_854 : i32 to vector<16xi32>
    %eq3A_856 = arith.cmpf oeq, %select_n3A_813, %min3A_853 : vector<16xf32>
    %jit3A_857 = arith.constant 1073741824 : i32
    %broadcast_in_dim3A_858 = vector.broadcast %jit3A_857 : i32 to vector<16xi32>
    %select_n3A_859 = arith.select %eq3A_856, %add3A_616, %broadcast_in_dim3A_858 : vector<16xi1>, vector<16xi32>
    %min3A_860 = arith.minsi %broadcast_in_dim3A_855, %select_n3A_859 : vector<16xi32>
    %eq3A_861 = arith.cmpf oeq, %select_n3A_817, %min3A_853 : vector<16xf32>
    %jit3A_862 = arith.constant 1073741824 : i32
    %broadcast_in_dim3A_863 = vector.broadcast %jit3A_862 : i32 to vector<16xi32>
    %select_n3A_864 = arith.select %eq3A_861, %add3A_621, %broadcast_in_dim3A_863 : vector<16xi1>, vector<16xi32>
    %min3A_865 = arith.minsi %min3A_860, %select_n3A_864 : vector<16xi32>
    %eq3A_866 = arith.cmpf oeq, %select_n3A_821, %min3A_853 : vector<16xf32>
    %jit3A_867 = arith.constant 1073741824 : i32
    %broadcast_in_dim3A_868 = vector.broadcast %jit3A_867 : i32 to vector<16xi32>
    %select_n3A_869 = arith.select %eq3A_866, %add3A_626, %broadcast_in_dim3A_868 : vector<16xi1>, vector<16xi32>
    %min3A_870 = arith.minsi %min3A_865, %select_n3A_869 : vector<16xi32>
    %eq3A_871 = arith.cmpf oeq, %select_n3A_825, %min3A_853 : vector<16xf32>
    %jit3A_872 = arith.constant 1073741824 : i32
    %broadcast_in_dim3A_873 = vector.broadcast %jit3A_872 : i32 to vector<16xi32>
    %select_n3A_874 = arith.select %eq3A_871, %add3A_631, %broadcast_in_dim3A_873 : vector<16xi1>, vector<16xi32>
    %min3A_875 = arith.minsi %min3A_870, %select_n3A_874 : vector<16xi32>
    %eq3A_876 = arith.cmpf oeq, %select_n3A_829, %min3A_853 : vector<16xf32>
    %jit3A_877 = arith.constant 1073741824 : i32
    %broadcast_in_dim3A_878 = vector.broadcast %jit3A_877 : i32 to vector<16xi32>
    %select_n3A_879 = arith.select %eq3A_876, %add3A_636, %broadcast_in_dim3A_878 : vector<16xi1>, vector<16xi32>
    %min3A_880 = arith.minsi %min3A_875, %select_n3A_879 : vector<16xi32>
    %eq3A_881 = arith.cmpf oeq, %select_n3A_833, %min3A_853 : vector<16xf32>
    %jit3A_882 = arith.constant 1073741824 : i32
    %broadcast_in_dim3A_883 = vector.broadcast %jit3A_882 : i32 to vector<16xi32>
    %select_n3A_884 = arith.select %eq3A_881, %add3A_641, %broadcast_in_dim3A_883 : vector<16xi1>, vector<16xi32>
    %min3A_885 = arith.minsi %min3A_880, %select_n3A_884 : vector<16xi32>
    %eq3A_886 = arith.cmpf oeq, %select_n3A_837, %min3A_853 : vector<16xf32>
    %jit3A_887 = arith.constant 1073741824 : i32
    %broadcast_in_dim3A_888 = vector.broadcast %jit3A_887 : i32 to vector<16xi32>
    %select_n3A_889 = arith.select %eq3A_886, %add3A_646, %broadcast_in_dim3A_888 : vector<16xi1>, vector<16xi32>
    %min3A_890 = arith.minsi %min3A_885, %select_n3A_889 : vector<16xi32>
    %eq3A_891 = arith.cmpf oeq, %select_n3A_841, %min3A_853 : vector<16xf32>
    %jit3A_892 = arith.constant 1073741824 : i32
    %broadcast_in_dim3A_893 = vector.broadcast %jit3A_892 : i32 to vector<16xi32>
    %select_n3A_894 = arith.select %eq3A_891, %add3A_651, %broadcast_in_dim3A_893 : vector<16xi1>, vector<16xi32>
    %min3A_895 = arith.minsi %min3A_890, %select_n3A_894 : vector<16xi32>
    %eq3A_896 = arith.cmpf oeq, %select_n3A_845, %min3A_853 : vector<16xf32>
    %jit3A_897 = arith.constant 1073741824 : i32
    %broadcast_in_dim3A_898 = vector.broadcast %jit3A_897 : i32 to vector<16xi32>
    %select_n3A_899 = arith.select %eq3A_896, %add3A_656, %broadcast_in_dim3A_898 : vector<16xi1>, vector<16xi32>
    %min3A_900 = arith.minsi %min3A_895, %select_n3A_899 : vector<16xi32>
    %swap3A_901 = arith.constant 64 : index
    %swap3A_902 = tpu.vector_load %arg13[%swap3A_901] {strides = array<i32>} : memref<128xi32, #tpu.memory_space<vmem>>, vector<16xi32>,
    %swap3A_903 = vector.shape_cast %swap3A_902 : vector<16xi32> to vector<16xi32>
    %swap3A_904 = vector.shape_cast %min3A_900 : vector<16xi32> to vector<16xi32>
    tpu.vector_store %arg13[%swap3A_901], %swap3A_904 {strides = array<i32>} : memref<128xi32, #tpu.memory_space<vmem>>, vector<16xi32>,
    %eq3A_905 = arith.cmpi eq, %add3A_616, %min3A_900 : vector<16xi32>
    %jit3A_906 = arith.constant 1.000000e+30 : f32
    %broadcast_in_dim3A_907 = vector.broadcast %jit3A_906 : f32 to vector<16xf32>
    %select_n3A_908 = arith.select %eq3A_905, %broadcast_in_dim3A_907, %select_n3A_813 : vector<16xi1>, vector<16xf32>
    %eq3A_909 = arith.cmpi eq, %add3A_621, %min3A_900 : vector<16xi32>
    %jit3A_910 = arith.constant 1.000000e+30 : f32
    %broadcast_in_dim3A_911 = vector.broadcast %jit3A_910 : f32 to vector<16xf32>
    %select_n3A_912 = arith.select %eq3A_909, %broadcast_in_dim3A_911, %select_n3A_817 : vector<16xi1>, vector<16xf32>
    %eq3A_913 = arith.cmpi eq, %add3A_626, %min3A_900 : vector<16xi32>
    %jit3A_914 = arith.constant 1.000000e+30 : f32
    %broadcast_in_dim3A_915 = vector.broadcast %jit3A_914 : f32 to vector<16xf32>
    %select_n3A_916 = arith.select %eq3A_913, %broadcast_in_dim3A_915, %select_n3A_821 : vector<16xi1>, vector<16xf32>
    %eq3A_917 = arith.cmpi eq, %add3A_631, %min3A_900 : vector<16xi32>
    %jit3A_918 = arith.constant 1.000000e+30 : f32
    %broadcast_in_dim3A_919 = vector.broadcast %jit3A_918 : f32 to vector<16xf32>
    %select_n3A_920 = arith.select %eq3A_917, %broadcast_in_dim3A_919, %select_n3A_825 : vector<16xi1>, vector<16xf32>
    %eq3A_921 = arith.cmpi eq, %add3A_636, %min3A_900 : vector<16xi32>
    %jit3A_922 = arith.constant 1.000000e+30 : f32
    %broadcast_in_dim3A_923 = vector.broadcast %jit3A_922 : f32 to vector<16xf32>
    %select_n3A_924 = arith.select %eq3A_921, %broadcast_in_dim3A_923, %select_n3A_829 : vector<16xi1>, vector<16xf32>
    %eq3A_925 = arith.cmpi eq, %add3A_641, %min3A_900 : vector<16xi32>
    %jit3A_926 = arith.constant 1.000000e+30 : f32
    %broadcast_in_dim3A_927 = vector.broadcast %jit3A_926 : f32 to vector<16xf32>
    %select_n3A_928 = arith.select %eq3A_925, %broadcast_in_dim3A_927, %select_n3A_833 : vector<16xi1>, vector<16xf32>
    %eq3A_929 = arith.cmpi eq, %add3A_646, %min3A_900 : vector<16xi32>
    %jit3A_930 = arith.constant 1.000000e+30 : f32
    %broadcast_in_dim3A_931 = vector.broadcast %jit3A_930 : f32 to vector<16xf32>
    %select_n3A_932 = arith.select %eq3A_929, %broadcast_in_dim3A_931, %select_n3A_837 : vector<16xi1>, vector<16xf32>
    %eq3A_933 = arith.cmpi eq, %add3A_651, %min3A_900 : vector<16xi32>
    %jit3A_934 = arith.constant 1.000000e+30 : f32
    %broadcast_in_dim3A_935 = vector.broadcast %jit3A_934 : f32 to vector<16xf32>
    %select_n3A_936 = arith.select %eq3A_933, %broadcast_in_dim3A_935, %select_n3A_841 : vector<16xi1>, vector<16xf32>
    %eq3A_937 = arith.cmpi eq, %add3A_656, %min3A_900 : vector<16xi32>
    %jit3A_938 = arith.constant 1.000000e+30 : f32
    %broadcast_in_dim3A_939 = vector.broadcast %jit3A_938 : f32 to vector<16xf32>
    %select_n3A_940 = arith.select %eq3A_937, %broadcast_in_dim3A_939, %select_n3A_845 : vector<16xi1>, vector<16xf32>
    %min3A_941 = arith.minimumf %select_n3A_908, %select_n3A_912 : vector<16xf32>
    %min3A_942 = arith.minimumf %min3A_941, %select_n3A_916 : vector<16xf32>
    %min3A_943 = arith.minimumf %min3A_942, %select_n3A_920 : vector<16xf32>
    %min3A_944 = arith.minimumf %min3A_943, %select_n3A_924 : vector<16xf32>
    %min3A_945 = arith.minimumf %min3A_944, %select_n3A_928 : vector<16xf32>
    %min3A_946 = arith.minimumf %min3A_945, %select_n3A_932 : vector<16xf32>
    %min3A_947 = arith.minimumf %min3A_946, %select_n3A_936 : vector<16xf32>
    %min3A_948 = arith.minimumf %min3A_947, %select_n3A_940 : vector<16xf32>
    %broadcast_in_dim3A_949 = arith.constant 1073741824 : i32
    %broadcast_in_dim3A_950 = vector.broadcast %broadcast_in_dim3A_949 : i32 to vector<16xi32>
    %eq3A_951 = arith.cmpf oeq, %select_n3A_908, %min3A_948 : vector<16xf32>
    %jit3A_952 = arith.constant 1073741824 : i32
    %broadcast_in_dim3A_953 = vector.broadcast %jit3A_952 : i32 to vector<16xi32>
    %select_n3A_954 = arith.select %eq3A_951, %add3A_616, %broadcast_in_dim3A_953 : vector<16xi1>, vector<16xi32>
    %min3A_955 = arith.minsi %broadcast_in_dim3A_950, %select_n3A_954 : vector<16xi32>
    %eq3A_956 = arith.cmpf oeq, %select_n3A_912, %min3A_948 : vector<16xf32>
    %jit3A_957 = arith.constant 1073741824 : i32
    %broadcast_in_dim3A_958 = vector.broadcast %jit3A_957 : i32 to vector<16xi32>
    %select_n3A_959 = arith.select %eq3A_956, %add3A_621, %broadcast_in_dim3A_958 : vector<16xi1>, vector<16xi32>
    %min3A_960 = arith.minsi %min3A_955, %select_n3A_959 : vector<16xi32>
    %eq3A_961 = arith.cmpf oeq, %select_n3A_916, %min3A_948 : vector<16xf32>
    %jit3A_962 = arith.constant 1073741824 : i32
    %broadcast_in_dim3A_963 = vector.broadcast %jit3A_962 : i32 to vector<16xi32>
    %select_n3A_964 = arith.select %eq3A_961, %add3A_626, %broadcast_in_dim3A_963 : vector<16xi1>, vector<16xi32>
    %min3A_965 = arith.minsi %min3A_960, %select_n3A_964 : vector<16xi32>
    %eq3A_966 = arith.cmpf oeq, %select_n3A_920, %min3A_948 : vector<16xf32>
    %jit3A_967 = arith.constant 1073741824 : i32
    %broadcast_in_dim3A_968 = vector.broadcast %jit3A_967 : i32 to vector<16xi32>
    %select_n3A_969 = arith.select %eq3A_966, %add3A_631, %broadcast_in_dim3A_968 : vector<16xi1>, vector<16xi32>
    %min3A_970 = arith.minsi %min3A_965, %select_n3A_969 : vector<16xi32>
    %eq3A_971 = arith.cmpf oeq, %select_n3A_924, %min3A_948 : vector<16xf32>
    %jit3A_972 = arith.constant 1073741824 : i32
    %broadcast_in_dim3A_973 = vector.broadcast %jit3A_972 : i32 to vector<16xi32>
    %select_n3A_974 = arith.select %eq3A_971, %add3A_636, %broadcast_in_dim3A_973 : vector<16xi1>, vector<16xi32>
    %min3A_975 = arith.minsi %min3A_970, %select_n3A_974 : vector<16xi32>
    %eq3A_976 = arith.cmpf oeq, %select_n3A_928, %min3A_948 : vector<16xf32>
    %jit3A_977 = arith.constant 1073741824 : i32
    %broadcast_in_dim3A_978 = vector.broadcast %jit3A_977 : i32 to vector<16xi32>
    %select_n3A_979 = arith.select %eq3A_976, %add3A_641, %broadcast_in_dim3A_978 : vector<16xi1>, vector<16xi32>
    %min3A_980 = arith.minsi %min3A_975, %select_n3A_979 : vector<16xi32>
    %eq3A_981 = arith.cmpf oeq, %select_n3A_932, %min3A_948 : vector<16xf32>
    %jit3A_982 = arith.constant 1073741824 : i32
    %broadcast_in_dim3A_983 = vector.broadcast %jit3A_982 : i32 to vector<16xi32>
    %select_n3A_984 = arith.select %eq3A_981, %add3A_646, %broadcast_in_dim3A_983 : vector<16xi1>, vector<16xi32>
    %min3A_985 = arith.minsi %min3A_980, %select_n3A_984 : vector<16xi32>
    %eq3A_986 = arith.cmpf oeq, %select_n3A_936, %min3A_948 : vector<16xf32>
    %jit3A_987 = arith.constant 1073741824 : i32
    %broadcast_in_dim3A_988 = vector.broadcast %jit3A_987 : i32 to vector<16xi32>
    %select_n3A_989 = arith.select %eq3A_986, %add3A_651, %broadcast_in_dim3A_988 : vector<16xi1>, vector<16xi32>
    %min3A_990 = arith.minsi %min3A_985, %select_n3A_989 : vector<16xi32>
    %eq3A_991 = arith.cmpf oeq, %select_n3A_940, %min3A_948 : vector<16xf32>
    %jit3A_992 = arith.constant 1073741824 : i32
    %broadcast_in_dim3A_993 = vector.broadcast %jit3A_992 : i32 to vector<16xi32>
    %select_n3A_994 = arith.select %eq3A_991, %add3A_656, %broadcast_in_dim3A_993 : vector<16xi1>, vector<16xi32>
    %min3A_995 = arith.minsi %min3A_990, %select_n3A_994 : vector<16xi32>
    %swap3A_996 = arith.constant 96 : index
    %swap3A_997 = tpu.vector_load %arg13[%swap3A_996] {strides = array<i32>} : memref<128xi32, #tpu.memory_space<vmem>>, vector<16xi32>,
    %swap3A_998 = vector.shape_cast %swap3A_997 : vector<16xi32> to vector<16xi32>
    %swap3A_999 = vector.shape_cast %min3A_995 : vector<16xi32> to vector<16xi32>
    tpu.vector_store %arg13[%swap3A_996], %swap3A_999 {strides = array<i32>} : memref<128xi32, #tpu.memory_space<vmem>>, vector<16xi32>,
    %eq3A_1000 = arith.cmpi eq, %add3A_616, %min3A_995 : vector<16xi32>
    %jit3A_1001 = arith.constant 1.000000e+30 : f32
    %broadcast_in_dim3A_1002 = vector.broadcast %jit3A_1001 : f32 to vector<16xf32>
    %select_n3A_1003 = arith.select %eq3A_1000, %broadcast_in_dim3A_1002, %select_n3A_908 : vector<16xi1>, vector<16xf32>
    %eq3A_1004 = arith.cmpi eq, %add3A_621, %min3A_995 : vector<16xi32>
    %jit3A_1005 = arith.constant 1.000000e+30 : f32
    %broadcast_in_dim3A_1006 = vector.broadcast %jit3A_1005 : f32 to vector<16xf32>
    %select_n3A_1007 = arith.select %eq3A_1004, %broadcast_in_dim3A_1006, %select_n3A_912 : vector<16xi1>, vector<16xf32>
    %eq3A_1008 = arith.cmpi eq, %add3A_626, %min3A_995 : vector<16xi32>
    %jit3A_1009 = arith.constant 1.000000e+30 : f32
    %broadcast_in_dim3A_1010 = vector.broadcast %jit3A_1009 : f32 to vector<16xf32>
    %select_n3A_1011 = arith.select %eq3A_1008, %broadcast_in_dim3A_1010, %select_n3A_916 : vector<16xi1>, vector<16xf32>
    %eq3A_1012 = arith.cmpi eq, %add3A_631, %min3A_995 : vector<16xi32>
    %jit3A_1013 = arith.constant 1.000000e+30 : f32
    %broadcast_in_dim3A_1014 = vector.broadcast %jit3A_1013 : f32 to vector<16xf32>
    %select_n3A_1015 = arith.select %eq3A_1012, %broadcast_in_dim3A_1014, %select_n3A_920 : vector<16xi1>, vector<16xf32>
    %eq3A_1016 = arith.cmpi eq, %add3A_636, %min3A_995 : vector<16xi32>
    %jit3A_1017 = arith.constant 1.000000e+30 : f32
    %broadcast_in_dim3A_1018 = vector.broadcast %jit3A_1017 : f32 to vector<16xf32>
    %select_n3A_1019 = arith.select %eq3A_1016, %broadcast_in_dim3A_1018, %select_n3A_924 : vector<16xi1>, vector<16xf32>
    %eq3A_1020 = arith.cmpi eq, %add3A_641, %min3A_995 : vector<16xi32>
    %jit3A_1021 = arith.constant 1.000000e+30 : f32
    %broadcast_in_dim3A_1022 = vector.broadcast %jit3A_1021 : f32 to vector<16xf32>
    %select_n3A_1023 = arith.select %eq3A_1020, %broadcast_in_dim3A_1022, %select_n3A_928 : vector<16xi1>, vector<16xf32>
    %eq3A_1024 = arith.cmpi eq, %add3A_646, %min3A_995 : vector<16xi32>
    %jit3A_1025 = arith.constant 1.000000e+30 : f32
    %broadcast_in_dim3A_1026 = vector.broadcast %jit3A_1025 : f32 to vector<16xf32>
    %select_n3A_1027 = arith.select %eq3A_1024, %broadcast_in_dim3A_1026, %select_n3A_932 : vector<16xi1>, vector<16xf32>
    %eq3A_1028 = arith.cmpi eq, %add3A_651, %min3A_995 : vector<16xi32>
    %jit3A_1029 = arith.constant 1.000000e+30 : f32
    %broadcast_in_dim3A_1030 = vector.broadcast %jit3A_1029 : f32 to vector<16xf32>
    %select_n3A_1031 = arith.select %eq3A_1028, %broadcast_in_dim3A_1030, %select_n3A_936 : vector<16xi1>, vector<16xf32>
    %eq3A_1032 = arith.cmpi eq, %add3A_656, %min3A_995 : vector<16xi32>
    %jit3A_1033 = arith.constant 1.000000e+30 : f32
    %broadcast_in_dim3A_1034 = vector.broadcast %jit3A_1033 : f32 to vector<16xf32>
    %select_n3A_1035 = arith.select %eq3A_1032, %broadcast_in_dim3A_1034, %select_n3A_940 : vector<16xi1>, vector<16xf32>
    %get3A_1036 = arith.constant 16 : index
    %get3A_1037 = tpu.vector_load %arg7[%get3A_1036] {strides = array<i32>} : memref<32xf32, #tpu.memory_space<vmem>>, vector<16xf32>,
    %get3A_1038 = vector.shape_cast %get3A_1037 : vector<16xf32> to vector<16xf32>
    %get3A_1039 = arith.constant 16 : index
    %get3A_1040 = tpu.vector_load %arg8[%get3A_1039] {strides = array<i32>} : memref<32xf32, #tpu.memory_space<vmem>>, vector<16xf32>,
    %get3A_1041 = vector.shape_cast %get3A_1040 : vector<16xf32> to vector<16xf32>
    %mul3A_1042 = arith.constant 6.250000e-02 : f32
    %mul3A_1043 = vector.broadcast %mul3A_1042 : f32 to vector<16xf32>
    %mul3A_1044 = arith.mulf %get3A_1038, %mul3A_1043 : vector<16xf32>
    %convert_element_type3A_1045 = arith.fptosi %mul3A_1044 : vector<16xf32> to vector<16xi32>
    %convert_element_type3A_1046 = arith.sitofp %convert_element_type3A_1045 : vector<16xi32> to vector<16xf32>
    %mul3A_1047 = arith.constant 1.600000e+01 : f32
    %mul3A_1048 = vector.broadcast %mul3A_1047 : f32 to vector<16xf32>
    %mul3A_1049 = arith.mulf %mul3A_1048, %convert_element_type3A_1046 : vector<16xf32>
    %add3A_1050 = arith.constant 8.000000e+00 : f32
    %add3A_1051 = vector.broadcast %add3A_1050 : f32 to vector<16xf32>
    %add3A_1052 = arith.addf %mul3A_1049, %add3A_1051 : vector<16xf32>
    %sub3A_1053 = arith.subf %get3A_1038, %add3A_1052 : vector<16xf32>
    %ge3A_1054 = arith.constant 0.000000e+00 : f32
    %ge3A_1055 = vector.broadcast %ge3A_1054 : f32 to vector<16xf32>
    %ge3A_1056 = arith.cmpf oge, %sub3A_1053, %ge3A_1055 : vector<16xf32>
    %jit3A_1057 = arith.constant 1 : i32
    %jit3A_1058 = arith.constant -1 : i32
    %broadcast_in_dim3A_1059 = vector.broadcast %jit3A_1057 : i32 to vector<16xi32>
    %broadcast_in_dim3A_1060 = vector.broadcast %jit3A_1058 : i32 to vector<16xi32>
    %select_n3A_1061 = arith.select %ge3A_1056, %broadcast_in_dim3A_1059, %broadcast_in_dim3A_1060 : vector<16xi1>, vector<16xi32>
    %add3A_1062 = arith.addi %convert_element_type3A_1045, %select_n3A_1061 : vector<16xi32>
    %ge3A_1063 = arith.constant 0 : i32
    %ge3A_1064 = vector.broadcast %ge3A_1063 : i32 to vector<16xi32>
    %ge3A_1065 = arith.cmpi sge, %add3A_1062, %ge3A_1064 : vector<16xi32>
    %le3A_1066 = arith.constant 31 : i32
    %le3A_1067 = vector.broadcast %le3A_1066 : i32 to vector<16xi32>
    %le3A_1068 = arith.cmpi sle, %add3A_1062, %le3A_1067 : vector<16xi32>
    %and3A_1069 = arith.andi %ge3A_1065, %le3A_1068 : vector<16xi1>
    %sub3A_1070 = arith.subi %convert_element_type3A_1045, %select_n3A_1061 : vector<16xi32>
    %select_n3A_1071 = arith.select %and3A_1069, %add3A_1062, %sub3A_1070 : vector<16xi1>, vector<16xi32>
    %sub3A_1072 = arith.subi %convert_element_type3A_1045, %select_n3A_1061 : vector<16xi32>
    %ge3A_1073 = arith.constant 0 : i32
    %ge3A_1074 = vector.broadcast %ge3A_1073 : i32 to vector<16xi32>
    %ge3A_1075 = arith.cmpi sge, %sub3A_1072, %ge3A_1074 : vector<16xi32>
    %le3A_1076 = arith.constant 31 : i32
    %le3A_1077 = vector.broadcast %le3A_1076 : i32 to vector<16xi32>
    %le3A_1078 = arith.cmpi sle, %sub3A_1072, %le3A_1077 : vector<16xi32>
    %and3A_1079 = arith.andi %ge3A_1075, %le3A_1078 : vector<16xi1>
    %mul3A_1080 = arith.constant 2 : i32
    %mul3A_1081 = vector.broadcast %mul3A_1080 : i32 to vector<16xi32>
    %mul3A_1082 = arith.muli %mul3A_1081, %select_n3A_1061 : vector<16xi32>
    %sub3A_1083 = arith.subi %convert_element_type3A_1045, %mul3A_1082 : vector<16xi32>
    %select_n3A_1084 = arith.select %and3A_1069, %sub3A_1072, %sub3A_1083 : vector<16xi1>, vector<16xi32>
    %mul3A_1085 = arith.constant 2 : i32
    %mul3A_1086 = vector.broadcast %mul3A_1085 : i32 to vector<16xi32>
    %mul3A_1087 = arith.muli %mul3A_1086, %select_n3A_1061 : vector<16xi32>
    %add3A_1088 = arith.addi %convert_element_type3A_1045, %mul3A_1087 : vector<16xi32>
    %select_n3A_1089 = arith.select %and3A_1079, %select_n3A_1084, %add3A_1088 : vector<16xi1>, vector<16xi32>
    %convert_element_type3A_1090 = arith.sitofp %convert_element_type3A_1045 : vector<16xi32> to vector<16xf32>
    %mul3A_1091 = arith.constant 1.600000e+01 : f32
    %mul3A_1092 = vector.broadcast %mul3A_1091 : f32 to vector<16xf32>
    %mul3A_1093 = arith.mulf %mul3A_1092, %convert_element_type3A_1090 : vector<16xf32>
    %add3A_1094 = arith.constant 8.000000e+00 : f32
    %add3A_1095 = vector.broadcast %add3A_1094 : f32 to vector<16xf32>
    %add3A_1096 = arith.addf %mul3A_1093, %add3A_1095 : vector<16xf32>
    %sub3A_1097 = arith.subf %get3A_1038, %add3A_1096 : vector<16xf32>
    %mul3A_1098 = arith.mulf %sub3A_1097, %sub3A_1097 : vector<16xf32>
    %convert_element_type3A_1099 = arith.sitofp %select_n3A_1071 : vector<16xi32> to vector<16xf32>
    %mul3A_1100 = arith.constant 1.600000e+01 : f32
    %mul3A_1101 = vector.broadcast %mul3A_1100 : f32 to vector<16xf32>
    %mul3A_1102 = arith.mulf %mul3A_1101, %convert_element_type3A_1099 : vector<16xf32>
    %add3A_1103 = arith.constant 8.000000e+00 : f32
    %add3A_1104 = vector.broadcast %add3A_1103 : f32 to vector<16xf32>
    %add3A_1105 = arith.addf %mul3A_1102, %add3A_1104 : vector<16xf32>
    %sub3A_1106 = arith.subf %get3A_1038, %add3A_1105 : vector<16xf32>
    %mul3A_1107 = arith.mulf %sub3A_1106, %sub3A_1106 : vector<16xf32>
    %convert_element_type3A_1108 = arith.sitofp %select_n3A_1089 : vector<16xi32> to vector<16xf32>
    %mul3A_1109 = arith.constant 1.600000e+01 : f32
    %mul3A_1110 = vector.broadcast %mul3A_1109 : f32 to vector<16xf32>
    %mul3A_1111 = arith.mulf %mul3A_1110, %convert_element_type3A_1108 : vector<16xf32>
    %add3A_1112 = arith.constant 8.000000e+00 : f32
    %add3A_1113 = vector.broadcast %add3A_1112 : f32 to vector<16xf32>
    %add3A_1114 = arith.addf %mul3A_1111, %add3A_1113 : vector<16xf32>
    %sub3A_1115 = arith.subf %get3A_1038, %add3A_1114 : vector<16xf32>
    %mul3A_1116 = arith.mulf %sub3A_1115, %sub3A_1115 : vector<16xf32>
    %mul3A_1117 = arith.constant 6.250000e-02 : f32
    %mul3A_1118 = vector.broadcast %mul3A_1117 : f32 to vector<16xf32>
    %mul3A_1119 = arith.mulf %get3A_1041, %mul3A_1118 : vector<16xf32>
    %convert_element_type3A_1120 = arith.fptosi %mul3A_1119 : vector<16xf32> to vector<16xi32>
    %convert_element_type3A_1121 = arith.sitofp %convert_element_type3A_1120 : vector<16xi32> to vector<16xf32>
    %mul3A_1122 = arith.constant 1.600000e+01 : f32
    %mul3A_1123 = vector.broadcast %mul3A_1122 : f32 to vector<16xf32>
    %mul3A_1124 = arith.mulf %mul3A_1123, %convert_element_type3A_1121 : vector<16xf32>
    %add3A_1125 = arith.constant 8.000000e+00 : f32
    %add3A_1126 = vector.broadcast %add3A_1125 : f32 to vector<16xf32>
    %add3A_1127 = arith.addf %mul3A_1124, %add3A_1126 : vector<16xf32>
    %sub3A_1128 = arith.subf %get3A_1041, %add3A_1127 : vector<16xf32>
    %ge3A_1129 = arith.constant 0.000000e+00 : f32
    %ge3A_1130 = vector.broadcast %ge3A_1129 : f32 to vector<16xf32>
    %ge3A_1131 = arith.cmpf oge, %sub3A_1128, %ge3A_1130 : vector<16xf32>
    %jit3A_1132 = arith.constant 1 : i32
    %jit3A_1133 = arith.constant -1 : i32
    %broadcast_in_dim3A_1134 = vector.broadcast %jit3A_1132 : i32 to vector<16xi32>
    %broadcast_in_dim3A_1135 = vector.broadcast %jit3A_1133 : i32 to vector<16xi32>
    %select_n3A_1136 = arith.select %ge3A_1131, %broadcast_in_dim3A_1134, %broadcast_in_dim3A_1135 : vector<16xi1>, vector<16xi32>
    %add3A_1137 = arith.addi %convert_element_type3A_1120, %select_n3A_1136 : vector<16xi32>
    %ge3A_1138 = arith.constant 0 : i32
    %ge3A_1139 = vector.broadcast %ge3A_1138 : i32 to vector<16xi32>
    %ge3A_1140 = arith.cmpi sge, %add3A_1137, %ge3A_1139 : vector<16xi32>
    %le3A_1141 = arith.constant 31 : i32
    %le3A_1142 = vector.broadcast %le3A_1141 : i32 to vector<16xi32>
    %le3A_1143 = arith.cmpi sle, %add3A_1137, %le3A_1142 : vector<16xi32>
    %and3A_1144 = arith.andi %ge3A_1140, %le3A_1143 : vector<16xi1>
    %sub3A_1145 = arith.subi %convert_element_type3A_1120, %select_n3A_1136 : vector<16xi32>
    %select_n3A_1146 = arith.select %and3A_1144, %add3A_1137, %sub3A_1145 : vector<16xi1>, vector<16xi32>
    %sub3A_1147 = arith.subi %convert_element_type3A_1120, %select_n3A_1136 : vector<16xi32>
    %ge3A_1148 = arith.constant 0 : i32
    %ge3A_1149 = vector.broadcast %ge3A_1148 : i32 to vector<16xi32>
    %ge3A_1150 = arith.cmpi sge, %sub3A_1147, %ge3A_1149 : vector<16xi32>
    %le3A_1151 = arith.constant 31 : i32
    %le3A_1152 = vector.broadcast %le3A_1151 : i32 to vector<16xi32>
    %le3A_1153 = arith.cmpi sle, %sub3A_1147, %le3A_1152 : vector<16xi32>
    %and3A_1154 = arith.andi %ge3A_1150, %le3A_1153 : vector<16xi1>
    %mul3A_1155 = arith.constant 2 : i32
    %mul3A_1156 = vector.broadcast %mul3A_1155 : i32 to vector<16xi32>
    %mul3A_1157 = arith.muli %mul3A_1156, %select_n3A_1136 : vector<16xi32>
    %sub3A_1158 = arith.subi %convert_element_type3A_1120, %mul3A_1157 : vector<16xi32>
    %select_n3A_1159 = arith.select %and3A_1144, %sub3A_1147, %sub3A_1158 : vector<16xi1>, vector<16xi32>
    %mul3A_1160 = arith.constant 2 : i32
    %mul3A_1161 = vector.broadcast %mul3A_1160 : i32 to vector<16xi32>
    %mul3A_1162 = arith.muli %mul3A_1161, %select_n3A_1136 : vector<16xi32>
    %add3A_1163 = arith.addi %convert_element_type3A_1120, %mul3A_1162 : vector<16xi32>
    %select_n3A_1164 = arith.select %and3A_1154, %select_n3A_1159, %add3A_1163 : vector<16xi1>, vector<16xi32>
    %convert_element_type3A_1165 = arith.sitofp %convert_element_type3A_1120 : vector<16xi32> to vector<16xf32>
    %mul3A_1166 = arith.constant 1.600000e+01 : f32
    %mul3A_1167 = vector.broadcast %mul3A_1166 : f32 to vector<16xf32>
    %mul3A_1168 = arith.mulf %mul3A_1167, %convert_element_type3A_1165 : vector<16xf32>
    %add3A_1169 = arith.constant 8.000000e+00 : f32
    %add3A_1170 = vector.broadcast %add3A_1169 : f32 to vector<16xf32>
    %add3A_1171 = arith.addf %mul3A_1168, %add3A_1170 : vector<16xf32>
    %sub3A_1172 = arith.subf %get3A_1041, %add3A_1171 : vector<16xf32>
    %mul3A_1173 = arith.mulf %sub3A_1172, %sub3A_1172 : vector<16xf32>
    %convert_element_type3A_1174 = arith.sitofp %select_n3A_1146 : vector<16xi32> to vector<16xf32>
    %mul3A_1175 = arith.constant 1.600000e+01 : f32
    %mul3A_1176 = vector.broadcast %mul3A_1175 : f32 to vector<16xf32>
    %mul3A_1177 = arith.mulf %mul3A_1176, %convert_element_type3A_1174 : vector<16xf32>
    %add3A_1178 = arith.constant 8.000000e+00 : f32
    %add3A_1179 = vector.broadcast %add3A_1178 : f32 to vector<16xf32>
    %add3A_1180 = arith.addf %mul3A_1177, %add3A_1179 : vector<16xf32>
    %sub3A_1181 = arith.subf %get3A_1041, %add3A_1180 : vector<16xf32>
    %mul3A_1182 = arith.mulf %sub3A_1181, %sub3A_1181 : vector<16xf32>
    %convert_element_type3A_1183 = arith.sitofp %select_n3A_1164 : vector<16xi32> to vector<16xf32>
    %mul3A_1184 = arith.constant 1.600000e+01 : f32
    %mul3A_1185 = vector.broadcast %mul3A_1184 : f32 to vector<16xf32>
    %mul3A_1186 = arith.mulf %mul3A_1185, %convert_element_type3A_1183 : vector<16xf32>
    %add3A_1187 = arith.constant 8.000000e+00 : f32
    %add3A_1188 = vector.broadcast %add3A_1187 : f32 to vector<16xf32>
    %add3A_1189 = arith.addf %mul3A_1186, %add3A_1188 : vector<16xf32>
    %sub3A_1190 = arith.subf %get3A_1041, %add3A_1189 : vector<16xf32>
    %mul3A_1191 = arith.mulf %sub3A_1190, %sub3A_1190 : vector<16xf32>
    %add3A_1192 = arith.addf %mul3A_1098, %mul3A_1173 : vector<16xf32>
    %mul3A_1193 = arith.constant 32 : i32
    %mul3A_1194 = vector.broadcast %mul3A_1193 : i32 to vector<16xi32>
    %mul3A_1195 = arith.muli %convert_element_type3A_1120, %mul3A_1194 : vector<16xi32>
    %add3A_1196 = arith.addi %mul3A_1195, %convert_element_type3A_1045 : vector<16xi32>
    %add3A_1197 = arith.addf %mul3A_1107, %mul3A_1173 : vector<16xf32>
    %mul3A_1198 = arith.constant 32 : i32
    %mul3A_1199 = vector.broadcast %mul3A_1198 : i32 to vector<16xi32>
    %mul3A_1200 = arith.muli %convert_element_type3A_1120, %mul3A_1199 : vector<16xi32>
    %add3A_1201 = arith.addi %mul3A_1200, %select_n3A_1071 : vector<16xi32>
    %add3A_1202 = arith.addf %mul3A_1116, %mul3A_1173 : vector<16xf32>
    %mul3A_1203 = arith.constant 32 : i32
    %mul3A_1204 = vector.broadcast %mul3A_1203 : i32 to vector<16xi32>
    %mul3A_1205 = arith.muli %convert_element_type3A_1120, %mul3A_1204 : vector<16xi32>
    %add3A_1206 = arith.addi %mul3A_1205, %select_n3A_1089 : vector<16xi32>
    %add3A_1207 = arith.addf %mul3A_1098, %mul3A_1182 : vector<16xf32>
    %mul3A_1208 = arith.constant 32 : i32
    %mul3A_1209 = vector.broadcast %mul3A_1208 : i32 to vector<16xi32>
    %mul3A_1210 = arith.muli %select_n3A_1146, %mul3A_1209 : vector<16xi32>
    %add3A_1211 = arith.addi %mul3A_1210, %convert_element_type3A_1045 : vector<16xi32>
    %add3A_1212 = arith.addf %mul3A_1107, %mul3A_1182 : vector<16xf32>
    %mul3A_1213 = arith.constant 32 : i32
    %mul3A_1214 = vector.broadcast %mul3A_1213 : i32 to vector<16xi32>
    %mul3A_1215 = arith.muli %select_n3A_1146, %mul3A_1214 : vector<16xi32>
    %add3A_1216 = arith.addi %mul3A_1215, %select_n3A_1071 : vector<16xi32>
    %add3A_1217 = arith.addf %mul3A_1116, %mul3A_1182 : vector<16xf32>
    %mul3A_1218 = arith.constant 32 : i32
    %mul3A_1219 = vector.broadcast %mul3A_1218 : i32 to vector<16xi32>
    %mul3A_1220 = arith.muli %select_n3A_1146, %mul3A_1219 : vector<16xi32>
    %add3A_1221 = arith.addi %mul3A_1220, %select_n3A_1089 : vector<16xi32>
    %add3A_1222 = arith.addf %mul3A_1098, %mul3A_1191 : vector<16xf32>
    %mul3A_1223 = arith.constant 32 : i32
    %mul3A_1224 = vector.broadcast %mul3A_1223 : i32 to vector<16xi32>
    %mul3A_1225 = arith.muli %select_n3A_1164, %mul3A_1224 : vector<16xi32>
    %add3A_1226 = arith.addi %mul3A_1225, %convert_element_type3A_1045 : vector<16xi32>
    %add3A_1227 = arith.addf %mul3A_1107, %mul3A_1191 : vector<16xf32>
    %mul3A_1228 = arith.constant 32 : i32
    %mul3A_1229 = vector.broadcast %mul3A_1228 : i32 to vector<16xi32>
    %mul3A_1230 = arith.muli %select_n3A_1164, %mul3A_1229 : vector<16xi32>
    %add3A_1231 = arith.addi %mul3A_1230, %select_n3A_1071 : vector<16xi32>
    %add3A_1232 = arith.addf %mul3A_1116, %mul3A_1191 : vector<16xf32>
    %mul3A_1233 = arith.constant 32 : i32
    %mul3A_1234 = vector.broadcast %mul3A_1233 : i32 to vector<16xi32>
    %mul3A_1235 = arith.muli %select_n3A_1164, %mul3A_1234 : vector<16xi32>
    %add3A_1236 = arith.addi %mul3A_1235, %select_n3A_1089 : vector<16xi32>
    %min3A_1237 = arith.minimumf %add3A_1192, %add3A_1197 : vector<16xf32>
    %min3A_1238 = arith.minimumf %min3A_1237, %add3A_1202 : vector<16xf32>
    %min3A_1239 = arith.minimumf %min3A_1238, %add3A_1207 : vector<16xf32>
    %min3A_1240 = arith.minimumf %min3A_1239, %add3A_1212 : vector<16xf32>
    %min3A_1241 = arith.minimumf %min3A_1240, %add3A_1217 : vector<16xf32>
    %min3A_1242 = arith.minimumf %min3A_1241, %add3A_1222 : vector<16xf32>
    %min3A_1243 = arith.minimumf %min3A_1242, %add3A_1227 : vector<16xf32>
    %min3A_1244 = arith.minimumf %min3A_1243, %add3A_1232 : vector<16xf32>
    %broadcast_in_dim3A_1245 = arith.constant 1073741824 : i32
    %broadcast_in_dim3A_1246 = vector.broadcast %broadcast_in_dim3A_1245 : i32 to vector<16xi32>
    %eq3A_1247 = arith.cmpf oeq, %add3A_1192, %min3A_1244 : vector<16xf32>
    %jit3A_1248 = arith.constant 1073741824 : i32
    %broadcast_in_dim3A_1249 = vector.broadcast %jit3A_1248 : i32 to vector<16xi32>
    %select_n3A_1250 = arith.select %eq3A_1247, %add3A_1196, %broadcast_in_dim3A_1249 : vector<16xi1>, vector<16xi32>
    %min3A_1251 = arith.minsi %broadcast_in_dim3A_1246, %select_n3A_1250 : vector<16xi32>
    %eq3A_1252 = arith.cmpf oeq, %add3A_1197, %min3A_1244 : vector<16xf32>
    %jit3A_1253 = arith.constant 1073741824 : i32
    %broadcast_in_dim3A_1254 = vector.broadcast %jit3A_1253 : i32 to vector<16xi32>
    %select_n3A_1255 = arith.select %eq3A_1252, %add3A_1201, %broadcast_in_dim3A_1254 : vector<16xi1>, vector<16xi32>
    %min3A_1256 = arith.minsi %min3A_1251, %select_n3A_1255 : vector<16xi32>
    %eq3A_1257 = arith.cmpf oeq, %add3A_1202, %min3A_1244 : vector<16xf32>
    %jit3A_1258 = arith.constant 1073741824 : i32
    %broadcast_in_dim3A_1259 = vector.broadcast %jit3A_1258 : i32 to vector<16xi32>
    %select_n3A_1260 = arith.select %eq3A_1257, %add3A_1206, %broadcast_in_dim3A_1259 : vector<16xi1>, vector<16xi32>
    %min3A_1261 = arith.minsi %min3A_1256, %select_n3A_1260 : vector<16xi32>
    %eq3A_1262 = arith.cmpf oeq, %add3A_1207, %min3A_1244 : vector<16xf32>
    %jit3A_1263 = arith.constant 1073741824 : i32
    %broadcast_in_dim3A_1264 = vector.broadcast %jit3A_1263 : i32 to vector<16xi32>
    %select_n3A_1265 = arith.select %eq3A_1262, %add3A_1211, %broadcast_in_dim3A_1264 : vector<16xi1>, vector<16xi32>
    %min3A_1266 = arith.minsi %min3A_1261, %select_n3A_1265 : vector<16xi32>
    %eq3A_1267 = arith.cmpf oeq, %add3A_1212, %min3A_1244 : vector<16xf32>
    %jit3A_1268 = arith.constant 1073741824 : i32
    %broadcast_in_dim3A_1269 = vector.broadcast %jit3A_1268 : i32 to vector<16xi32>
    %select_n3A_1270 = arith.select %eq3A_1267, %add3A_1216, %broadcast_in_dim3A_1269 : vector<16xi1>, vector<16xi32>
    %min3A_1271 = arith.minsi %min3A_1266, %select_n3A_1270 : vector<16xi32>
    %eq3A_1272 = arith.cmpf oeq, %add3A_1217, %min3A_1244 : vector<16xf32>
    %jit3A_1273 = arith.constant 1073741824 : i32
    %broadcast_in_dim3A_1274 = vector.broadcast %jit3A_1273 : i32 to vector<16xi32>
    %select_n3A_1275 = arith.select %eq3A_1272, %add3A_1221, %broadcast_in_dim3A_1274 : vector<16xi1>, vector<16xi32>
    %min3A_1276 = arith.minsi %min3A_1271, %select_n3A_1275 : vector<16xi32>
    %eq3A_1277 = arith.cmpf oeq, %add3A_1222, %min3A_1244 : vector<16xf32>
    %jit3A_1278 = arith.constant 1073741824 : i32
    %broadcast_in_dim3A_1279 = vector.broadcast %jit3A_1278 : i32 to vector<16xi32>
    %select_n3A_1280 = arith.select %eq3A_1277, %add3A_1226, %broadcast_in_dim3A_1279 : vector<16xi1>, vector<16xi32>
    %min3A_1281 = arith.minsi %min3A_1276, %select_n3A_1280 : vector<16xi32>
    %eq3A_1282 = arith.cmpf oeq, %add3A_1227, %min3A_1244 : vector<16xf32>
    %jit3A_1283 = arith.constant 1073741824 : i32
    %broadcast_in_dim3A_1284 = vector.broadcast %jit3A_1283 : i32 to vector<16xi32>
    %select_n3A_1285 = arith.select %eq3A_1282, %add3A_1231, %broadcast_in_dim3A_1284 : vector<16xi1>, vector<16xi32>
    %min3A_1286 = arith.minsi %min3A_1281, %select_n3A_1285 : vector<16xi32>
    %eq3A_1287 = arith.cmpf oeq, %add3A_1232, %min3A_1244 : vector<16xf32>
    %jit3A_1288 = arith.constant 1073741824 : i32
    %broadcast_in_dim3A_1289 = vector.broadcast %jit3A_1288 : i32 to vector<16xi32>
    %select_n3A_1290 = arith.select %eq3A_1287, %add3A_1236, %broadcast_in_dim3A_1289 : vector<16xi1>, vector<16xi32>
    %min3A_1291 = arith.minsi %min3A_1286, %select_n3A_1290 : vector<16xi32>
    %swap3A_1292 = arith.constant 16 : index
    %swap3A_1293 = tpu.vector_load %arg13[%swap3A_1292] {strides = array<i32>} : memref<128xi32, #tpu.memory_space<vmem>>, vector<16xi32>,
    %swap3A_1294 = vector.shape_cast %swap3A_1293 : vector<16xi32> to vector<16xi32>
    %swap3A_1295 = vector.shape_cast %min3A_1291 : vector<16xi32> to vector<16xi32>
    tpu.vector_store %arg13[%swap3A_1292], %swap3A_1295 {strides = array<i32>} : memref<128xi32, #tpu.memory_space<vmem>>, vector<16xi32>,
    %eq3A_1296 = arith.cmpi eq, %add3A_1196, %min3A_1291 : vector<16xi32>
    %jit3A_1297 = arith.constant 1.000000e+30 : f32
    %broadcast_in_dim3A_1298 = vector.broadcast %jit3A_1297 : f32 to vector<16xf32>
    %select_n3A_1299 = arith.select %eq3A_1296, %broadcast_in_dim3A_1298, %add3A_1192 : vector<16xi1>, vector<16xf32>
    %eq3A_1300 = arith.cmpi eq, %add3A_1201, %min3A_1291 : vector<16xi32>
    %jit3A_1301 = arith.constant 1.000000e+30 : f32
    %broadcast_in_dim3A_1302 = vector.broadcast %jit3A_1301 : f32 to vector<16xf32>
    %select_n3A_1303 = arith.select %eq3A_1300, %broadcast_in_dim3A_1302, %add3A_1197 : vector<16xi1>, vector<16xf32>
    %eq3A_1304 = arith.cmpi eq, %add3A_1206, %min3A_1291 : vector<16xi32>
    %jit3A_1305 = arith.constant 1.000000e+30 : f32
    %broadcast_in_dim3A_1306 = vector.broadcast %jit3A_1305 : f32 to vector<16xf32>
    %select_n3A_1307 = arith.select %eq3A_1304, %broadcast_in_dim3A_1306, %add3A_1202 : vector<16xi1>, vector<16xf32>
    %eq3A_1308 = arith.cmpi eq, %add3A_1211, %min3A_1291 : vector<16xi32>
    %jit3A_1309 = arith.constant 1.000000e+30 : f32
    %broadcast_in_dim3A_1310 = vector.broadcast %jit3A_1309 : f32 to vector<16xf32>
    %select_n3A_1311 = arith.select %eq3A_1308, %broadcast_in_dim3A_1310, %add3A_1207 : vector<16xi1>, vector<16xf32>
    %eq3A_1312 = arith.cmpi eq, %add3A_1216, %min3A_1291 : vector<16xi32>
    %jit3A_1313 = arith.constant 1.000000e+30 : f32
    %broadcast_in_dim3A_1314 = vector.broadcast %jit3A_1313 : f32 to vector<16xf32>
    %select_n3A_1315 = arith.select %eq3A_1312, %broadcast_in_dim3A_1314, %add3A_1212 : vector<16xi1>, vector<16xf32>
    %eq3A_1316 = arith.cmpi eq, %add3A_1221, %min3A_1291 : vector<16xi32>
    %jit3A_1317 = arith.constant 1.000000e+30 : f32
    %broadcast_in_dim3A_1318 = vector.broadcast %jit3A_1317 : f32 to vector<16xf32>
    %select_n3A_1319 = arith.select %eq3A_1316, %broadcast_in_dim3A_1318, %add3A_1217 : vector<16xi1>, vector<16xf32>
    %eq3A_1320 = arith.cmpi eq, %add3A_1226, %min3A_1291 : vector<16xi32>
    %jit3A_1321 = arith.constant 1.000000e+30 : f32
    %broadcast_in_dim3A_1322 = vector.broadcast %jit3A_1321 : f32 to vector<16xf32>
    %select_n3A_1323 = arith.select %eq3A_1320, %broadcast_in_dim3A_1322, %add3A_1222 : vector<16xi1>, vector<16xf32>
    %eq3A_1324 = arith.cmpi eq, %add3A_1231, %min3A_1291 : vector<16xi32>
    %jit3A_1325 = arith.constant 1.000000e+30 : f32
    %broadcast_in_dim3A_1326 = vector.broadcast %jit3A_1325 : f32 to vector<16xf32>
    %select_n3A_1327 = arith.select %eq3A_1324, %broadcast_in_dim3A_1326, %add3A_1227 : vector<16xi1>, vector<16xf32>
    %eq3A_1328 = arith.cmpi eq, %add3A_1236, %min3A_1291 : vector<16xi32>
    %jit3A_1329 = arith.constant 1.000000e+30 : f32
    %broadcast_in_dim3A_1330 = vector.broadcast %jit3A_1329 : f32 to vector<16xf32>
    %select_n3A_1331 = arith.select %eq3A_1328, %broadcast_in_dim3A_1330, %add3A_1232 : vector<16xi1>, vector<16xf32>
    %min3A_1332 = arith.minimumf %select_n3A_1299, %select_n3A_1303 : vector<16xf32>
    %min3A_1333 = arith.minimumf %min3A_1332, %select_n3A_1307 : vector<16xf32>
    %min3A_1334 = arith.minimumf %min3A_1333, %select_n3A_1311 : vector<16xf32>
    %min3A_1335 = arith.minimumf %min3A_1334, %select_n3A_1315 : vector<16xf32>
    %min3A_1336 = arith.minimumf %min3A_1335, %select_n3A_1319 : vector<16xf32>
    %min3A_1337 = arith.minimumf %min3A_1336, %select_n3A_1323 : vector<16xf32>
    %min3A_1338 = arith.minimumf %min3A_1337, %select_n3A_1327 : vector<16xf32>
    %min3A_1339 = arith.minimumf %min3A_1338, %select_n3A_1331 : vector<16xf32>
    %broadcast_in_dim3A_1340 = arith.constant 1073741824 : i32
    %broadcast_in_dim3A_1341 = vector.broadcast %broadcast_in_dim3A_1340 : i32 to vector<16xi32>
    %eq3A_1342 = arith.cmpf oeq, %select_n3A_1299, %min3A_1339 : vector<16xf32>
    %jit3A_1343 = arith.constant 1073741824 : i32
    %broadcast_in_dim3A_1344 = vector.broadcast %jit3A_1343 : i32 to vector<16xi32>
    %select_n3A_1345 = arith.select %eq3A_1342, %add3A_1196, %broadcast_in_dim3A_1344 : vector<16xi1>, vector<16xi32>
    %min3A_1346 = arith.minsi %broadcast_in_dim3A_1341, %select_n3A_1345 : vector<16xi32>
    %eq3A_1347 = arith.cmpf oeq, %select_n3A_1303, %min3A_1339 : vector<16xf32>
    %jit3A_1348 = arith.constant 1073741824 : i32
    %broadcast_in_dim3A_1349 = vector.broadcast %jit3A_1348 : i32 to vector<16xi32>
    %select_n3A_1350 = arith.select %eq3A_1347, %add3A_1201, %broadcast_in_dim3A_1349 : vector<16xi1>, vector<16xi32>
    %min3A_1351 = arith.minsi %min3A_1346, %select_n3A_1350 : vector<16xi32>
    %eq3A_1352 = arith.cmpf oeq, %select_n3A_1307, %min3A_1339 : vector<16xf32>
    %jit3A_1353 = arith.constant 1073741824 : i32
    %broadcast_in_dim3A_1354 = vector.broadcast %jit3A_1353 : i32 to vector<16xi32>
    %select_n3A_1355 = arith.select %eq3A_1352, %add3A_1206, %broadcast_in_dim3A_1354 : vector<16xi1>, vector<16xi32>
    %min3A_1356 = arith.minsi %min3A_1351, %select_n3A_1355 : vector<16xi32>
    %eq3A_1357 = arith.cmpf oeq, %select_n3A_1311, %min3A_1339 : vector<16xf32>
    %jit3A_1358 = arith.constant 1073741824 : i32
    %broadcast_in_dim3A_1359 = vector.broadcast %jit3A_1358 : i32 to vector<16xi32>
    %select_n3A_1360 = arith.select %eq3A_1357, %add3A_1211, %broadcast_in_dim3A_1359 : vector<16xi1>, vector<16xi32>
    %min3A_1361 = arith.minsi %min3A_1356, %select_n3A_1360 : vector<16xi32>
    %eq3A_1362 = arith.cmpf oeq, %select_n3A_1315, %min3A_1339 : vector<16xf32>
    %jit3A_1363 = arith.constant 1073741824 : i32
    %broadcast_in_dim3A_1364 = vector.broadcast %jit3A_1363 : i32 to vector<16xi32>
    %select_n3A_1365 = arith.select %eq3A_1362, %add3A_1216, %broadcast_in_dim3A_1364 : vector<16xi1>, vector<16xi32>
    %min3A_1366 = arith.minsi %min3A_1361, %select_n3A_1365 : vector<16xi32>
    %eq3A_1367 = arith.cmpf oeq, %select_n3A_1319, %min3A_1339 : vector<16xf32>
    %jit3A_1368 = arith.constant 1073741824 : i32
    %broadcast_in_dim3A_1369 = vector.broadcast %jit3A_1368 : i32 to vector<16xi32>
    %select_n3A_1370 = arith.select %eq3A_1367, %add3A_1221, %broadcast_in_dim3A_1369 : vector<16xi1>, vector<16xi32>
    %min3A_1371 = arith.minsi %min3A_1366, %select_n3A_1370 : vector<16xi32>
    %eq3A_1372 = arith.cmpf oeq, %select_n3A_1323, %min3A_1339 : vector<16xf32>
    %jit3A_1373 = arith.constant 1073741824 : i32
    %broadcast_in_dim3A_1374 = vector.broadcast %jit3A_1373 : i32 to vector<16xi32>
    %select_n3A_1375 = arith.select %eq3A_1372, %add3A_1226, %broadcast_in_dim3A_1374 : vector<16xi1>, vector<16xi32>
    %min3A_1376 = arith.minsi %min3A_1371, %select_n3A_1375 : vector<16xi32>
    %eq3A_1377 = arith.cmpf oeq, %select_n3A_1327, %min3A_1339 : vector<16xf32>
    %jit3A_1378 = arith.constant 1073741824 : i32
    %broadcast_in_dim3A_1379 = vector.broadcast %jit3A_1378 : i32 to vector<16xi32>
    %select_n3A_1380 = arith.select %eq3A_1377, %add3A_1231, %broadcast_in_dim3A_1379 : vector<16xi1>, vector<16xi32>
    %min3A_1381 = arith.minsi %min3A_1376, %select_n3A_1380 : vector<16xi32>
    %eq3A_1382 = arith.cmpf oeq, %select_n3A_1331, %min3A_1339 : vector<16xf32>
    %jit3A_1383 = arith.constant 1073741824 : i32
    %broadcast_in_dim3A_1384 = vector.broadcast %jit3A_1383 : i32 to vector<16xi32>
    %select_n3A_1385 = arith.select %eq3A_1382, %add3A_1236, %broadcast_in_dim3A_1384 : vector<16xi1>, vector<16xi32>
    %min3A_1386 = arith.minsi %min3A_1381, %select_n3A_1385 : vector<16xi32>
    %swap3A_1387 = arith.constant 48 : index
    %swap3A_1388 = tpu.vector_load %arg13[%swap3A_1387] {strides = array<i32>} : memref<128xi32, #tpu.memory_space<vmem>>, vector<16xi32>,
    %swap3A_1389 = vector.shape_cast %swap3A_1388 : vector<16xi32> to vector<16xi32>
    %swap3A_1390 = vector.shape_cast %min3A_1386 : vector<16xi32> to vector<16xi32>
    tpu.vector_store %arg13[%swap3A_1387], %swap3A_1390 {strides = array<i32>} : memref<128xi32, #tpu.memory_space<vmem>>, vector<16xi32>,
    %eq3A_1391 = arith.cmpi eq, %add3A_1196, %min3A_1386 : vector<16xi32>
    %jit3A_1392 = arith.constant 1.000000e+30 : f32
    %broadcast_in_dim3A_1393 = vector.broadcast %jit3A_1392 : f32 to vector<16xf32>
    %select_n3A_1394 = arith.select %eq3A_1391, %broadcast_in_dim3A_1393, %select_n3A_1299 : vector<16xi1>, vector<16xf32>
    %eq3A_1395 = arith.cmpi eq, %add3A_1201, %min3A_1386 : vector<16xi32>
    %jit3A_1396 = arith.constant 1.000000e+30 : f32
    %broadcast_in_dim3A_1397 = vector.broadcast %jit3A_1396 : f32 to vector<16xf32>
    %select_n3A_1398 = arith.select %eq3A_1395, %broadcast_in_dim3A_1397, %select_n3A_1303 : vector<16xi1>, vector<16xf32>
    %eq3A_1399 = arith.cmpi eq, %add3A_1206, %min3A_1386 : vector<16xi32>
    %jit3A_1400 = arith.constant 1.000000e+30 : f32
    %broadcast_in_dim3A_1401 = vector.broadcast %jit3A_1400 : f32 to vector<16xf32>
    %select_n3A_1402 = arith.select %eq3A_1399, %broadcast_in_dim3A_1401, %select_n3A_1307 : vector<16xi1>, vector<16xf32>
    %eq3A_1403 = arith.cmpi eq, %add3A_1211, %min3A_1386 : vector<16xi32>
    %jit3A_1404 = arith.constant 1.000000e+30 : f32
    %broadcast_in_dim3A_1405 = vector.broadcast %jit3A_1404 : f32 to vector<16xf32>
    %select_n3A_1406 = arith.select %eq3A_1403, %broadcast_in_dim3A_1405, %select_n3A_1311 : vector<16xi1>, vector<16xf32>
    %eq3A_1407 = arith.cmpi eq, %add3A_1216, %min3A_1386 : vector<16xi32>
    %jit3A_1408 = arith.constant 1.000000e+30 : f32
    %broadcast_in_dim3A_1409 = vector.broadcast %jit3A_1408 : f32 to vector<16xf32>
    %select_n3A_1410 = arith.select %eq3A_1407, %broadcast_in_dim3A_1409, %select_n3A_1315 : vector<16xi1>, vector<16xf32>
    %eq3A_1411 = arith.cmpi eq, %add3A_1221, %min3A_1386 : vector<16xi32>
    %jit3A_1412 = arith.constant 1.000000e+30 : f32
    %broadcast_in_dim3A_1413 = vector.broadcast %jit3A_1412 : f32 to vector<16xf32>
    %select_n3A_1414 = arith.select %eq3A_1411, %broadcast_in_dim3A_1413, %select_n3A_1319 : vector<16xi1>, vector<16xf32>
    %eq3A_1415 = arith.cmpi eq, %add3A_1226, %min3A_1386 : vector<16xi32>
    %jit3A_1416 = arith.constant 1.000000e+30 : f32
    %broadcast_in_dim3A_1417 = vector.broadcast %jit3A_1416 : f32 to vector<16xf32>
    %select_n3A_1418 = arith.select %eq3A_1415, %broadcast_in_dim3A_1417, %select_n3A_1323 : vector<16xi1>, vector<16xf32>
    %eq3A_1419 = arith.cmpi eq, %add3A_1231, %min3A_1386 : vector<16xi32>
    %jit3A_1420 = arith.constant 1.000000e+30 : f32
    %broadcast_in_dim3A_1421 = vector.broadcast %jit3A_1420 : f32 to vector<16xf32>
    %select_n3A_1422 = arith.select %eq3A_1419, %broadcast_in_dim3A_1421, %select_n3A_1327 : vector<16xi1>, vector<16xf32>
    %eq3A_1423 = arith.cmpi eq, %add3A_1236, %min3A_1386 : vector<16xi32>
    %jit3A_1424 = arith.constant 1.000000e+30 : f32
    %broadcast_in_dim3A_1425 = vector.broadcast %jit3A_1424 : f32 to vector<16xf32>
    %select_n3A_1426 = arith.select %eq3A_1423, %broadcast_in_dim3A_1425, %select_n3A_1331 : vector<16xi1>, vector<16xf32>
    %min3A_1427 = arith.minimumf %select_n3A_1394, %select_n3A_1398 : vector<16xf32>
    %min3A_1428 = arith.minimumf %min3A_1427, %select_n3A_1402 : vector<16xf32>
    %min3A_1429 = arith.minimumf %min3A_1428, %select_n3A_1406 : vector<16xf32>
    %min3A_1430 = arith.minimumf %min3A_1429, %select_n3A_1410 : vector<16xf32>
    %min3A_1431 = arith.minimumf %min3A_1430, %select_n3A_1414 : vector<16xf32>
    %min3A_1432 = arith.minimumf %min3A_1431, %select_n3A_1418 : vector<16xf32>
    %min3A_1433 = arith.minimumf %min3A_1432, %select_n3A_1422 : vector<16xf32>
    %min3A_1434 = arith.minimumf %min3A_1433, %select_n3A_1426 : vector<16xf32>
    %broadcast_in_dim3A_1435 = arith.constant 1073741824 : i32
    %broadcast_in_dim3A_1436 = vector.broadcast %broadcast_in_dim3A_1435 : i32 to vector<16xi32>
    %eq3A_1437 = arith.cmpf oeq, %select_n3A_1394, %min3A_1434 : vector<16xf32>
    %jit3A_1438 = arith.constant 1073741824 : i32
    %broadcast_in_dim3A_1439 = vector.broadcast %jit3A_1438 : i32 to vector<16xi32>
    %select_n3A_1440 = arith.select %eq3A_1437, %add3A_1196, %broadcast_in_dim3A_1439 : vector<16xi1>, vector<16xi32>
    %min3A_1441 = arith.minsi %broadcast_in_dim3A_1436, %select_n3A_1440 : vector<16xi32>
    %eq3A_1442 = arith.cmpf oeq, %select_n3A_1398, %min3A_1434 : vector<16xf32>
    %jit3A_1443 = arith.constant 1073741824 : i32
    %broadcast_in_dim3A_1444 = vector.broadcast %jit3A_1443 : i32 to vector<16xi32>
    %select_n3A_1445 = arith.select %eq3A_1442, %add3A_1201, %broadcast_in_dim3A_1444 : vector<16xi1>, vector<16xi32>
    %min3A_1446 = arith.minsi %min3A_1441, %select_n3A_1445 : vector<16xi32>
    %eq3A_1447 = arith.cmpf oeq, %select_n3A_1402, %min3A_1434 : vector<16xf32>
    %jit3A_1448 = arith.constant 1073741824 : i32
    %broadcast_in_dim3A_1449 = vector.broadcast %jit3A_1448 : i32 to vector<16xi32>
    %select_n3A_1450 = arith.select %eq3A_1447, %add3A_1206, %broadcast_in_dim3A_1449 : vector<16xi1>, vector<16xi32>
    %min3A_1451 = arith.minsi %min3A_1446, %select_n3A_1450 : vector<16xi32>
    %eq3A_1452 = arith.cmpf oeq, %select_n3A_1406, %min3A_1434 : vector<16xf32>
    %jit3A_1453 = arith.constant 1073741824 : i32
    %broadcast_in_dim3A_1454 = vector.broadcast %jit3A_1453 : i32 to vector<16xi32>
    %select_n3A_1455 = arith.select %eq3A_1452, %add3A_1211, %broadcast_in_dim3A_1454 : vector<16xi1>, vector<16xi32>
    %min3A_1456 = arith.minsi %min3A_1451, %select_n3A_1455 : vector<16xi32>
    %eq3A_1457 = arith.cmpf oeq, %select_n3A_1410, %min3A_1434 : vector<16xf32>
    %jit3A_1458 = arith.constant 1073741824 : i32
    %broadcast_in_dim3A_1459 = vector.broadcast %jit3A_1458 : i32 to vector<16xi32>
    %select_n3A_1460 = arith.select %eq3A_1457, %add3A_1216, %broadcast_in_dim3A_1459 : vector<16xi1>, vector<16xi32>
    %min3A_1461 = arith.minsi %min3A_1456, %select_n3A_1460 : vector<16xi32>
    %eq3A_1462 = arith.cmpf oeq, %select_n3A_1414, %min3A_1434 : vector<16xf32>
    %jit3A_1463 = arith.constant 1073741824 : i32
    %broadcast_in_dim3A_1464 = vector.broadcast %jit3A_1463 : i32 to vector<16xi32>
    %select_n3A_1465 = arith.select %eq3A_1462, %add3A_1221, %broadcast_in_dim3A_1464 : vector<16xi1>, vector<16xi32>
    %min3A_1466 = arith.minsi %min3A_1461, %select_n3A_1465 : vector<16xi32>
    %eq3A_1467 = arith.cmpf oeq, %select_n3A_1418, %min3A_1434 : vector<16xf32>
    %jit3A_1468 = arith.constant 1073741824 : i32
    %broadcast_in_dim3A_1469 = vector.broadcast %jit3A_1468 : i32 to vector<16xi32>
    %select_n3A_1470 = arith.select %eq3A_1467, %add3A_1226, %broadcast_in_dim3A_1469 : vector<16xi1>, vector<16xi32>
    %min3A_1471 = arith.minsi %min3A_1466, %select_n3A_1470 : vector<16xi32>
    %eq3A_1472 = arith.cmpf oeq, %select_n3A_1422, %min3A_1434 : vector<16xf32>
    %jit3A_1473 = arith.constant 1073741824 : i32
    %broadcast_in_dim3A_1474 = vector.broadcast %jit3A_1473 : i32 to vector<16xi32>
    %select_n3A_1475 = arith.select %eq3A_1472, %add3A_1231, %broadcast_in_dim3A_1474 : vector<16xi1>, vector<16xi32>
    %min3A_1476 = arith.minsi %min3A_1471, %select_n3A_1475 : vector<16xi32>
    %eq3A_1477 = arith.cmpf oeq, %select_n3A_1426, %min3A_1434 : vector<16xf32>
    %jit3A_1478 = arith.constant 1073741824 : i32
    %broadcast_in_dim3A_1479 = vector.broadcast %jit3A_1478 : i32 to vector<16xi32>
    %select_n3A_1480 = arith.select %eq3A_1477, %add3A_1236, %broadcast_in_dim3A_1479 : vector<16xi1>, vector<16xi32>
    %min3A_1481 = arith.minsi %min3A_1476, %select_n3A_1480 : vector<16xi32>
    %swap3A_1482 = arith.constant 80 : index
    %swap3A_1483 = tpu.vector_load %arg13[%swap3A_1482] {strides = array<i32>} : memref<128xi32, #tpu.memory_space<vmem>>, vector<16xi32>,
    %swap3A_1484 = vector.shape_cast %swap3A_1483 : vector<16xi32> to vector<16xi32>
    %swap3A_1485 = vector.shape_cast %min3A_1481 : vector<16xi32> to vector<16xi32>
    tpu.vector_store %arg13[%swap3A_1482], %swap3A_1485 {strides = array<i32>} : memref<128xi32, #tpu.memory_space<vmem>>, vector<16xi32>,
    %eq3A_1486 = arith.cmpi eq, %add3A_1196, %min3A_1481 : vector<16xi32>
    %jit3A_1487 = arith.constant 1.000000e+30 : f32
    %broadcast_in_dim3A_1488 = vector.broadcast %jit3A_1487 : f32 to vector<16xf32>
    %select_n3A_1489 = arith.select %eq3A_1486, %broadcast_in_dim3A_1488, %select_n3A_1394 : vector<16xi1>, vector<16xf32>
    %eq3A_1490 = arith.cmpi eq, %add3A_1201, %min3A_1481 : vector<16xi32>
    %jit3A_1491 = arith.constant 1.000000e+30 : f32
    %broadcast_in_dim3A_1492 = vector.broadcast %jit3A_1491 : f32 to vector<16xf32>
    %select_n3A_1493 = arith.select %eq3A_1490, %broadcast_in_dim3A_1492, %select_n3A_1398 : vector<16xi1>, vector<16xf32>
    %eq3A_1494 = arith.cmpi eq, %add3A_1206, %min3A_1481 : vector<16xi32>
    %jit3A_1495 = arith.constant 1.000000e+30 : f32
    %broadcast_in_dim3A_1496 = vector.broadcast %jit3A_1495 : f32 to vector<16xf32>
    %select_n3A_1497 = arith.select %eq3A_1494, %broadcast_in_dim3A_1496, %select_n3A_1402 : vector<16xi1>, vector<16xf32>
    %eq3A_1498 = arith.cmpi eq, %add3A_1211, %min3A_1481 : vector<16xi32>
    %jit3A_1499 = arith.constant 1.000000e+30 : f32
    %broadcast_in_dim3A_1500 = vector.broadcast %jit3A_1499 : f32 to vector<16xf32>
    %select_n3A_1501 = arith.select %eq3A_1498, %broadcast_in_dim3A_1500, %select_n3A_1406 : vector<16xi1>, vector<16xf32>
    %eq3A_1502 = arith.cmpi eq, %add3A_1216, %min3A_1481 : vector<16xi32>
    %jit3A_1503 = arith.constant 1.000000e+30 : f32
    %broadcast_in_dim3A_1504 = vector.broadcast %jit3A_1503 : f32 to vector<16xf32>
    %select_n3A_1505 = arith.select %eq3A_1502, %broadcast_in_dim3A_1504, %select_n3A_1410 : vector<16xi1>, vector<16xf32>
    %eq3A_1506 = arith.cmpi eq, %add3A_1221, %min3A_1481 : vector<16xi32>
    %jit3A_1507 = arith.constant 1.000000e+30 : f32
    %broadcast_in_dim3A_1508 = vector.broadcast %jit3A_1507 : f32 to vector<16xf32>
    %select_n3A_1509 = arith.select %eq3A_1506, %broadcast_in_dim3A_1508, %select_n3A_1414 : vector<16xi1>, vector<16xf32>
    %eq3A_1510 = arith.cmpi eq, %add3A_1226, %min3A_1481 : vector<16xi32>
    %jit3A_1511 = arith.constant 1.000000e+30 : f32
    %broadcast_in_dim3A_1512 = vector.broadcast %jit3A_1511 : f32 to vector<16xf32>
    %select_n3A_1513 = arith.select %eq3A_1510, %broadcast_in_dim3A_1512, %select_n3A_1418 : vector<16xi1>, vector<16xf32>
    %eq3A_1514 = arith.cmpi eq, %add3A_1231, %min3A_1481 : vector<16xi32>
    %jit3A_1515 = arith.constant 1.000000e+30 : f32
    %broadcast_in_dim3A_1516 = vector.broadcast %jit3A_1515 : f32 to vector<16xf32>
    %select_n3A_1517 = arith.select %eq3A_1514, %broadcast_in_dim3A_1516, %select_n3A_1422 : vector<16xi1>, vector<16xf32>
    %eq3A_1518 = arith.cmpi eq, %add3A_1236, %min3A_1481 : vector<16xi32>
    %jit3A_1519 = arith.constant 1.000000e+30 : f32
    %broadcast_in_dim3A_1520 = vector.broadcast %jit3A_1519 : f32 to vector<16xf32>
    %select_n3A_1521 = arith.select %eq3A_1518, %broadcast_in_dim3A_1520, %select_n3A_1426 : vector<16xi1>, vector<16xf32>
    %min3A_1522 = arith.minimumf %select_n3A_1489, %select_n3A_1493 : vector<16xf32>
    %min3A_1523 = arith.minimumf %min3A_1522, %select_n3A_1497 : vector<16xf32>
    %min3A_1524 = arith.minimumf %min3A_1523, %select_n3A_1501 : vector<16xf32>
    %min3A_1525 = arith.minimumf %min3A_1524, %select_n3A_1505 : vector<16xf32>
    %min3A_1526 = arith.minimumf %min3A_1525, %select_n3A_1509 : vector<16xf32>
    %min3A_1527 = arith.minimumf %min3A_1526, %select_n3A_1513 : vector<16xf32>
    %min3A_1528 = arith.minimumf %min3A_1527, %select_n3A_1517 : vector<16xf32>
    %min3A_1529 = arith.minimumf %min3A_1528, %select_n3A_1521 : vector<16xf32>
    %broadcast_in_dim3A_1530 = arith.constant 1073741824 : i32
    %broadcast_in_dim3A_1531 = vector.broadcast %broadcast_in_dim3A_1530 : i32 to vector<16xi32>
    %eq3A_1532 = arith.cmpf oeq, %select_n3A_1489, %min3A_1529 : vector<16xf32>
    %jit3A_1533 = arith.constant 1073741824 : i32
    %broadcast_in_dim3A_1534 = vector.broadcast %jit3A_1533 : i32 to vector<16xi32>
    %select_n3A_1535 = arith.select %eq3A_1532, %add3A_1196, %broadcast_in_dim3A_1534 : vector<16xi1>, vector<16xi32>
    %min3A_1536 = arith.minsi %broadcast_in_dim3A_1531, %select_n3A_1535 : vector<16xi32>
    %eq3A_1537 = arith.cmpf oeq, %select_n3A_1493, %min3A_1529 : vector<16xf32>
    %jit3A_1538 = arith.constant 1073741824 : i32
    %broadcast_in_dim3A_1539 = vector.broadcast %jit3A_1538 : i32 to vector<16xi32>
    %select_n3A_1540 = arith.select %eq3A_1537, %add3A_1201, %broadcast_in_dim3A_1539 : vector<16xi1>, vector<16xi32>
    %min3A_1541 = arith.minsi %min3A_1536, %select_n3A_1540 : vector<16xi32>
    %eq3A_1542 = arith.cmpf oeq, %select_n3A_1497, %min3A_1529 : vector<16xf32>
    %jit3A_1543 = arith.constant 1073741824 : i32
    %broadcast_in_dim3A_1544 = vector.broadcast %jit3A_1543 : i32 to vector<16xi32>
    %select_n3A_1545 = arith.select %eq3A_1542, %add3A_1206, %broadcast_in_dim3A_1544 : vector<16xi1>, vector<16xi32>
    %min3A_1546 = arith.minsi %min3A_1541, %select_n3A_1545 : vector<16xi32>
    %eq3A_1547 = arith.cmpf oeq, %select_n3A_1501, %min3A_1529 : vector<16xf32>
    %jit3A_1548 = arith.constant 1073741824 : i32
    %broadcast_in_dim3A_1549 = vector.broadcast %jit3A_1548 : i32 to vector<16xi32>
    %select_n3A_1550 = arith.select %eq3A_1547, %add3A_1211, %broadcast_in_dim3A_1549 : vector<16xi1>, vector<16xi32>
    %min3A_1551 = arith.minsi %min3A_1546, %select_n3A_1550 : vector<16xi32>
    %eq3A_1552 = arith.cmpf oeq, %select_n3A_1505, %min3A_1529 : vector<16xf32>
    %jit3A_1553 = arith.constant 1073741824 : i32
    %broadcast_in_dim3A_1554 = vector.broadcast %jit3A_1553 : i32 to vector<16xi32>
    %select_n3A_1555 = arith.select %eq3A_1552, %add3A_1216, %broadcast_in_dim3A_1554 : vector<16xi1>, vector<16xi32>
    %min3A_1556 = arith.minsi %min3A_1551, %select_n3A_1555 : vector<16xi32>
    %eq3A_1557 = arith.cmpf oeq, %select_n3A_1509, %min3A_1529 : vector<16xf32>
    %jit3A_1558 = arith.constant 1073741824 : i32
    %broadcast_in_dim3A_1559 = vector.broadcast %jit3A_1558 : i32 to vector<16xi32>
    %select_n3A_1560 = arith.select %eq3A_1557, %add3A_1221, %broadcast_in_dim3A_1559 : vector<16xi1>, vector<16xi32>
    %min3A_1561 = arith.minsi %min3A_1556, %select_n3A_1560 : vector<16xi32>
    %eq3A_1562 = arith.cmpf oeq, %select_n3A_1513, %min3A_1529 : vector<16xf32>
    %jit3A_1563 = arith.constant 1073741824 : i32
    %broadcast_in_dim3A_1564 = vector.broadcast %jit3A_1563 : i32 to vector<16xi32>
    %select_n3A_1565 = arith.select %eq3A_1562, %add3A_1226, %broadcast_in_dim3A_1564 : vector<16xi1>, vector<16xi32>
    %min3A_1566 = arith.minsi %min3A_1561, %select_n3A_1565 : vector<16xi32>
    %eq3A_1567 = arith.cmpf oeq, %select_n3A_1517, %min3A_1529 : vector<16xf32>
    %jit3A_1568 = arith.constant 1073741824 : i32
    %broadcast_in_dim3A_1569 = vector.broadcast %jit3A_1568 : i32 to vector<16xi32>
    %select_n3A_1570 = arith.select %eq3A_1567, %add3A_1231, %broadcast_in_dim3A_1569 : vector<16xi1>, vector<16xi32>
    %min3A_1571 = arith.minsi %min3A_1566, %select_n3A_1570 : vector<16xi32>
    %eq3A_1572 = arith.cmpf oeq, %select_n3A_1521, %min3A_1529 : vector<16xf32>
    %jit3A_1573 = arith.constant 1073741824 : i32
    %broadcast_in_dim3A_1574 = vector.broadcast %jit3A_1573 : i32 to vector<16xi32>
    %select_n3A_1575 = arith.select %eq3A_1572, %add3A_1236, %broadcast_in_dim3A_1574 : vector<16xi1>, vector<16xi32>
    %min3A_1576 = arith.minsi %min3A_1571, %select_n3A_1575 : vector<16xi32>
    %swap3A_1577 = arith.constant 112 : index
    %swap3A_1578 = tpu.vector_load %arg13[%swap3A_1577] {strides = array<i32>} : memref<128xi32, #tpu.memory_space<vmem>>, vector<16xi32>,
    %swap3A_1579 = vector.shape_cast %swap3A_1578 : vector<16xi32> to vector<16xi32>
    %swap3A_1580 = vector.shape_cast %min3A_1576 : vector<16xi32> to vector<16xi32>
    tpu.vector_store %arg13[%swap3A_1577], %swap3A_1580 {strides = array<i32>} : memref<128xi32, #tpu.memory_space<vmem>>, vector<16xi32>,
    %eq3A_1581 = arith.cmpi eq, %add3A_1196, %min3A_1576 : vector<16xi32>
    %jit3A_1582 = arith.constant 1.000000e+30 : f32
    %broadcast_in_dim3A_1583 = vector.broadcast %jit3A_1582 : f32 to vector<16xf32>
    %select_n3A_1584 = arith.select %eq3A_1581, %broadcast_in_dim3A_1583, %select_n3A_1489 : vector<16xi1>, vector<16xf32>
    %eq3A_1585 = arith.cmpi eq, %add3A_1201, %min3A_1576 : vector<16xi32>
    %jit3A_1586 = arith.constant 1.000000e+30 : f32
    %broadcast_in_dim3A_1587 = vector.broadcast %jit3A_1586 : f32 to vector<16xf32>
    %select_n3A_1588 = arith.select %eq3A_1585, %broadcast_in_dim3A_1587, %select_n3A_1493 : vector<16xi1>, vector<16xf32>
    %eq3A_1589 = arith.cmpi eq, %add3A_1206, %min3A_1576 : vector<16xi32>
    %jit3A_1590 = arith.constant 1.000000e+30 : f32
    %broadcast_in_dim3A_1591 = vector.broadcast %jit3A_1590 : f32 to vector<16xf32>
    %select_n3A_1592 = arith.select %eq3A_1589, %broadcast_in_dim3A_1591, %select_n3A_1497 : vector<16xi1>, vector<16xf32>
    %eq3A_1593 = arith.cmpi eq, %add3A_1211, %min3A_1576 : vector<16xi32>
    %jit3A_1594 = arith.constant 1.000000e+30 : f32
    %broadcast_in_dim3A_1595 = vector.broadcast %jit3A_1594 : f32 to vector<16xf32>
    %select_n3A_1596 = arith.select %eq3A_1593, %broadcast_in_dim3A_1595, %select_n3A_1501 : vector<16xi1>, vector<16xf32>
    %eq3A_1597 = arith.cmpi eq, %add3A_1216, %min3A_1576 : vector<16xi32>
    %jit3A_1598 = arith.constant 1.000000e+30 : f32
    %broadcast_in_dim3A_1599 = vector.broadcast %jit3A_1598 : f32 to vector<16xf32>
    %select_n3A_1600 = arith.select %eq3A_1597, %broadcast_in_dim3A_1599, %select_n3A_1505 : vector<16xi1>, vector<16xf32>
    %eq3A_1601 = arith.cmpi eq, %add3A_1221, %min3A_1576 : vector<16xi32>
    %jit3A_1602 = arith.constant 1.000000e+30 : f32
    %broadcast_in_dim3A_1603 = vector.broadcast %jit3A_1602 : f32 to vector<16xf32>
    %select_n3A_1604 = arith.select %eq3A_1601, %broadcast_in_dim3A_1603, %select_n3A_1509 : vector<16xi1>, vector<16xf32>
    %eq3A_1605 = arith.cmpi eq, %add3A_1226, %min3A_1576 : vector<16xi32>
    %jit3A_1606 = arith.constant 1.000000e+30 : f32
    %broadcast_in_dim3A_1607 = vector.broadcast %jit3A_1606 : f32 to vector<16xf32>
    %select_n3A_1608 = arith.select %eq3A_1605, %broadcast_in_dim3A_1607, %select_n3A_1513 : vector<16xi1>, vector<16xf32>
    %eq3A_1609 = arith.cmpi eq, %add3A_1231, %min3A_1576 : vector<16xi32>
    %jit3A_1610 = arith.constant 1.000000e+30 : f32
    %broadcast_in_dim3A_1611 = vector.broadcast %jit3A_1610 : f32 to vector<16xf32>
    %select_n3A_1612 = arith.select %eq3A_1609, %broadcast_in_dim3A_1611, %select_n3A_1517 : vector<16xi1>, vector<16xf32>
    %eq3A_1613 = arith.cmpi eq, %add3A_1236, %min3A_1576 : vector<16xi32>
    %jit3A_1614 = arith.constant 1.000000e+30 : f32
    %broadcast_in_dim3A_1615 = vector.broadcast %jit3A_1614 : f32 to vector<16xf32>
    %select_n3A_1616 = arith.select %eq3A_1613, %broadcast_in_dim3A_1615, %select_n3A_1521 : vector<16xi1>, vector<16xf32>
    %add3A_1617 = arith.constant 0 : i32
    %add3A_1618 = arith.addi %add3A_1617, %mul3A_2 : i32
    %dma_start3A_1619 = arith.constant 0 : i32
    %dma_start3A_1620 = tpu.memref_slice %arg13[%dma_start3A_1619] : memref<128xi32, #tpu.memory_space<vmem>> -> memref<32xi32, #tpu.memory_space<vmem>>
    %dma_start3A_1621 = tpu.memref_slice %arg6[%add3A_1618] : memref<4096xi32, #tpu.memory_space<hbm>> -> memref<32xi32, #tpu.memory_space<hbm>>
    %dma_start3A_1622 = tpu.memref_slice %arg6[%add3A_1618] : memref<4096xi32, #tpu.memory_space<hbm>> -> memref<32xi32, #tpu.memory_space<hbm>>
    %dma_start3A_1623 = arith.constant 0 : i32
    %dma_start3A_1624 = tpu.memref_slice %arg13[%dma_start3A_1623] : memref<128xi32, #tpu.memory_space<vmem>> -> memref<32xi32, #tpu.memory_space<vmem>>
    tpu.enqueue_dma source(%dma_start3A_1624 : memref<32xi32, #tpu.memory_space<vmem>>) target(%dma_start3A_1622 : memref<32xi32, #tpu.memory_space<hbm>>) target_semaphore(%arg15 : memref<!tpu.dma_semaphore, #tpu.memory_space<semaphore_mem>>)
    %add3A_1625 = arith.constant 1024 : i32
    %add3A_1626 = arith.addi %add3A_1625, %mul3A_2 : i32
    %dma_start3A_1627 = arith.constant 32 : i32
    %dma_start3A_1628 = tpu.memref_slice %arg13[%dma_start3A_1627] : memref<128xi32, #tpu.memory_space<vmem>> -> memref<32xi32, #tpu.memory_space<vmem>>
    %dma_start3A_1629 = tpu.memref_slice %arg6[%add3A_1626] : memref<4096xi32, #tpu.memory_space<hbm>> -> memref<32xi32, #tpu.memory_space<hbm>>
    %dma_start3A_1630 = tpu.memref_slice %arg6[%add3A_1626] : memref<4096xi32, #tpu.memory_space<hbm>> -> memref<32xi32, #tpu.memory_space<hbm>>
    %dma_start3A_1631 = arith.constant 32 : i32
    %dma_start3A_1632 = tpu.memref_slice %arg13[%dma_start3A_1631] : memref<128xi32, #tpu.memory_space<vmem>> -> memref<32xi32, #tpu.memory_space<vmem>>
    tpu.enqueue_dma source(%dma_start3A_1632 : memref<32xi32, #tpu.memory_space<vmem>>) target(%dma_start3A_1630 : memref<32xi32, #tpu.memory_space<hbm>>) target_semaphore(%arg15 : memref<!tpu.dma_semaphore, #tpu.memory_space<semaphore_mem>>)
    %add3A_1633 = arith.constant 2048 : i32
    %add3A_1634 = arith.addi %add3A_1633, %mul3A_2 : i32
    %dma_start3A_1635 = arith.constant 64 : i32
    %dma_start3A_1636 = tpu.memref_slice %arg13[%dma_start3A_1635] : memref<128xi32, #tpu.memory_space<vmem>> -> memref<32xi32, #tpu.memory_space<vmem>>
    %dma_start3A_1637 = tpu.memref_slice %arg6[%add3A_1634] : memref<4096xi32, #tpu.memory_space<hbm>> -> memref<32xi32, #tpu.memory_space<hbm>>
    %dma_start3A_1638 = tpu.memref_slice %arg6[%add3A_1634] : memref<4096xi32, #tpu.memory_space<hbm>> -> memref<32xi32, #tpu.memory_space<hbm>>
    %dma_start3A_1639 = arith.constant 64 : i32
    %dma_start3A_1640 = tpu.memref_slice %arg13[%dma_start3A_1639] : memref<128xi32, #tpu.memory_space<vmem>> -> memref<32xi32, #tpu.memory_space<vmem>>
    tpu.enqueue_dma source(%dma_start3A_1640 : memref<32xi32, #tpu.memory_space<vmem>>) target(%dma_start3A_1638 : memref<32xi32, #tpu.memory_space<hbm>>) target_semaphore(%arg15 : memref<!tpu.dma_semaphore, #tpu.memory_space<semaphore_mem>>)
    %add3A_1641 = arith.constant 3072 : i32
    %add3A_1642 = arith.addi %add3A_1641, %mul3A_2 : i32
    %dma_start3A_1643 = arith.constant 96 : i32
    %dma_start3A_1644 = tpu.memref_slice %arg13[%dma_start3A_1643] : memref<128xi32, #tpu.memory_space<vmem>> -> memref<32xi32, #tpu.memory_space<vmem>>
    %dma_start3A_1645 = tpu.memref_slice %arg6[%add3A_1642] : memref<4096xi32, #tpu.memory_space<hbm>> -> memref<32xi32, #tpu.memory_space<hbm>>
    %dma_start3A_1646 = tpu.memref_slice %arg6[%add3A_1642] : memref<4096xi32, #tpu.memory_space<hbm>> -> memref<32xi32, #tpu.memory_space<hbm>>
    %dma_start3A_1647 = arith.constant 96 : i32
    %dma_start3A_1648 = tpu.memref_slice %arg13[%dma_start3A_1647] : memref<128xi32, #tpu.memory_space<vmem>> -> memref<32xi32, #tpu.memory_space<vmem>>
    tpu.enqueue_dma source(%dma_start3A_1648 : memref<32xi32, #tpu.memory_space<vmem>>) target(%dma_start3A_1646 : memref<32xi32, #tpu.memory_space<hbm>>) target_semaphore(%arg15 : memref<!tpu.dma_semaphore, #tpu.memory_space<semaphore_mem>>)
    %dma_wait3A = arith.constant 0 : i32
    %dma_wait3A_1649 = arith.constant 0 : i32
    %dma_wait3A_1650 = tpu.memref_slice %arg4[%dma_wait3A, %dma_wait3A_1649] : memref<1024x256xf32, #tpu.memory_space<hbm>> -> memref<1024x256xf32, #tpu.memory_space<hbm>>
    tpu.wait_indirect_dma semaphore(%arg14 : memref<!tpu.dma_semaphore, #tpu.memory_space<semaphore_mem>>) src(%dma_wait3A_1650 : memref<1024x256xf32, #tpu.memory_space<hbm>>) dst(%arg12 : memref<128x256xf32, #tpu.memory_space<vmem>>)
    %scan3A = arith.constant 0 : i32
    %scan3A_1651 = arith.constant 0 : i32
    %scan3A_1652 = arith.constant 32 : i32
    %scan3A_1653 = arith.addi %scan3A_1651, %scan3A_1652 : i32
    %scan3A_1654 = arith.constant 1 : i32
    scf.for %scan3A_1682 = %scan3A_1651 to %scan3A_1653 step %scan3A_1654  : i32 {
      %add3A_1683 = arith.constant 0 : i32
      %add3A_1684 = arith.addi %add3A_1683, %scan3A_1682 : i32
      %get3A_1685 = arith.index_cast %add3A_1684 : i32 to index
      %get3A_1686 = tpu.vector_load %arg11[%get3A_1685] {strides = array<i32>} : memref<144xf32, #tpu.memory_space<vmem>>, vector<16xf32>,
      %get3A_1687 = vector.shape_cast %get3A_1686 : vector<16xf32> to vector<16xf32>
      %broadcast_in_dim3A_1688 = arith.constant 0.000000e+00 : f32
      %broadcast_in_dim3A_1689 = vector.broadcast %broadcast_in_dim3A_1688 : f32 to vector<16xf32>
      %slice3A = vector.extract_strided_slice %get3A_1687 {offsets = [0], sizes = [1], strides = [1]} : vector<16xf32> to vector<1xf32>
      %squeeze3A = vector.extract %slice3A[0] : f32 from vector<1xf32>
      %add3A_1690 = vector.broadcast %squeeze3A : f32 to vector<16xf32>
      %add3A_1691 = arith.addf %broadcast_in_dim3A_1689, %add3A_1690 : vector<16xf32>
      %add3A_1692 = arith.constant 32 : i32
      %add3A_1693 = arith.addi %add3A_1692, %scan3A_1682 : i32
      %get3A_1694 = arith.index_cast %add3A_1693 : i32 to index
      %get3A_1695 = tpu.vector_load %arg11[%get3A_1694] {strides = array<i32>} : memref<144xf32, #tpu.memory_space<vmem>>, vector<16xf32>,
      %get3A_1696 = vector.shape_cast %get3A_1695 : vector<16xf32> to vector<16xf32>
      %broadcast_in_dim3A_1697 = arith.constant 0.000000e+00 : f32
      %broadcast_in_dim3A_1698 = vector.broadcast %broadcast_in_dim3A_1697 : f32 to vector<16xf32>
      %slice3A_1699 = vector.extract_strided_slice %get3A_1696 {offsets = [0], sizes = [1], strides = [1]} : vector<16xf32> to vector<1xf32>
      %squeeze3A_1700 = vector.extract %slice3A_1699[0] : f32 from vector<1xf32>
      %add3A_1701 = vector.broadcast %squeeze3A_1700 : f32 to vector<16xf32>
      %add3A_1702 = arith.addf %broadcast_in_dim3A_1698, %add3A_1701 : vector<16xf32>
      %add3A_1703 = arith.constant 64 : i32
      %add3A_1704 = arith.addi %add3A_1703, %scan3A_1682 : i32
      %get3A_1705 = arith.index_cast %add3A_1704 : i32 to index
      %get3A_1706 = tpu.vector_load %arg11[%get3A_1705] {strides = array<i32>} : memref<144xf32, #tpu.memory_space<vmem>>, vector<16xf32>,
      %get3A_1707 = vector.shape_cast %get3A_1706 : vector<16xf32> to vector<16xf32>
      %broadcast_in_dim3A_1708 = arith.constant 0.000000e+00 : f32
      %broadcast_in_dim3A_1709 = vector.broadcast %broadcast_in_dim3A_1708 : f32 to vector<16xf32>
      %slice3A_1710 = vector.extract_strided_slice %get3A_1707 {offsets = [0], sizes = [1], strides = [1]} : vector<16xf32> to vector<1xf32>
      %squeeze3A_1711 = vector.extract %slice3A_1710[0] : f32 from vector<1xf32>
      %add3A_1712 = vector.broadcast %squeeze3A_1711 : f32 to vector<16xf32>
      %add3A_1713 = arith.addf %broadcast_in_dim3A_1709, %add3A_1712 : vector<16xf32>
      %add3A_1714 = arith.constant 96 : i32
      %add3A_1715 = arith.addi %add3A_1714, %scan3A_1682 : i32
      %get3A_1716 = arith.index_cast %add3A_1715 : i32 to index
      %get3A_1717 = tpu.vector_load %arg11[%get3A_1716] {strides = array<i32>} : memref<144xf32, #tpu.memory_space<vmem>>, vector<16xf32>,
      %get3A_1718 = vector.shape_cast %get3A_1717 : vector<16xf32> to vector<16xf32>
      %broadcast_in_dim3A_1719 = arith.constant 0.000000e+00 : f32
      %broadcast_in_dim3A_1720 = vector.broadcast %broadcast_in_dim3A_1719 : f32 to vector<16xf32>
      %slice3A_1721 = vector.extract_strided_slice %get3A_1718 {offsets = [0], sizes = [1], strides = [1]} : vector<16xf32> to vector<1xf32>
      %squeeze3A_1722 = vector.extract %slice3A_1721[0] : f32 from vector<1xf32>
      %add3A_1723 = vector.broadcast %squeeze3A_1722 : f32 to vector<16xf32>
      %add3A_1724 = arith.addf %broadcast_in_dim3A_1720, %add3A_1723 : vector<16xf32>
      %get3A_1725 = arith.index_cast %scan3A_1682 : i32 to index
      %get3A_1726 = arith.constant 0 : index
      %get3A_1727 = tpu.vector_load %arg12[%get3A_1725, %get3A_1726] {strides = array<i32>} : memref<128x256xf32, #tpu.memory_space<vmem>>, vector<1x16xf32>,
      %get3A_1728 = vector.shape_cast %get3A_1727 : vector<1x16xf32> to vector<16xf32>
      %mul3A_1729 = arith.mulf %add3A_1691, %get3A_1728 : vector<16xf32>
      %add3A_1730 = arith.constant 32 : i32
      %add3A_1731 = arith.addi %add3A_1730, %scan3A_1682 : i32
      %get3A_1732 = arith.index_cast %add3A_1731 : i32 to index
      %get3A_1733 = arith.constant 0 : index
      %get3A_1734 = tpu.vector_load %arg12[%get3A_1732, %get3A_1733] {strides = array<i32>} : memref<128x256xf32, #tpu.memory_space<vmem>>, vector<1x16xf32>,
      %get3A_1735 = vector.shape_cast %get3A_1734 : vector<1x16xf32> to vector<16xf32>
      %mul3A_1736 = arith.mulf %add3A_1702, %get3A_1735 : vector<16xf32>
      %add3A_1737 = arith.addf %mul3A_1729, %mul3A_1736 : vector<16xf32>
      %add3A_1738 = arith.constant 64 : i32
      %add3A_1739 = arith.addi %add3A_1738, %scan3A_1682 : i32
      %get3A_1740 = arith.index_cast %add3A_1739 : i32 to index
      %get3A_1741 = arith.constant 0 : index
      %get3A_1742 = tpu.vector_load %arg12[%get3A_1740, %get3A_1741] {strides = array<i32>} : memref<128x256xf32, #tpu.memory_space<vmem>>, vector<1x16xf32>,
      %get3A_1743 = vector.shape_cast %get3A_1742 : vector<1x16xf32> to vector<16xf32>
      %mul3A_1744 = arith.mulf %add3A_1713, %get3A_1743 : vector<16xf32>
      %add3A_1745 = arith.addf %add3A_1737, %mul3A_1744 : vector<16xf32>
      %add3A_1746 = arith.constant 96 : i32
      %add3A_1747 = arith.addi %add3A_1746, %scan3A_1682 : i32
      %get3A_1748 = arith.index_cast %add3A_1747 : i32 to index
      %get3A_1749 = arith.constant 0 : index
      %get3A_1750 = tpu.vector_load %arg12[%get3A_1748, %get3A_1749] {strides = array<i32>} : memref<128x256xf32, #tpu.memory_space<vmem>>, vector<1x16xf32>,
      %get3A_1751 = vector.shape_cast %get3A_1750 : vector<1x16xf32> to vector<16xf32>
      %mul3A_1752 = arith.mulf %add3A_1724, %get3A_1751 : vector<16xf32>
      %add3A_1753 = arith.addf %add3A_1745, %mul3A_1752 : vector<16xf32>
      %mul3A_1754 = arith.constant 192 : i32
      %mul3A_1755 = arith.muli %scan3A_1682, %mul3A_1754 : i32
      %add3A_1756 = arith.constant 0 : i32
      %add3A_1757 = arith.addi %mul3A_1755, %add3A_1756 : i32
      %swap3A_1758 = arith.index_cast %add3A_1757 : i32 to index
      %swap3A_1759 = tpu.vector_load %arg9[%swap3A_1758] {strides = array<i32>} : memref<6144xf32, #tpu.memory_space<vmem>>, vector<16xf32>,
      %swap3A_1760 = vector.shape_cast %swap3A_1759 : vector<16xf32> to vector<16xf32>
      %swap3A_1761 = vector.shape_cast %add3A_1753 : vector<16xf32> to vector<16xf32>
      tpu.vector_store %arg9[%swap3A_1758], %swap3A_1761 {strides = array<i32>} : memref<6144xf32, #tpu.memory_space<vmem>>, vector<16xf32>,
      %get3A_1762 = arith.index_cast %scan3A_1682 : i32 to index
      %get3A_1763 = arith.constant 16 : index
      %get3A_1764 = tpu.vector_load %arg12[%get3A_1762, %get3A_1763] {strides = array<i32>} : memref<128x256xf32, #tpu.memory_space<vmem>>, vector<1x16xf32>,
      %get3A_1765 = vector.shape_cast %get3A_1764 : vector<1x16xf32> to vector<16xf32>
      %mul3A_1766 = arith.mulf %add3A_1691, %get3A_1765 : vector<16xf32>
      %add3A_1767 = arith.constant 32 : i32
      %add3A_1768 = arith.addi %add3A_1767, %scan3A_1682 : i32
      %get3A_1769 = arith.index_cast %add3A_1768 : i32 to index
      %get3A_1770 = arith.constant 16 : index
      %get3A_1771 = tpu.vector_load %arg12[%get3A_1769, %get3A_1770] {strides = array<i32>} : memref<128x256xf32, #tpu.memory_space<vmem>>, vector<1x16xf32>,
      %get3A_1772 = vector.shape_cast %get3A_1771 : vector<1x16xf32> to vector<16xf32>
      %mul3A_1773 = arith.mulf %add3A_1702, %get3A_1772 : vector<16xf32>
      %add3A_1774 = arith.addf %mul3A_1766, %mul3A_1773 : vector<16xf32>
      %add3A_1775 = arith.constant 64 : i32
      %add3A_1776 = arith.addi %add3A_1775, %scan3A_1682 : i32
      %get3A_1777 = arith.index_cast %add3A_1776 : i32 to index
      %get3A_1778 = arith.constant 16 : index
      %get3A_1779 = tpu.vector_load %arg12[%get3A_1777, %get3A_1778] {strides = array<i32>} : memref<128x256xf32, #tpu.memory_space<vmem>>, vector<1x16xf32>,
      %get3A_1780 = vector.shape_cast %get3A_1779 : vector<1x16xf32> to vector<16xf32>
      %mul3A_1781 = arith.mulf %add3A_1713, %get3A_1780 : vector<16xf32>
      %add3A_1782 = arith.addf %add3A_1774, %mul3A_1781 : vector<16xf32>
      %add3A_1783 = arith.constant 96 : i32
      %add3A_1784 = arith.addi %add3A_1783, %scan3A_1682 : i32
      %get3A_1785 = arith.index_cast %add3A_1784 : i32 to index
      %get3A_1786 = arith.constant 16 : index
      %get3A_1787 = tpu.vector_load %arg12[%get3A_1785, %get3A_1786] {strides = array<i32>} : memref<128x256xf32, #tpu.memory_space<vmem>>, vector<1x16xf32>,
      %get3A_1788 = vector.shape_cast %get3A_1787 : vector<1x16xf32> to vector<16xf32>
      %mul3A_1789 = arith.mulf %add3A_1724, %get3A_1788 : vector<16xf32>
      %add3A_1790 = arith.addf %add3A_1782, %mul3A_1789 : vector<16xf32>
      %mul3A_1791 = arith.constant 192 : i32
      %mul3A_1792 = arith.muli %scan3A_1682, %mul3A_1791 : i32
      %add3A_1793 = arith.constant 16 : i32
      %add3A_1794 = arith.addi %mul3A_1792, %add3A_1793 : i32
      %swap3A_1795 = arith.index_cast %add3A_1794 : i32 to index
      %swap3A_1796 = tpu.vector_load %arg9[%swap3A_1795] {strides = array<i32>} : memref<6144xf32, #tpu.memory_space<vmem>>, vector<16xf32>,
      %swap3A_1797 = vector.shape_cast %swap3A_1796 : vector<16xf32> to vector<16xf32>
      %swap3A_1798 = vector.shape_cast %add3A_1790 : vector<16xf32> to vector<16xf32>
      tpu.vector_store %arg9[%swap3A_1795], %swap3A_1798 {strides = array<i32>} : memref<6144xf32, #tpu.memory_space<vmem>>, vector<16xf32>,
      %get3A_1799 = arith.index_cast %scan3A_1682 : i32 to index
      %get3A_1800 = arith.constant 32 : index
      %get3A_1801 = tpu.vector_load %arg12[%get3A_1799, %get3A_1800] {strides = array<i32>} : memref<128x256xf32, #tpu.memory_space<vmem>>, vector<1x16xf32>,
      %get3A_1802 = vector.shape_cast %get3A_1801 : vector<1x16xf32> to vector<16xf32>
      %mul3A_1803 = arith.mulf %add3A_1691, %get3A_1802 : vector<16xf32>
      %add3A_1804 = arith.constant 32 : i32
      %add3A_1805 = arith.addi %add3A_1804, %scan3A_1682 : i32
      %get3A_1806 = arith.index_cast %add3A_1805 : i32 to index
      %get3A_1807 = arith.constant 32 : index
      %get3A_1808 = tpu.vector_load %arg12[%get3A_1806, %get3A_1807] {strides = array<i32>} : memref<128x256xf32, #tpu.memory_space<vmem>>, vector<1x16xf32>,
      %get3A_1809 = vector.shape_cast %get3A_1808 : vector<1x16xf32> to vector<16xf32>
      %mul3A_1810 = arith.mulf %add3A_1702, %get3A_1809 : vector<16xf32>
      %add3A_1811 = arith.addf %mul3A_1803, %mul3A_1810 : vector<16xf32>
      %add3A_1812 = arith.constant 64 : i32
      %add3A_1813 = arith.addi %add3A_1812, %scan3A_1682 : i32
      %get3A_1814 = arith.index_cast %add3A_1813 : i32 to index
      %get3A_1815 = arith.constant 32 : index
      %get3A_1816 = tpu.vector_load %arg12[%get3A_1814, %get3A_1815] {strides = array<i32>} : memref<128x256xf32, #tpu.memory_space<vmem>>, vector<1x16xf32>,
      %get3A_1817 = vector.shape_cast %get3A_1816 : vector<1x16xf32> to vector<16xf32>
      %mul3A_1818 = arith.mulf %add3A_1713, %get3A_1817 : vector<16xf32>
      %add3A_1819 = arith.addf %add3A_1811, %mul3A_1818 : vector<16xf32>
      %add3A_1820 = arith.constant 96 : i32
      %add3A_1821 = arith.addi %add3A_1820, %scan3A_1682 : i32
      %get3A_1822 = arith.index_cast %add3A_1821 : i32 to index
      %get3A_1823 = arith.constant 32 : index
      %get3A_1824 = tpu.vector_load %arg12[%get3A_1822, %get3A_1823] {strides = array<i32>} : memref<128x256xf32, #tpu.memory_space<vmem>>, vector<1x16xf32>,
      %get3A_1825 = vector.shape_cast %get3A_1824 : vector<1x16xf32> to vector<16xf32>
      %mul3A_1826 = arith.mulf %add3A_1724, %get3A_1825 : vector<16xf32>
      %add3A_1827 = arith.addf %add3A_1819, %mul3A_1826 : vector<16xf32>
      %mul3A_1828 = arith.constant 192 : i32
      %mul3A_1829 = arith.muli %scan3A_1682, %mul3A_1828 : i32
      %add3A_1830 = arith.constant 32 : i32
      %add3A_1831 = arith.addi %mul3A_1829, %add3A_1830 : i32
      %swap3A_1832 = arith.index_cast %add3A_1831 : i32 to index
      %swap3A_1833 = tpu.vector_load %arg9[%swap3A_1832] {strides = array<i32>} : memref<6144xf32, #tpu.memory_space<vmem>>, vector<16xf32>,
      %swap3A_1834 = vector.shape_cast %swap3A_1833 : vector<16xf32> to vector<16xf32>
      %swap3A_1835 = vector.shape_cast %add3A_1827 : vector<16xf32> to vector<16xf32>
      tpu.vector_store %arg9[%swap3A_1832], %swap3A_1835 {strides = array<i32>} : memref<6144xf32, #tpu.memory_space<vmem>>, vector<16xf32>,
      %get3A_1836 = arith.index_cast %scan3A_1682 : i32 to index
      %get3A_1837 = arith.constant 48 : index
      %get3A_1838 = tpu.vector_load %arg12[%get3A_1836, %get3A_1837] {strides = array<i32>} : memref<128x256xf32, #tpu.memory_space<vmem>>, vector<1x16xf32>,
      %get3A_1839 = vector.shape_cast %get3A_1838 : vector<1x16xf32> to vector<16xf32>
      %mul3A_1840 = arith.mulf %add3A_1691, %get3A_1839 : vector<16xf32>
      %add3A_1841 = arith.constant 32 : i32
      %add3A_1842 = arith.addi %add3A_1841, %scan3A_1682 : i32
      %get3A_1843 = arith.index_cast %add3A_1842 : i32 to index
      %get3A_1844 = arith.constant 48 : index
      %get3A_1845 = tpu.vector_load %arg12[%get3A_1843, %get3A_1844] {strides = array<i32>} : memref<128x256xf32, #tpu.memory_space<vmem>>, vector<1x16xf32>,
      %get3A_1846 = vector.shape_cast %get3A_1845 : vector<1x16xf32> to vector<16xf32>
      %mul3A_1847 = arith.mulf %add3A_1702, %get3A_1846 : vector<16xf32>
      %add3A_1848 = arith.addf %mul3A_1840, %mul3A_1847 : vector<16xf32>
      %add3A_1849 = arith.constant 64 : i32
      %add3A_1850 = arith.addi %add3A_1849, %scan3A_1682 : i32
      %get3A_1851 = arith.index_cast %add3A_1850 : i32 to index
      %get3A_1852 = arith.constant 48 : index
      %get3A_1853 = tpu.vector_load %arg12[%get3A_1851, %get3A_1852] {strides = array<i32>} : memref<128x256xf32, #tpu.memory_space<vmem>>, vector<1x16xf32>,
      %get3A_1854 = vector.shape_cast %get3A_1853 : vector<1x16xf32> to vector<16xf32>
      %mul3A_1855 = arith.mulf %add3A_1713, %get3A_1854 : vector<16xf32>
      %add3A_1856 = arith.addf %add3A_1848, %mul3A_1855 : vector<16xf32>
      %add3A_1857 = arith.constant 96 : i32
      %add3A_1858 = arith.addi %add3A_1857, %scan3A_1682 : i32
      %get3A_1859 = arith.index_cast %add3A_1858 : i32 to index
      %get3A_1860 = arith.constant 48 : index
      %get3A_1861 = tpu.vector_load %arg12[%get3A_1859, %get3A_1860] {strides = array<i32>} : memref<128x256xf32, #tpu.memory_space<vmem>>, vector<1x16xf32>,
      %get3A_1862 = vector.shape_cast %get3A_1861 : vector<1x16xf32> to vector<16xf32>
      %mul3A_1863 = arith.mulf %add3A_1724, %get3A_1862 : vector<16xf32>
      %add3A_1864 = arith.addf %add3A_1856, %mul3A_1863 : vector<16xf32>
      %mul3A_1865 = arith.constant 192 : i32
      %mul3A_1866 = arith.muli %scan3A_1682, %mul3A_1865 : i32
      %add3A_1867 = arith.constant 48 : i32
      %add3A_1868 = arith.addi %mul3A_1866, %add3A_1867 : i32
      %swap3A_1869 = arith.index_cast %add3A_1868 : i32 to index
      %swap3A_1870 = tpu.vector_load %arg9[%swap3A_1869] {strides = array<i32>} : memref<6144xf32, #tpu.memory_space<vmem>>, vector<16xf32>,
      %swap3A_1871 = vector.shape_cast %swap3A_1870 : vector<16xf32> to vector<16xf32>
      %swap3A_1872 = vector.shape_cast %add3A_1864 : vector<16xf32> to vector<16xf32>
      tpu.vector_store %arg9[%swap3A_1869], %swap3A_1872 {strides = array<i32>} : memref<6144xf32, #tpu.memory_space<vmem>>, vector<16xf32>,
      %get3A_1873 = arith.index_cast %scan3A_1682 : i32 to index
      %get3A_1874 = arith.constant 64 : index
      %get3A_1875 = tpu.vector_load %arg12[%get3A_1873, %get3A_1874] {strides = array<i32>} : memref<128x256xf32, #tpu.memory_space<vmem>>, vector<1x16xf32>,
      %get3A_1876 = vector.shape_cast %get3A_1875 : vector<1x16xf32> to vector<16xf32>
      %mul3A_1877 = arith.mulf %add3A_1691, %get3A_1876 : vector<16xf32>
      %add3A_1878 = arith.constant 32 : i32
      %add3A_1879 = arith.addi %add3A_1878, %scan3A_1682 : i32
      %get3A_1880 = arith.index_cast %add3A_1879 : i32 to index
      %get3A_1881 = arith.constant 64 : index
      %get3A_1882 = tpu.vector_load %arg12[%get3A_1880, %get3A_1881] {strides = array<i32>} : memref<128x256xf32, #tpu.memory_space<vmem>>, vector<1x16xf32>,
      %get3A_1883 = vector.shape_cast %get3A_1882 : vector<1x16xf32> to vector<16xf32>
      %mul3A_1884 = arith.mulf %add3A_1702, %get3A_1883 : vector<16xf32>
      %add3A_1885 = arith.addf %mul3A_1877, %mul3A_1884 : vector<16xf32>
      %add3A_1886 = arith.constant 64 : i32
      %add3A_1887 = arith.addi %add3A_1886, %scan3A_1682 : i32
      %get3A_1888 = arith.index_cast %add3A_1887 : i32 to index
      %get3A_1889 = arith.constant 64 : index
      %get3A_1890 = tpu.vector_load %arg12[%get3A_1888, %get3A_1889] {strides = array<i32>} : memref<128x256xf32, #tpu.memory_space<vmem>>, vector<1x16xf32>,
      %get3A_1891 = vector.shape_cast %get3A_1890 : vector<1x16xf32> to vector<16xf32>
      %mul3A_1892 = arith.mulf %add3A_1713, %get3A_1891 : vector<16xf32>
      %add3A_1893 = arith.addf %add3A_1885, %mul3A_1892 : vector<16xf32>
      %add3A_1894 = arith.constant 96 : i32
      %add3A_1895 = arith.addi %add3A_1894, %scan3A_1682 : i32
      %get3A_1896 = arith.index_cast %add3A_1895 : i32 to index
      %get3A_1897 = arith.constant 64 : index
      %get3A_1898 = tpu.vector_load %arg12[%get3A_1896, %get3A_1897] {strides = array<i32>} : memref<128x256xf32, #tpu.memory_space<vmem>>, vector<1x16xf32>,
      %get3A_1899 = vector.shape_cast %get3A_1898 : vector<1x16xf32> to vector<16xf32>
      %mul3A_1900 = arith.mulf %add3A_1724, %get3A_1899 : vector<16xf32>
      %add3A_1901 = arith.addf %add3A_1893, %mul3A_1900 : vector<16xf32>
      %mul3A_1902 = arith.constant 192 : i32
      %mul3A_1903 = arith.muli %scan3A_1682, %mul3A_1902 : i32
      %add3A_1904 = arith.constant 64 : i32
      %add3A_1905 = arith.addi %mul3A_1903, %add3A_1904 : i32
      %swap3A_1906 = arith.index_cast %add3A_1905 : i32 to index
      %swap3A_1907 = tpu.vector_load %arg9[%swap3A_1906] {strides = array<i32>} : memref<6144xf32, #tpu.memory_space<vmem>>, vector<16xf32>,
      %swap3A_1908 = vector.shape_cast %swap3A_1907 : vector<16xf32> to vector<16xf32>
      %swap3A_1909 = vector.shape_cast %add3A_1901 : vector<16xf32> to vector<16xf32>
      tpu.vector_store %arg9[%swap3A_1906], %swap3A_1909 {strides = array<i32>} : memref<6144xf32, #tpu.memory_space<vmem>>, vector<16xf32>,
      %get3A_1910 = arith.index_cast %scan3A_1682 : i32 to index
      %get3A_1911 = arith.constant 80 : index
      %get3A_1912 = tpu.vector_load %arg12[%get3A_1910, %get3A_1911] {strides = array<i32>} : memref<128x256xf32, #tpu.memory_space<vmem>>, vector<1x16xf32>,
      %get3A_1913 = vector.shape_cast %get3A_1912 : vector<1x16xf32> to vector<16xf32>
      %mul3A_1914 = arith.mulf %add3A_1691, %get3A_1913 : vector<16xf32>
      %add3A_1915 = arith.constant 32 : i32
      %add3A_1916 = arith.addi %add3A_1915, %scan3A_1682 : i32
      %get3A_1917 = arith.index_cast %add3A_1916 : i32 to index
      %get3A_1918 = arith.constant 80 : index
      %get3A_1919 = tpu.vector_load %arg12[%get3A_1917, %get3A_1918] {strides = array<i32>} : memref<128x256xf32, #tpu.memory_space<vmem>>, vector<1x16xf32>,
      %get3A_1920 = vector.shape_cast %get3A_1919 : vector<1x16xf32> to vector<16xf32>
      %mul3A_1921 = arith.mulf %add3A_1702, %get3A_1920 : vector<16xf32>
      %add3A_1922 = arith.addf %mul3A_1914, %mul3A_1921 : vector<16xf32>
      %add3A_1923 = arith.constant 64 : i32
      %add3A_1924 = arith.addi %add3A_1923, %scan3A_1682 : i32
      %get3A_1925 = arith.index_cast %add3A_1924 : i32 to index
      %get3A_1926 = arith.constant 80 : index
      %get3A_1927 = tpu.vector_load %arg12[%get3A_1925, %get3A_1926] {strides = array<i32>} : memref<128x256xf32, #tpu.memory_space<vmem>>, vector<1x16xf32>,
      %get3A_1928 = vector.shape_cast %get3A_1927 : vector<1x16xf32> to vector<16xf32>
      %mul3A_1929 = arith.mulf %add3A_1713, %get3A_1928 : vector<16xf32>
      %add3A_1930 = arith.addf %add3A_1922, %mul3A_1929 : vector<16xf32>
      %add3A_1931 = arith.constant 96 : i32
      %add3A_1932 = arith.addi %add3A_1931, %scan3A_1682 : i32
      %get3A_1933 = arith.index_cast %add3A_1932 : i32 to index
      %get3A_1934 = arith.constant 80 : index
      %get3A_1935 = tpu.vector_load %arg12[%get3A_1933, %get3A_1934] {strides = array<i32>} : memref<128x256xf32, #tpu.memory_space<vmem>>, vector<1x16xf32>,
      %get3A_1936 = vector.shape_cast %get3A_1935 : vector<1x16xf32> to vector<16xf32>
      %mul3A_1937 = arith.mulf %add3A_1724, %get3A_1936 : vector<16xf32>
      %add3A_1938 = arith.addf %add3A_1930, %mul3A_1937 : vector<16xf32>
      %mul3A_1939 = arith.constant 192 : i32
      %mul3A_1940 = arith.muli %scan3A_1682, %mul3A_1939 : i32
      %add3A_1941 = arith.constant 80 : i32
      %add3A_1942 = arith.addi %mul3A_1940, %add3A_1941 : i32
      %swap3A_1943 = arith.index_cast %add3A_1942 : i32 to index
      %swap3A_1944 = tpu.vector_load %arg9[%swap3A_1943] {strides = array<i32>} : memref<6144xf32, #tpu.memory_space<vmem>>, vector<16xf32>,
      %swap3A_1945 = vector.shape_cast %swap3A_1944 : vector<16xf32> to vector<16xf32>
      %swap3A_1946 = vector.shape_cast %add3A_1938 : vector<16xf32> to vector<16xf32>
      tpu.vector_store %arg9[%swap3A_1943], %swap3A_1946 {strides = array<i32>} : memref<6144xf32, #tpu.memory_space<vmem>>, vector<16xf32>,
      %get3A_1947 = arith.index_cast %scan3A_1682 : i32 to index
      %get3A_1948 = arith.constant 96 : index
      %get3A_1949 = tpu.vector_load %arg12[%get3A_1947, %get3A_1948] {strides = array<i32>} : memref<128x256xf32, #tpu.memory_space<vmem>>, vector<1x16xf32>,
      %get3A_1950 = vector.shape_cast %get3A_1949 : vector<1x16xf32> to vector<16xf32>
      %mul3A_1951 = arith.mulf %add3A_1691, %get3A_1950 : vector<16xf32>
      %add3A_1952 = arith.constant 32 : i32
      %add3A_1953 = arith.addi %add3A_1952, %scan3A_1682 : i32
      %get3A_1954 = arith.index_cast %add3A_1953 : i32 to index
      %get3A_1955 = arith.constant 96 : index
      %get3A_1956 = tpu.vector_load %arg12[%get3A_1954, %get3A_1955] {strides = array<i32>} : memref<128x256xf32, #tpu.memory_space<vmem>>, vector<1x16xf32>,
      %get3A_1957 = vector.shape_cast %get3A_1956 : vector<1x16xf32> to vector<16xf32>
      %mul3A_1958 = arith.mulf %add3A_1702, %get3A_1957 : vector<16xf32>
      %add3A_1959 = arith.addf %mul3A_1951, %mul3A_1958 : vector<16xf32>
      %add3A_1960 = arith.constant 64 : i32
      %add3A_1961 = arith.addi %add3A_1960, %scan3A_1682 : i32
      %get3A_1962 = arith.index_cast %add3A_1961 : i32 to index
      %get3A_1963 = arith.constant 96 : index
      %get3A_1964 = tpu.vector_load %arg12[%get3A_1962, %get3A_1963] {strides = array<i32>} : memref<128x256xf32, #tpu.memory_space<vmem>>, vector<1x16xf32>,
      %get3A_1965 = vector.shape_cast %get3A_1964 : vector<1x16xf32> to vector<16xf32>
      %mul3A_1966 = arith.mulf %add3A_1713, %get3A_1965 : vector<16xf32>
      %add3A_1967 = arith.addf %add3A_1959, %mul3A_1966 : vector<16xf32>
      %add3A_1968 = arith.constant 96 : i32
      %add3A_1969 = arith.addi %add3A_1968, %scan3A_1682 : i32
      %get3A_1970 = arith.index_cast %add3A_1969 : i32 to index
      %get3A_1971 = arith.constant 96 : index
      %get3A_1972 = tpu.vector_load %arg12[%get3A_1970, %get3A_1971] {strides = array<i32>} : memref<128x256xf32, #tpu.memory_space<vmem>>, vector<1x16xf32>,
      %get3A_1973 = vector.shape_cast %get3A_1972 : vector<1x16xf32> to vector<16xf32>
      %mul3A_1974 = arith.mulf %add3A_1724, %get3A_1973 : vector<16xf32>
      %add3A_1975 = arith.addf %add3A_1967, %mul3A_1974 : vector<16xf32>
      %mul3A_1976 = arith.constant 192 : i32
      %mul3A_1977 = arith.muli %scan3A_1682, %mul3A_1976 : i32
      %add3A_1978 = arith.constant 96 : i32
      %add3A_1979 = arith.addi %mul3A_1977, %add3A_1978 : i32
      %swap3A_1980 = arith.index_cast %add3A_1979 : i32 to index
      %swap3A_1981 = tpu.vector_load %arg9[%swap3A_1980] {strides = array<i32>} : memref<6144xf32, #tpu.memory_space<vmem>>, vector<16xf32>,
      %swap3A_1982 = vector.shape_cast %swap3A_1981 : vector<16xf32> to vector<16xf32>
      %swap3A_1983 = vector.shape_cast %add3A_1975 : vector<16xf32> to vector<16xf32>
      tpu.vector_store %arg9[%swap3A_1980], %swap3A_1983 {strides = array<i32>} : memref<6144xf32, #tpu.memory_space<vmem>>, vector<16xf32>,
      %get3A_1984 = arith.index_cast %scan3A_1682 : i32 to index
      %get3A_1985 = arith.constant 112 : index
      %get3A_1986 = tpu.vector_load %arg12[%get3A_1984, %get3A_1985] {strides = array<i32>} : memref<128x256xf32, #tpu.memory_space<vmem>>, vector<1x16xf32>,
      %get3A_1987 = vector.shape_cast %get3A_1986 : vector<1x16xf32> to vector<16xf32>
      %mul3A_1988 = arith.mulf %add3A_1691, %get3A_1987 : vector<16xf32>
      %add3A_1989 = arith.constant 32 : i32
      %add3A_1990 = arith.addi %add3A_1989, %scan3A_1682 : i32
      %get3A_1991 = arith.index_cast %add3A_1990 : i32 to index
      %get3A_1992 = arith.constant 112 : index
      %get3A_1993 = tpu.vector_load %arg12[%get3A_1991, %get3A_1992] {strides = array<i32>} : memref<128x256xf32, #tpu.memory_space<vmem>>, vector<1x16xf32>,
      %get3A_1994 = vector.shape_cast %get3A_1993 : vector<1x16xf32> to vector<16xf32>
      %mul3A_1995 = arith.mulf %add3A_1702, %get3A_1994 : vector<16xf32>
      %add3A_1996 = arith.addf %mul3A_1988, %mul3A_1995 : vector<16xf32>
      %add3A_1997 = arith.constant 64 : i32
      %add3A_1998 = arith.addi %add3A_1997, %scan3A_1682 : i32
      %get3A_1999 = arith.index_cast %add3A_1998 : i32 to index
      %get3A_2000 = arith.constant 112 : index
      %get3A_2001 = tpu.vector_load %arg12[%get3A_1999, %get3A_2000] {strides = array<i32>} : memref<128x256xf32, #tpu.memory_space<vmem>>, vector<1x16xf32>,
      %get3A_2002 = vector.shape_cast %get3A_2001 : vector<1x16xf32> to vector<16xf32>
      %mul3A_2003 = arith.mulf %add3A_1713, %get3A_2002 : vector<16xf32>
      %add3A_2004 = arith.addf %add3A_1996, %mul3A_2003 : vector<16xf32>
      %add3A_2005 = arith.constant 96 : i32
      %add3A_2006 = arith.addi %add3A_2005, %scan3A_1682 : i32
      %get3A_2007 = arith.index_cast %add3A_2006 : i32 to index
      %get3A_2008 = arith.constant 112 : index
      %get3A_2009 = tpu.vector_load %arg12[%get3A_2007, %get3A_2008] {strides = array<i32>} : memref<128x256xf32, #tpu.memory_space<vmem>>, vector<1x16xf32>,
      %get3A_2010 = vector.shape_cast %get3A_2009 : vector<1x16xf32> to vector<16xf32>
      %mul3A_2011 = arith.mulf %add3A_1724, %get3A_2010 : vector<16xf32>
      %add3A_2012 = arith.addf %add3A_2004, %mul3A_2011 : vector<16xf32>
      %mul3A_2013 = arith.constant 192 : i32
      %mul3A_2014 = arith.muli %scan3A_1682, %mul3A_2013 : i32
      %add3A_2015 = arith.constant 112 : i32
      %add3A_2016 = arith.addi %mul3A_2014, %add3A_2015 : i32
      %swap3A_2017 = arith.index_cast %add3A_2016 : i32 to index
      %swap3A_2018 = tpu.vector_load %arg9[%swap3A_2017] {strides = array<i32>} : memref<6144xf32, #tpu.memory_space<vmem>>, vector<16xf32>,
      %swap3A_2019 = vector.shape_cast %swap3A_2018 : vector<16xf32> to vector<16xf32>
      %swap3A_2020 = vector.shape_cast %add3A_2012 : vector<16xf32> to vector<16xf32>
      tpu.vector_store %arg9[%swap3A_2017], %swap3A_2020 {strides = array<i32>} : memref<6144xf32, #tpu.memory_space<vmem>>, vector<16xf32>,
      %get3A_2021 = arith.index_cast %scan3A_1682 : i32 to index
      %get3A_2022 = arith.constant 128 : index
      %get3A_2023 = tpu.vector_load %arg12[%get3A_2021, %get3A_2022] {strides = array<i32>} : memref<128x256xf32, #tpu.memory_space<vmem>>, vector<1x16xf32>,
      %get3A_2024 = vector.shape_cast %get3A_2023 : vector<1x16xf32> to vector<16xf32>
      %mul3A_2025 = arith.mulf %add3A_1691, %get3A_2024 : vector<16xf32>
      %add3A_2026 = arith.constant 32 : i32
      %add3A_2027 = arith.addi %add3A_2026, %scan3A_1682 : i32
      %get3A_2028 = arith.index_cast %add3A_2027 : i32 to index
      %get3A_2029 = arith.constant 128 : index
      %get3A_2030 = tpu.vector_load %arg12[%get3A_2028, %get3A_2029] {strides = array<i32>} : memref<128x256xf32, #tpu.memory_space<vmem>>, vector<1x16xf32>,
      %get3A_2031 = vector.shape_cast %get3A_2030 : vector<1x16xf32> to vector<16xf32>
      %mul3A_2032 = arith.mulf %add3A_1702, %get3A_2031 : vector<16xf32>
      %add3A_2033 = arith.addf %mul3A_2025, %mul3A_2032 : vector<16xf32>
      %add3A_2034 = arith.constant 64 : i32
      %add3A_2035 = arith.addi %add3A_2034, %scan3A_1682 : i32
      %get3A_2036 = arith.index_cast %add3A_2035 : i32 to index
      %get3A_2037 = arith.constant 128 : index
      %get3A_2038 = tpu.vector_load %arg12[%get3A_2036, %get3A_2037] {strides = array<i32>} : memref<128x256xf32, #tpu.memory_space<vmem>>, vector<1x16xf32>,
      %get3A_2039 = vector.shape_cast %get3A_2038 : vector<1x16xf32> to vector<16xf32>
      %mul3A_2040 = arith.mulf %add3A_1713, %get3A_2039 : vector<16xf32>
      %add3A_2041 = arith.addf %add3A_2033, %mul3A_2040 : vector<16xf32>
      %add3A_2042 = arith.constant 96 : i32
      %add3A_2043 = arith.addi %add3A_2042, %scan3A_1682 : i32
      %get3A_2044 = arith.index_cast %add3A_2043 : i32 to index
      %get3A_2045 = arith.constant 128 : index
      %get3A_2046 = tpu.vector_load %arg12[%get3A_2044, %get3A_2045] {strides = array<i32>} : memref<128x256xf32, #tpu.memory_space<vmem>>, vector<1x16xf32>,
      %get3A_2047 = vector.shape_cast %get3A_2046 : vector<1x16xf32> to vector<16xf32>
      %mul3A_2048 = arith.mulf %add3A_1724, %get3A_2047 : vector<16xf32>
      %add3A_2049 = arith.addf %add3A_2041, %mul3A_2048 : vector<16xf32>
      %mul3A_2050 = arith.constant 192 : i32
      %mul3A_2051 = arith.muli %scan3A_1682, %mul3A_2050 : i32
      %add3A_2052 = arith.constant 128 : i32
      %add3A_2053 = arith.addi %mul3A_2051, %add3A_2052 : i32
      %swap3A_2054 = arith.index_cast %add3A_2053 : i32 to index
      %swap3A_2055 = tpu.vector_load %arg9[%swap3A_2054] {strides = array<i32>} : memref<6144xf32, #tpu.memory_space<vmem>>, vector<16xf32>,
      %swap3A_2056 = vector.shape_cast %swap3A_2055 : vector<16xf32> to vector<16xf32>
      %swap3A_2057 = vector.shape_cast %add3A_2049 : vector<16xf32> to vector<16xf32>
      tpu.vector_store %arg9[%swap3A_2054], %swap3A_2057 {strides = array<i32>} : memref<6144xf32, #tpu.memory_space<vmem>>, vector<16xf32>,
      %get3A_2058 = arith.index_cast %scan3A_1682 : i32 to index
      %get3A_2059 = arith.constant 144 : index
      %get3A_2060 = tpu.vector_load %arg12[%get3A_2058, %get3A_2059] {strides = array<i32>} : memref<128x256xf32, #tpu.memory_space<vmem>>, vector<1x16xf32>,
      %get3A_2061 = vector.shape_cast %get3A_2060 : vector<1x16xf32> to vector<16xf32>
      %mul3A_2062 = arith.mulf %add3A_1691, %get3A_2061 : vector<16xf32>
      %add3A_2063 = arith.constant 32 : i32
      %add3A_2064 = arith.addi %add3A_2063, %scan3A_1682 : i32
      %get3A_2065 = arith.index_cast %add3A_2064 : i32 to index
      %get3A_2066 = arith.constant 144 : index
      %get3A_2067 = tpu.vector_load %arg12[%get3A_2065, %get3A_2066] {strides = array<i32>} : memref<128x256xf32, #tpu.memory_space<vmem>>, vector<1x16xf32>,
      %get3A_2068 = vector.shape_cast %get3A_2067 : vector<1x16xf32> to vector<16xf32>
      %mul3A_2069 = arith.mulf %add3A_1702, %get3A_2068 : vector<16xf32>
      %add3A_2070 = arith.addf %mul3A_2062, %mul3A_2069 : vector<16xf32>
      %add3A_2071 = arith.constant 64 : i32
      %add3A_2072 = arith.addi %add3A_2071, %scan3A_1682 : i32
      %get3A_2073 = arith.index_cast %add3A_2072 : i32 to index
      %get3A_2074 = arith.constant 144 : index
      %get3A_2075 = tpu.vector_load %arg12[%get3A_2073, %get3A_2074] {strides = array<i32>} : memref<128x256xf32, #tpu.memory_space<vmem>>, vector<1x16xf32>,
      %get3A_2076 = vector.shape_cast %get3A_2075 : vector<1x16xf32> to vector<16xf32>
      %mul3A_2077 = arith.mulf %add3A_1713, %get3A_2076 : vector<16xf32>
      %add3A_2078 = arith.addf %add3A_2070, %mul3A_2077 : vector<16xf32>
      %add3A_2079 = arith.constant 96 : i32
      %add3A_2080 = arith.addi %add3A_2079, %scan3A_1682 : i32
      %get3A_2081 = arith.index_cast %add3A_2080 : i32 to index
      %get3A_2082 = arith.constant 144 : index
      %get3A_2083 = tpu.vector_load %arg12[%get3A_2081, %get3A_2082] {strides = array<i32>} : memref<128x256xf32, #tpu.memory_space<vmem>>, vector<1x16xf32>,
      %get3A_2084 = vector.shape_cast %get3A_2083 : vector<1x16xf32> to vector<16xf32>
      %mul3A_2085 = arith.mulf %add3A_1724, %get3A_2084 : vector<16xf32>
      %add3A_2086 = arith.addf %add3A_2078, %mul3A_2085 : vector<16xf32>
      %mul3A_2087 = arith.constant 192 : i32
      %mul3A_2088 = arith.muli %scan3A_1682, %mul3A_2087 : i32
      %add3A_2089 = arith.constant 144 : i32
      %add3A_2090 = arith.addi %mul3A_2088, %add3A_2089 : i32
      %swap3A_2091 = arith.index_cast %add3A_2090 : i32 to index
      %swap3A_2092 = tpu.vector_load %arg9[%swap3A_2091] {strides = array<i32>} : memref<6144xf32, #tpu.memory_space<vmem>>, vector<16xf32>,
      %swap3A_2093 = vector.shape_cast %swap3A_2092 : vector<16xf32> to vector<16xf32>
      %swap3A_2094 = vector.shape_cast %add3A_2086 : vector<16xf32> to vector<16xf32>
      tpu.vector_store %arg9[%swap3A_2091], %swap3A_2094 {strides = array<i32>} : memref<6144xf32, #tpu.memory_space<vmem>>, vector<16xf32>,
      %get3A_2095 = arith.index_cast %scan3A_1682 : i32 to index
      %get3A_2096 = arith.constant 160 : index
      %get3A_2097 = tpu.vector_load %arg12[%get3A_2095, %get3A_2096] {strides = array<i32>} : memref<128x256xf32, #tpu.memory_space<vmem>>, vector<1x16xf32>,
      %get3A_2098 = vector.shape_cast %get3A_2097 : vector<1x16xf32> to vector<16xf32>
      %mul3A_2099 = arith.mulf %add3A_1691, %get3A_2098 : vector<16xf32>
      %add3A_2100 = arith.constant 32 : i32
      %add3A_2101 = arith.addi %add3A_2100, %scan3A_1682 : i32
      %get3A_2102 = arith.index_cast %add3A_2101 : i32 to index
      %get3A_2103 = arith.constant 160 : index
      %get3A_2104 = tpu.vector_load %arg12[%get3A_2102, %get3A_2103] {strides = array<i32>} : memref<128x256xf32, #tpu.memory_space<vmem>>, vector<1x16xf32>,
      %get3A_2105 = vector.shape_cast %get3A_2104 : vector<1x16xf32> to vector<16xf32>
      %mul3A_2106 = arith.mulf %add3A_1702, %get3A_2105 : vector<16xf32>
      %add3A_2107 = arith.addf %mul3A_2099, %mul3A_2106 : vector<16xf32>
      %add3A_2108 = arith.constant 64 : i32
      %add3A_2109 = arith.addi %add3A_2108, %scan3A_1682 : i32
      %get3A_2110 = arith.index_cast %add3A_2109 : i32 to index
      %get3A_2111 = arith.constant 160 : index
      %get3A_2112 = tpu.vector_load %arg12[%get3A_2110, %get3A_2111] {strides = array<i32>} : memref<128x256xf32, #tpu.memory_space<vmem>>, vector<1x16xf32>,
      %get3A_2113 = vector.shape_cast %get3A_2112 : vector<1x16xf32> to vector<16xf32>
      %mul3A_2114 = arith.mulf %add3A_1713, %get3A_2113 : vector<16xf32>
      %add3A_2115 = arith.addf %add3A_2107, %mul3A_2114 : vector<16xf32>
      %add3A_2116 = arith.constant 96 : i32
      %add3A_2117 = arith.addi %add3A_2116, %scan3A_1682 : i32
      %get3A_2118 = arith.index_cast %add3A_2117 : i32 to index
      %get3A_2119 = arith.constant 160 : index
      %get3A_2120 = tpu.vector_load %arg12[%get3A_2118, %get3A_2119] {strides = array<i32>} : memref<128x256xf32, #tpu.memory_space<vmem>>, vector<1x16xf32>,
      %get3A_2121 = vector.shape_cast %get3A_2120 : vector<1x16xf32> to vector<16xf32>
      %mul3A_2122 = arith.mulf %add3A_1724, %get3A_2121 : vector<16xf32>
      %add3A_2123 = arith.addf %add3A_2115, %mul3A_2122 : vector<16xf32>
      %mul3A_2124 = arith.constant 192 : i32
      %mul3A_2125 = arith.muli %scan3A_1682, %mul3A_2124 : i32
      %add3A_2126 = arith.constant 160 : i32
      %add3A_2127 = arith.addi %mul3A_2125, %add3A_2126 : i32
      %swap3A_2128 = arith.index_cast %add3A_2127 : i32 to index
      %swap3A_2129 = tpu.vector_load %arg9[%swap3A_2128] {strides = array<i32>} : memref<6144xf32, #tpu.memory_space<vmem>>, vector<16xf32>,
      %swap3A_2130 = vector.shape_cast %swap3A_2129 : vector<16xf32> to vector<16xf32>
      %swap3A_2131 = vector.shape_cast %add3A_2123 : vector<16xf32> to vector<16xf32>
      tpu.vector_store %arg9[%swap3A_2128], %swap3A_2131 {strides = array<i32>} : memref<6144xf32, #tpu.memory_space<vmem>>, vector<16xf32>,
      %get3A_2132 = arith.index_cast %scan3A_1682 : i32 to index
      %get3A_2133 = arith.constant 176 : index
      %get3A_2134 = tpu.vector_load %arg12[%get3A_2132, %get3A_2133] {strides = array<i32>} : memref<128x256xf32, #tpu.memory_space<vmem>>, vector<1x16xf32>,
      %get3A_2135 = vector.shape_cast %get3A_2134 : vector<1x16xf32> to vector<16xf32>
      %mul3A_2136 = arith.mulf %add3A_1691, %get3A_2135 : vector<16xf32>
      %add3A_2137 = arith.constant 32 : i32
      %add3A_2138 = arith.addi %add3A_2137, %scan3A_1682 : i32
      %get3A_2139 = arith.index_cast %add3A_2138 : i32 to index
      %get3A_2140 = arith.constant 176 : index
      %get3A_2141 = tpu.vector_load %arg12[%get3A_2139, %get3A_2140] {strides = array<i32>} : memref<128x256xf32, #tpu.memory_space<vmem>>, vector<1x16xf32>,
      %get3A_2142 = vector.shape_cast %get3A_2141 : vector<1x16xf32> to vector<16xf32>
      %mul3A_2143 = arith.mulf %add3A_1702, %get3A_2142 : vector<16xf32>
      %add3A_2144 = arith.addf %mul3A_2136, %mul3A_2143 : vector<16xf32>
      %add3A_2145 = arith.constant 64 : i32
      %add3A_2146 = arith.addi %add3A_2145, %scan3A_1682 : i32
      %get3A_2147 = arith.index_cast %add3A_2146 : i32 to index
      %get3A_2148 = arith.constant 176 : index
      %get3A_2149 = tpu.vector_load %arg12[%get3A_2147, %get3A_2148] {strides = array<i32>} : memref<128x256xf32, #tpu.memory_space<vmem>>, vector<1x16xf32>,
      %get3A_2150 = vector.shape_cast %get3A_2149 : vector<1x16xf32> to vector<16xf32>
      %mul3A_2151 = arith.mulf %add3A_1713, %get3A_2150 : vector<16xf32>
      %add3A_2152 = arith.addf %add3A_2144, %mul3A_2151 : vector<16xf32>
      %add3A_2153 = arith.constant 96 : i32
      %add3A_2154 = arith.addi %add3A_2153, %scan3A_1682 : i32
      %get3A_2155 = arith.index_cast %add3A_2154 : i32 to index
      %get3A_2156 = arith.constant 176 : index
      %get3A_2157 = tpu.vector_load %arg12[%get3A_2155, %get3A_2156] {strides = array<i32>} : memref<128x256xf32, #tpu.memory_space<vmem>>, vector<1x16xf32>,
      %get3A_2158 = vector.shape_cast %get3A_2157 : vector<1x16xf32> to vector<16xf32>
      %mul3A_2159 = arith.mulf %add3A_1724, %get3A_2158 : vector<16xf32>
      %add3A_2160 = arith.addf %add3A_2152, %mul3A_2159 : vector<16xf32>
      %mul3A_2161 = arith.constant 192 : i32
      %mul3A_2162 = arith.muli %scan3A_1682, %mul3A_2161 : i32
      %add3A_2163 = arith.constant 176 : i32
      %add3A_2164 = arith.addi %mul3A_2162, %add3A_2163 : i32
      %swap3A_2165 = arith.index_cast %add3A_2164 : i32 to index
      %swap3A_2166 = tpu.vector_load %arg9[%swap3A_2165] {strides = array<i32>} : memref<6144xf32, #tpu.memory_space<vmem>>, vector<16xf32>,
      %swap3A_2167 = vector.shape_cast %swap3A_2166 : vector<16xf32> to vector<16xf32>
      %swap3A_2168 = vector.shape_cast %add3A_2160 : vector<16xf32> to vector<16xf32>
      tpu.vector_store %arg9[%swap3A_2165], %swap3A_2168 {strides = array<i32>} : memref<6144xf32, #tpu.memory_space<vmem>>, vector<16xf32>,
    }
    %scan3A_1655 = arith.constant 32 : i32
    %mul3A_1656 = arith.constant 192 : i32
    %mul3A_1657 = arith.muli %mul3A_2, %mul3A_1656 : i32
    "tpu.region"() ({
      %run_scoped3A = tpu.sem_alloc : memref<!tpu.dma_semaphore, #tpu.memory_space<semaphore_mem>>
      %dma_start3A_1682 = tpu.memref_slice %arg5[%mul3A_1657] : memref<196608xf32, #tpu.memory_space<hbm>> -> memref<6144xf32, #tpu.memory_space<hbm>>
      %dma_start3A_1683 = tpu.memref_slice %arg5[%mul3A_1657] : memref<196608xf32, #tpu.memory_space<hbm>> -> memref<6144xf32, #tpu.memory_space<hbm>>
      tpu.enqueue_dma source(%arg9 : memref<6144xf32, #tpu.memory_space<vmem>>) target(%dma_start3A_1683 : memref<6144xf32, #tpu.memory_space<hbm>>) target_semaphore(%run_scoped3A : memref<!tpu.dma_semaphore, #tpu.memory_space<semaphore_mem>>)
      %dma_wait3A_1684 = tpu.memref_slice %arg5[%mul3A_1657] : memref<196608xf32, #tpu.memory_space<hbm>> -> memref<6144xf32, #tpu.memory_space<hbm>>
      %dma_wait3A_1685 = tpu.memref_slice %arg5[%mul3A_1657] : memref<196608xf32, #tpu.memory_space<hbm>> -> memref<6144xf32, #tpu.memory_space<hbm>>
      tpu.wait_dma2 semaphore(%run_scoped3A : memref<!tpu.dma_semaphore, #tpu.memory_space<semaphore_mem>>) src(%arg9 : memref<6144xf32, #tpu.memory_space<vmem>>) dst(%dma_wait3A_1685 : memref<6144xf32, #tpu.memory_space<hbm>>)
      tpu.yield
    }) : () -> ()
    %dma_wait3A_1658 = arith.constant 0 : i32
    %dma_wait3A_1659 = tpu.memref_slice %arg13[%dma_wait3A_1658] : memref<128xi32, #tpu.memory_space<vmem>> -> memref<32xi32, #tpu.memory_space<vmem>>
    %dma_wait3A_1660 = tpu.memref_slice %arg6[%add3A_1618] : memref<4096xi32, #tpu.memory_space<hbm>> -> memref<32xi32, #tpu.memory_space<hbm>>
    %dma_wait3A_1661 = tpu.memref_slice %arg6[%add3A_1618] : memref<4096xi32, #tpu.memory_space<hbm>> -> memref<32xi32, #tpu.memory_space<hbm>>
    %dma_wait3A_1662 = arith.constant 0 : i32
    %dma_wait3A_1663 = tpu.memref_slice %arg13[%dma_wait3A_1662] : memref<128xi32, #tpu.memory_space<vmem>> -> memref<32xi32, #tpu.memory_space<vmem>>
    tpu.wait_dma2 semaphore(%arg15 : memref<!tpu.dma_semaphore, #tpu.memory_space<semaphore_mem>>) src(%dma_wait3A_1663 : memref<32xi32, #tpu.memory_space<vmem>>) dst(%dma_wait3A_1661 : memref<32xi32, #tpu.memory_space<hbm>>)
    %dma_wait3A_1664 = arith.constant 32 : i32
    %dma_wait3A_1665 = tpu.memref_slice %arg13[%dma_wait3A_1664] : memref<128xi32, #tpu.memory_space<vmem>> -> memref<32xi32, #tpu.memory_space<vmem>>
    %dma_wait3A_1666 = tpu.memref_slice %arg6[%add3A_1626] : memref<4096xi32, #tpu.memory_space<hbm>> -> memref<32xi32, #tpu.memory_space<hbm>>
    %dma_wait3A_1667 = tpu.memref_slice %arg6[%add3A_1626] : memref<4096xi32, #tpu.memory_space<hbm>> -> memref<32xi32, #tpu.memory_space<hbm>>
    %dma_wait3A_1668 = arith.constant 32 : i32
    %dma_wait3A_1669 = tpu.memref_slice %arg13[%dma_wait3A_1668] : memref<128xi32, #tpu.memory_space<vmem>> -> memref<32xi32, #tpu.memory_space<vmem>>
    tpu.wait_dma2 semaphore(%arg15 : memref<!tpu.dma_semaphore, #tpu.memory_space<semaphore_mem>>) src(%dma_wait3A_1669 : memref<32xi32, #tpu.memory_space<vmem>>) dst(%dma_wait3A_1667 : memref<32xi32, #tpu.memory_space<hbm>>)
    %dma_wait3A_1670 = arith.constant 64 : i32
    %dma_wait3A_1671 = tpu.memref_slice %arg13[%dma_wait3A_1670] : memref<128xi32, #tpu.memory_space<vmem>> -> memref<32xi32, #tpu.memory_space<vmem>>
    %dma_wait3A_1672 = tpu.memref_slice %arg6[%add3A_1634] : memref<4096xi32, #tpu.memory_space<hbm>> -> memref<32xi32, #tpu.memory_space<hbm>>
    %dma_wait3A_1673 = tpu.memref_slice %arg6[%add3A_1634] : memref<4096xi32, #tpu.memory_space<hbm>> -> memref<32xi32, #tpu.memory_space<hbm>>
    %dma_wait3A_1674 = arith.constant 64 : i32
    %dma_wait3A_1675 = tpu.memref_slice %arg13[%dma_wait3A_1674] : memref<128xi32, #tpu.memory_space<vmem>> -> memref<32xi32, #tpu.memory_space<vmem>>
    tpu.wait_dma2 semaphore(%arg15 : memref<!tpu.dma_semaphore, #tpu.memory_space<semaphore_mem>>) src(%dma_wait3A_1675 : memref<32xi32, #tpu.memory_space<vmem>>) dst(%dma_wait3A_1673 : memref<32xi32, #tpu.memory_space<hbm>>)
    %dma_wait3A_1676 = arith.constant 96 : i32
    %dma_wait3A_1677 = tpu.memref_slice %arg13[%dma_wait3A_1676] : memref<128xi32, #tpu.memory_space<vmem>> -> memref<32xi32, #tpu.memory_space<vmem>>
    %dma_wait3A_1678 = tpu.memref_slice %arg6[%add3A_1642] : memref<4096xi32, #tpu.memory_space<hbm>> -> memref<32xi32, #tpu.memory_space<hbm>>
    %dma_wait3A_1679 = tpu.memref_slice %arg6[%add3A_1642] : memref<4096xi32, #tpu.memory_space<hbm>> -> memref<32xi32, #tpu.memory_space<hbm>>
    %dma_wait3A_1680 = arith.constant 96 : i32
    %dma_wait3A_1681 = tpu.memref_slice %arg13[%dma_wait3A_1680] : memref<128xi32, #tpu.memory_space<vmem>> -> memref<32xi32, #tpu.memory_space<vmem>>
    tpu.wait_dma2 semaphore(%arg15 : memref<!tpu.dma_semaphore, #tpu.memory_space<semaphore_mem>>) src(%dma_wait3A_1681 : memref<32xi32, #tpu.memory_space<vmem>>) dst(%dma_wait3A_1679 : memref<32xi32, #tpu.memory_space<hbm>>)
    return
  }
}

module attributes {stable_mosaic.version = 14 : i64} {
  func.func @_tc_body(%arg0: i32, %arg1: memref<512x192xf32, #tpu.memory_space<vmem>>, %arg2: memref<512x4xi32, #tpu.memory_space<vmem>>, %arg3: memref<512x192xf32, #tpu.memory_space<vmem>>, %arg4: memref<192x1024xf32, #tpu.memory_space<vmem>>, %arg5: memref<1x1xf32, #tpu.memory_space<vmem>>, %arg6: memref<1x1xf32, #tpu.memory_space<vmem>>) attributes {dimension_semantics = [#tpu.dimension_semantics<arbitrary>], iteration_bounds = array<i64: 2>, scalar_prefetch = 0 : i64, scratch_operands = 0 : i64, tpu.core_type = #tpu.core_type<tc>, window_params = [{transform_indices = @transform_0, window_bounds = array<i64: 512, 192>}, {transform_indices = @transform_1, window_bounds = array<i64: 512, 4>}, {transform_indices = @transform_2, window_bounds = array<i64: 512, 192>}, {pipeline_mode = #tpu.pipeline_mode<synchronous>, transform_indices = @transform_3, window_bounds = array<i64: 192, 1024>}, {pipeline_mode = #tpu.pipeline_mode<synchronous>, transform_indices = @transform_4, window_bounds = array<i64: 1, 1>}, {pipeline_mode = #tpu.pipeline_mode<synchronous>, transform_indices = @transform_5, window_bounds = array<i64: 1, 1>}]} {
    %get3A = arith.constant 0 : index
    %get3A_0 = arith.constant 0 : index
    %get3A_1 = vector.load %arg3[%get3A, %get3A_0] : memref<512x192xf32, #tpu.memory_space<vmem>>, vector<512x192xf32>
    %get3A_2 = arith.constant 0 : index
    %get3A_3 = arith.constant 0 : index
    %get3A_4 = vector.load %arg1[%get3A_2, %get3A_3] : memref<512x192xf32, #tpu.memory_space<vmem>>, vector<512x192xf32>
    %get3A_5 = arith.constant 0 : index
    %get3A_6 = arith.constant 0 : index
    %get3A_7 = vector.load %arg4[%get3A_5, %get3A_6] : memref<192x1024xf32, #tpu.memory_space<vmem>>, vector<192x1024xf32>
    %mul3A = arith.mulf %get3A_1, %get3A_4 : vector<512x192xf32>
    %reduce_sum3A = arith.constant dense<0.000000e+00> : vector<512xf32>
    %reduce_sum3A_8 = vector.multi_reduction <add>, %mul3A, %reduce_sum3A [1] : vector<512x192xf32> to vector<512xf32>
    %broadcast_in_dim3A = vector.shape_cast %reduce_sum3A_8 : vector<512xf32> to vector<512x1xf32>
    %mul3A_9 = arith.mulf %get3A_4, %get3A_4 : vector<512x192xf32>
    %reduce_sum3A_10 = arith.constant dense<0.000000e+00> : vector<512xf32>
    %reduce_sum3A_11 = vector.multi_reduction <add>, %mul3A_9, %reduce_sum3A_10 [1] : vector<512x192xf32> to vector<512xf32>
    %broadcast_in_dim3A_12 = vector.shape_cast %reduce_sum3A_11 : vector<512xf32> to vector<512x1xf32>
    %sqrt3A = math.sqrt %broadcast_in_dim3A_12 : vector<512x1xf32>
    %mul3A_13 = arith.constant 2.000000e+00 : f32
    %mul3A_14 = vector.broadcast %mul3A_13 : f32 to vector<512x1xf32>
    %mul3A_15 = arith.mulf %mul3A_14, %broadcast_in_dim3A : vector<512x1xf32>
    %max3A = arith.constant 9.99999996E-13 : f32
    %max3A_16 = vector.broadcast %max3A : f32 to vector<512x1xf32>
    %max3A_17 = arith.maximumf %sqrt3A, %max3A_16 : vector<512x1xf32>
    %div3A = arith.divf %mul3A_15, %max3A_17 : vector<512x1xf32>
    %sub3A = arith.constant 2.000000e+00 : f32
    %sub3A_18 = vector.broadcast %sub3A : f32 to vector<512x1xf32>
    %sub3A_19 = arith.subf %sub3A_18, %div3A : vector<512x1xf32>
    %iota3A = tpu.iota {dimensions = array<i32: 1>} : vector<512x1024xi32>
    %dot_general3A = arith.constant dense<0.000000e+00> : vector<512x1024xf32>
    %dot_general3A_20 = tpu.matmul %get3A_1, %get3A_7, %dot_general3A {dimension_numbers = #tpu.dot_dimension_numbers<[1], [0], [0], [1], [0, 0, 1, 1], [], []>, transpose_lhs_hint = false} : vector<512x192xf32>, vector<192x1024xf32>, vector<512x1024xf32> -> vector<512x1024xf32>
    %mul3A_21 = arith.constant 2.000000e+00 : f32
    %mul3A_22 = vector.broadcast %mul3A_21 : f32 to vector<512x1024xf32>
    %mul3A_23 = arith.mulf %mul3A_22, %dot_general3A_20 : vector<512x1024xf32>
    %sub3A_24 = arith.constant 2.000000e+00 : f32
    %sub3A_25 = vector.broadcast %sub3A_24 : f32 to vector<512x1024xf32>
    %sub3A_26 = arith.subf %sub3A_25, %mul3A_23 : vector<512x1024xf32>
    %get3A_27 = arith.constant 0 : index
    %get3A_28 = arith.constant 0 : index
    %get3A_29 = vector.load %arg2[%get3A_27, %get3A_28] : memref<512x4xi32, #tpu.memory_space<vmem>>, vector<512x1xi32>
    %eq3A = vector.broadcast %get3A_29 : vector<512x1xi32> to vector<512x1024xi32>
    %eq3A_30 = arith.cmpi eq, %iota3A, %eq3A : vector<512x1024xi32>
    %jit3A = arith.constant 1.000000e+30 : f32
    %broadcast_in_dim3A_31 = vector.broadcast %jit3A : f32 to vector<512x1024xf32>
    %select_n3A = arith.select %eq3A_30, %broadcast_in_dim3A_31, %sub3A_26 : vector<512x1024xi1>, vector<512x1024xf32>
    %get3A_32 = arith.constant 0 : index
    %get3A_33 = arith.constant 1 : index
    %get3A_34 = vector.load %arg2[%get3A_32, %get3A_33] : memref<512x4xi32, #tpu.memory_space<vmem>>, vector<512x1xi32>
    %eq3A_35 = vector.broadcast %get3A_34 : vector<512x1xi32> to vector<512x1024xi32>
    %eq3A_36 = arith.cmpi eq, %iota3A, %eq3A_35 : vector<512x1024xi32>
    %jit3A_37 = arith.constant 1.000000e+30 : f32
    %broadcast_in_dim3A_38 = vector.broadcast %jit3A_37 : f32 to vector<512x1024xf32>
    %select_n3A_39 = arith.select %eq3A_36, %broadcast_in_dim3A_38, %select_n3A : vector<512x1024xi1>, vector<512x1024xf32>
    %get3A_40 = arith.constant 0 : index
    %get3A_41 = arith.constant 2 : index
    %get3A_42 = vector.load %arg2[%get3A_40, %get3A_41] : memref<512x4xi32, #tpu.memory_space<vmem>>, vector<512x1xi32>
    %eq3A_43 = vector.broadcast %get3A_42 : vector<512x1xi32> to vector<512x1024xi32>
    %eq3A_44 = arith.cmpi eq, %iota3A, %eq3A_43 : vector<512x1024xi32>
    %jit3A_45 = arith.constant 1.000000e+30 : f32
    %broadcast_in_dim3A_46 = vector.broadcast %jit3A_45 : f32 to vector<512x1024xf32>
    %select_n3A_47 = arith.select %eq3A_44, %broadcast_in_dim3A_46, %select_n3A_39 : vector<512x1024xi1>, vector<512x1024xf32>
    %get3A_48 = arith.constant 0 : index
    %get3A_49 = arith.constant 3 : index
    %get3A_50 = vector.load %arg2[%get3A_48, %get3A_49] : memref<512x4xi32, #tpu.memory_space<vmem>>, vector<512x1xi32>
    %eq3A_51 = vector.broadcast %get3A_50 : vector<512x1xi32> to vector<512x1024xi32>
    %eq3A_52 = arith.cmpi eq, %iota3A, %eq3A_51 : vector<512x1024xi32>
    %jit3A_53 = arith.constant 1.000000e+30 : f32
    %broadcast_in_dim3A_54 = vector.broadcast %jit3A_53 : f32 to vector<512x1024xf32>
    %select_n3A_55 = arith.select %eq3A_52, %broadcast_in_dim3A_54, %select_n3A_47 : vector<512x1024xi1>, vector<512x1024xf32>
    %slice3A = vector.extract_strided_slice %select_n3A_55 {offsets = [0, 0], sizes = [512, 128], strides = [1, 1]} : vector<512x1024xf32> to vector<512x128xf32>
    %broadcast_in_dim3A_56 = arith.constant 1.000000e+30 : f32
    %broadcast_in_dim3A_57 = vector.broadcast %broadcast_in_dim3A_56 : f32 to vector<512x128xf32>
    %slice3A_58 = vector.extract_strided_slice %select_n3A_55 {offsets = [0, 128], sizes = [512, 128], strides = [1, 1]} : vector<512x1024xf32> to vector<512x128xf32>
    %max3A_59 = arith.maximumf %slice3A, %slice3A_58 : vector<512x128xf32>
    %min3A = arith.minimumf %broadcast_in_dim3A_57, %max3A_59 : vector<512x128xf32>
    %min3A_60 = arith.minimumf %slice3A, %slice3A_58 : vector<512x128xf32>
    %slice3A_61 = vector.extract_strided_slice %select_n3A_55 {offsets = [0, 256], sizes = [512, 128], strides = [1, 1]} : vector<512x1024xf32> to vector<512x128xf32>
    %max3A_62 = arith.maximumf %min3A_60, %slice3A_61 : vector<512x128xf32>
    %min3A_63 = arith.minimumf %min3A, %max3A_62 : vector<512x128xf32>
    %min3A_64 = arith.minimumf %min3A_60, %slice3A_61 : vector<512x128xf32>
    %slice3A_65 = vector.extract_strided_slice %select_n3A_55 {offsets = [0, 384], sizes = [512, 128], strides = [1, 1]} : vector<512x1024xf32> to vector<512x128xf32>
    %max3A_66 = arith.maximumf %min3A_64, %slice3A_65 : vector<512x128xf32>
    %min3A_67 = arith.minimumf %min3A_63, %max3A_66 : vector<512x128xf32>
    %min3A_68 = arith.minimumf %min3A_64, %slice3A_65 : vector<512x128xf32>
    %slice3A_69 = vector.extract_strided_slice %select_n3A_55 {offsets = [0, 512], sizes = [512, 128], strides = [1, 1]} : vector<512x1024xf32> to vector<512x128xf32>
    %max3A_70 = arith.maximumf %min3A_68, %slice3A_69 : vector<512x128xf32>
    %min3A_71 = arith.minimumf %min3A_67, %max3A_70 : vector<512x128xf32>
    %min3A_72 = arith.minimumf %min3A_68, %slice3A_69 : vector<512x128xf32>
    %slice3A_73 = vector.extract_strided_slice %select_n3A_55 {offsets = [0, 640], sizes = [512, 128], strides = [1, 1]} : vector<512x1024xf32> to vector<512x128xf32>
    %max3A_74 = arith.maximumf %min3A_72, %slice3A_73 : vector<512x128xf32>
    %min3A_75 = arith.minimumf %min3A_71, %max3A_74 : vector<512x128xf32>
    %min3A_76 = arith.minimumf %min3A_72, %slice3A_73 : vector<512x128xf32>
    %slice3A_77 = vector.extract_strided_slice %select_n3A_55 {offsets = [0, 768], sizes = [512, 128], strides = [1, 1]} : vector<512x1024xf32> to vector<512x128xf32>
    %max3A_78 = arith.maximumf %min3A_76, %slice3A_77 : vector<512x128xf32>
    %min3A_79 = arith.minimumf %min3A_75, %max3A_78 : vector<512x128xf32>
    %min3A_80 = arith.minimumf %min3A_76, %slice3A_77 : vector<512x128xf32>
    %slice3A_81 = vector.extract_strided_slice %select_n3A_55 {offsets = [0, 896], sizes = [512, 128], strides = [1, 1]} : vector<512x1024xf32> to vector<512x128xf32>
    %max3A_82 = arith.maximumf %min3A_80, %slice3A_81 : vector<512x128xf32>
    %min3A_83 = arith.minimumf %min3A_79, %max3A_82 : vector<512x128xf32>
    %min3A_84 = arith.minimumf %min3A_80, %slice3A_81 : vector<512x128xf32>
    %reduce_min3A = arith.constant dense<0x7F800000> : vector<512xf32>
    %reduce_min3A_85 = vector.multi_reduction <minimumf>, %min3A_84, %reduce_min3A [1] : vector<512x128xf32> to vector<512xf32>
    %broadcast_in_dim3A_86 = vector.shape_cast %reduce_min3A_85 : vector<512xf32> to vector<512x1xf32>
    %reduce_min3A_87 = arith.constant dense<0x7F800000> : vector<512xf32>
    %reduce_min3A_88 = vector.multi_reduction <minimumf>, %min3A_83, %reduce_min3A_87 [1] : vector<512x128xf32> to vector<512xf32>
    %broadcast_in_dim3A_89 = vector.shape_cast %reduce_min3A_88 : vector<512xf32> to vector<512x1xf32>
    %min3A_90 = arith.minimumf %broadcast_in_dim3A_86, %broadcast_in_dim3A_89 : vector<512x1xf32>
    %sub3A_91 = arith.subf %sub3A_19, %min3A_90 : vector<512x1xf32>
    %add3A = arith.constant 1.000000e+00 : f32
    %add3A_92 = vector.broadcast %add3A : f32 to vector<512x1xf32>
    %add3A_93 = arith.addf %sub3A_91, %add3A_92 : vector<512x1xf32>
    %max3A_94 = arith.constant 0.000000e+00 : f32
    %max3A_95 = vector.broadcast %max3A_94 : f32 to vector<512x1xf32>
    %max3A_96 = arith.maximumf %add3A_93, %max3A_95 : vector<512x1xf32>
    %reduce_sum3A_97 = vector.shape_cast %max3A_96 : vector<512x1xf32> to vector<1x512x1xf32>
    %reduce_sum3A_98 = arith.constant dense<0.000000e+00> : vector<1xf32>
    %reduce_sum3A_99 = vector.multi_reduction <add>, %reduce_sum3A_97, %reduce_sum3A_98 [1, 2] : vector<1x512x1xf32> to vector<1xf32>
    %reduce_sum3A_100 = vector.shape_cast %reduce_sum3A_99 : vector<1xf32> to vector<1x1x1xf32>
    %reduce_sum3A_101 = vector.extract %reduce_sum3A_100[0, 0, 0] : f32 from vector<1x1x1xf32>
    %add3A_102 = arith.constant 0.000000e+00 : f32
    %add3A_103 = arith.addf %add3A_102, %reduce_sum3A_101 : f32
    %eq3A_104 = vector.broadcast %min3A_90 : vector<512x1xf32> to vector<512x128xf32>
    %eq3A_105 = arith.cmpf oeq, %min3A_84, %eq3A_104 : vector<512x128xf32>
    %jit3A_106 = arith.constant 1.000000e+30 : f32
    %broadcast_in_dim3A_107 = vector.broadcast %jit3A_106 : f32 to vector<512x128xf32>
    %select_n3A_108 = arith.select %eq3A_105, %broadcast_in_dim3A_107, %min3A_84 : vector<512x128xi1>, vector<512x128xf32>
    %eq3A_109 = vector.broadcast %min3A_90 : vector<512x1xf32> to vector<512x128xf32>
    %eq3A_110 = arith.cmpf oeq, %min3A_83, %eq3A_109 : vector<512x128xf32>
    %jit3A_111 = arith.constant 1.000000e+30 : f32
    %broadcast_in_dim3A_112 = vector.broadcast %jit3A_111 : f32 to vector<512x128xf32>
    %select_n3A_113 = arith.select %eq3A_110, %broadcast_in_dim3A_112, %min3A_83 : vector<512x128xi1>, vector<512x128xf32>
    %reduce_min3A_114 = arith.constant dense<0x7F800000> : vector<512xf32>
    %reduce_min3A_115 = vector.multi_reduction <minimumf>, %select_n3A_108, %reduce_min3A_114 [1] : vector<512x128xf32> to vector<512xf32>
    %broadcast_in_dim3A_116 = vector.shape_cast %reduce_min3A_115 : vector<512xf32> to vector<512x1xf32>
    %reduce_min3A_117 = arith.constant dense<0x7F800000> : vector<512xf32>
    %reduce_min3A_118 = vector.multi_reduction <minimumf>, %select_n3A_113, %reduce_min3A_117 [1] : vector<512x128xf32> to vector<512xf32>
    %broadcast_in_dim3A_119 = vector.shape_cast %reduce_min3A_118 : vector<512xf32> to vector<512x1xf32>
    %min3A_120 = arith.minimumf %broadcast_in_dim3A_116, %broadcast_in_dim3A_119 : vector<512x1xf32>
    %sub3A_121 = arith.subf %sub3A_19, %min3A_120 : vector<512x1xf32>
    %add3A_122 = arith.constant 1.000000e+00 : f32
    %add3A_123 = vector.broadcast %add3A_122 : f32 to vector<512x1xf32>
    %add3A_124 = arith.addf %sub3A_121, %add3A_123 : vector<512x1xf32>
    %max3A_125 = arith.constant 0.000000e+00 : f32
    %max3A_126 = vector.broadcast %max3A_125 : f32 to vector<512x1xf32>
    %max3A_127 = arith.maximumf %add3A_124, %max3A_126 : vector<512x1xf32>
    %reduce_sum3A_128 = vector.shape_cast %max3A_127 : vector<512x1xf32> to vector<1x512x1xf32>
    %reduce_sum3A_129 = arith.constant dense<0.000000e+00> : vector<1xf32>
    %reduce_sum3A_130 = vector.multi_reduction <add>, %reduce_sum3A_128, %reduce_sum3A_129 [1, 2] : vector<1x512x1xf32> to vector<1xf32>
    %reduce_sum3A_131 = vector.shape_cast %reduce_sum3A_130 : vector<1xf32> to vector<1x1x1xf32>
    %reduce_sum3A_132 = vector.extract %reduce_sum3A_131[0, 0, 0] : f32 from vector<1x1x1xf32>
    %add3A_133 = arith.addf %add3A_103, %reduce_sum3A_132 : f32
    %eq3A_134 = vector.broadcast %min3A_120 : vector<512x1xf32> to vector<512x128xf32>
    %eq3A_135 = arith.cmpf oeq, %select_n3A_108, %eq3A_134 : vector<512x128xf32>
    %jit3A_136 = arith.constant 1.000000e+30 : f32
    %broadcast_in_dim3A_137 = vector.broadcast %jit3A_136 : f32 to vector<512x128xf32>
    %select_n3A_138 = arith.select %eq3A_135, %broadcast_in_dim3A_137, %select_n3A_108 : vector<512x128xi1>, vector<512x128xf32>
    %eq3A_139 = vector.broadcast %min3A_120 : vector<512x1xf32> to vector<512x128xf32>
    %eq3A_140 = arith.cmpf oeq, %select_n3A_113, %eq3A_139 : vector<512x128xf32>
    %jit3A_141 = arith.constant 1.000000e+30 : f32
    %broadcast_in_dim3A_142 = vector.broadcast %jit3A_141 : f32 to vector<512x128xf32>
    %select_n3A_143 = arith.select %eq3A_140, %broadcast_in_dim3A_142, %select_n3A_113 : vector<512x128xi1>, vector<512x128xf32>
    %reduce_min3A_144 = arith.constant dense<0x7F800000> : vector<512xf32>
    %reduce_min3A_145 = vector.multi_reduction <minimumf>, %select_n3A_138, %reduce_min3A_144 [1] : vector<512x128xf32> to vector<512xf32>
    %broadcast_in_dim3A_146 = vector.shape_cast %reduce_min3A_145 : vector<512xf32> to vector<512x1xf32>
    %reduce_min3A_147 = arith.constant dense<0x7F800000> : vector<512xf32>
    %reduce_min3A_148 = vector.multi_reduction <minimumf>, %select_n3A_143, %reduce_min3A_147 [1] : vector<512x128xf32> to vector<512xf32>
    %broadcast_in_dim3A_149 = vector.shape_cast %reduce_min3A_148 : vector<512xf32> to vector<512x1xf32>
    %min3A_150 = arith.minimumf %broadcast_in_dim3A_146, %broadcast_in_dim3A_149 : vector<512x1xf32>
    %sub3A_151 = arith.subf %sub3A_19, %min3A_150 : vector<512x1xf32>
    %add3A_152 = arith.constant 1.000000e+00 : f32
    %add3A_153 = vector.broadcast %add3A_152 : f32 to vector<512x1xf32>
    %add3A_154 = arith.addf %sub3A_151, %add3A_153 : vector<512x1xf32>
    %max3A_155 = arith.constant 0.000000e+00 : f32
    %max3A_156 = vector.broadcast %max3A_155 : f32 to vector<512x1xf32>
    %max3A_157 = arith.maximumf %add3A_154, %max3A_156 : vector<512x1xf32>
    %reduce_sum3A_158 = vector.shape_cast %max3A_157 : vector<512x1xf32> to vector<1x512x1xf32>
    %reduce_sum3A_159 = arith.constant dense<0.000000e+00> : vector<1xf32>
    %reduce_sum3A_160 = vector.multi_reduction <add>, %reduce_sum3A_158, %reduce_sum3A_159 [1, 2] : vector<1x512x1xf32> to vector<1xf32>
    %reduce_sum3A_161 = vector.shape_cast %reduce_sum3A_160 : vector<1xf32> to vector<1x1x1xf32>
    %reduce_sum3A_162 = vector.extract %reduce_sum3A_161[0, 0, 0] : f32 from vector<1x1x1xf32>
    %add3A_163 = arith.addf %add3A_133, %reduce_sum3A_162 : f32
    %eq3A_164 = vector.broadcast %min3A_150 : vector<512x1xf32> to vector<512x128xf32>
    %eq3A_165 = arith.cmpf oeq, %select_n3A_138, %eq3A_164 : vector<512x128xf32>
    %jit3A_166 = arith.constant 1.000000e+30 : f32
    %broadcast_in_dim3A_167 = vector.broadcast %jit3A_166 : f32 to vector<512x128xf32>
    %select_n3A_168 = arith.select %eq3A_165, %broadcast_in_dim3A_167, %select_n3A_138 : vector<512x128xi1>, vector<512x128xf32>
    %eq3A_169 = vector.broadcast %min3A_150 : vector<512x1xf32> to vector<512x128xf32>
    %eq3A_170 = arith.cmpf oeq, %select_n3A_143, %eq3A_169 : vector<512x128xf32>
    %jit3A_171 = arith.constant 1.000000e+30 : f32
    %broadcast_in_dim3A_172 = vector.broadcast %jit3A_171 : f32 to vector<512x128xf32>
    %select_n3A_173 = arith.select %eq3A_170, %broadcast_in_dim3A_172, %select_n3A_143 : vector<512x128xi1>, vector<512x128xf32>
    %reduce_min3A_174 = arith.constant dense<0x7F800000> : vector<512xf32>
    %reduce_min3A_175 = vector.multi_reduction <minimumf>, %select_n3A_168, %reduce_min3A_174 [1] : vector<512x128xf32> to vector<512xf32>
    %broadcast_in_dim3A_176 = vector.shape_cast %reduce_min3A_175 : vector<512xf32> to vector<512x1xf32>
    %reduce_min3A_177 = arith.constant dense<0x7F800000> : vector<512xf32>
    %reduce_min3A_178 = vector.multi_reduction <minimumf>, %select_n3A_173, %reduce_min3A_177 [1] : vector<512x128xf32> to vector<512xf32>
    %broadcast_in_dim3A_179 = vector.shape_cast %reduce_min3A_178 : vector<512xf32> to vector<512x1xf32>
    %min3A_180 = arith.minimumf %broadcast_in_dim3A_176, %broadcast_in_dim3A_179 : vector<512x1xf32>
    %sub3A_181 = arith.subf %sub3A_19, %min3A_180 : vector<512x1xf32>
    %add3A_182 = arith.constant 1.000000e+00 : f32
    %add3A_183 = vector.broadcast %add3A_182 : f32 to vector<512x1xf32>
    %add3A_184 = arith.addf %sub3A_181, %add3A_183 : vector<512x1xf32>
    %max3A_185 = arith.constant 0.000000e+00 : f32
    %max3A_186 = vector.broadcast %max3A_185 : f32 to vector<512x1xf32>
    %max3A_187 = arith.maximumf %add3A_184, %max3A_186 : vector<512x1xf32>
    %reduce_sum3A_188 = vector.shape_cast %max3A_187 : vector<512x1xf32> to vector<1x512x1xf32>
    %reduce_sum3A_189 = arith.constant dense<0.000000e+00> : vector<1xf32>
    %reduce_sum3A_190 = vector.multi_reduction <add>, %reduce_sum3A_188, %reduce_sum3A_189 [1, 2] : vector<1x512x1xf32> to vector<1xf32>
    %reduce_sum3A_191 = vector.shape_cast %reduce_sum3A_190 : vector<1xf32> to vector<1x1x1xf32>
    %reduce_sum3A_192 = vector.extract %reduce_sum3A_191[0, 0, 0] : f32 from vector<1x1x1xf32>
    %add3A_193 = arith.addf %add3A_163, %reduce_sum3A_192 : f32
    %reduce_sum3A_194 = vector.shape_cast %sub3A_19 : vector<512x1xf32> to vector<1x512x1xf32>
    %reduce_sum3A_195 = arith.constant dense<0.000000e+00> : vector<1xf32>
    %reduce_sum3A_196 = vector.multi_reduction <add>, %reduce_sum3A_194, %reduce_sum3A_195 [1, 2] : vector<1x512x1xf32> to vector<1xf32>
    %reduce_sum3A_197 = vector.shape_cast %reduce_sum3A_196 : vector<1xf32> to vector<1x1x1xf32>
    %reduce_sum3A_198 = vector.extract %reduce_sum3A_197[0, 0, 0] : f32 from vector<1x1x1xf32>
    %eq3A_199 = arith.constant 0 : i32
    %eq3A_200 = arith.cmpi eq, %arg0, %eq3A_199 : i32
    %convert_element_type3A = arith.extui %eq3A_200 : i1 to i32
    %cond3A = arith.constant 0 : i32
    %cond3A_201 = arith.cmpi ne, %convert_element_type3A, %cond3A : i32
    scf.if %cond3A_201 {
      %broadcast_in_dim3A_221 = arith.constant 0.000000e+00 : f32
      %broadcast_in_dim3A_222 = vector.broadcast %broadcast_in_dim3A_221 : f32 to vector<1x1xf32>
      %swap3A_223 = arith.constant 0 : index
      %swap3A_224 = arith.constant 0 : index
      %swap3A_225 = vector.load %arg5[%swap3A_223, %swap3A_224] : memref<1x1xf32, #tpu.memory_space<vmem>>, vector<1x1xf32>
      tpu.vector_store %arg5[%swap3A_223, %swap3A_224], %broadcast_in_dim3A_222 {strides = array<i32>} : memref<1x1xf32, #tpu.memory_space<vmem>>, vector<1x1xf32>,
      %broadcast_in_dim3A_226 = arith.constant 0.000000e+00 : f32
      %broadcast_in_dim3A_227 = vector.broadcast %broadcast_in_dim3A_226 : f32 to vector<1x1xf32>
      %swap3A_228 = arith.constant 0 : index
      %swap3A_229 = arith.constant 0 : index
      %swap3A_230 = vector.load %arg6[%swap3A_228, %swap3A_229] : memref<1x1xf32, #tpu.memory_space<vmem>>, vector<1x1xf32>
      tpu.vector_store %arg6[%swap3A_228, %swap3A_229], %broadcast_in_dim3A_227 {strides = array<i32>} : memref<1x1xf32, #tpu.memory_space<vmem>>, vector<1x1xf32>,
    } else {
    }
    %get3A_202 = arith.constant 0 : index
    %get3A_203 = arith.constant 0 : index
    %get3A_204 = vector.load %arg5[%get3A_202, %get3A_203] : memref<1x1xf32, #tpu.memory_space<vmem>>, vector<1x1xf32>
    %reshape3A = vector.broadcast %add3A_193 : f32 to vector<1x1xf32>
    %add3A_205 = arith.addf %get3A_204, %reshape3A : vector<1x1xf32>
    %swap3A = arith.constant 0 : index
    %swap3A_206 = arith.constant 0 : index
    %swap3A_207 = vector.load %arg5[%swap3A, %swap3A_206] : memref<1x1xf32, #tpu.memory_space<vmem>>, vector<1x1xf32>
    tpu.vector_store %arg5[%swap3A, %swap3A_206], %add3A_205 {strides = array<i32>} : memref<1x1xf32, #tpu.memory_space<vmem>>, vector<1x1xf32>,
    %get3A_208 = arith.constant 0 : index
    %get3A_209 = arith.constant 0 : index
    %get3A_210 = vector.load %arg6[%get3A_208, %get3A_209] : memref<1x1xf32, #tpu.memory_space<vmem>>, vector<1x1xf32>
    %reshape3A_211 = vector.broadcast %reduce_sum3A_198 : f32 to vector<1x1xf32>
    %add3A_212 = arith.addf %get3A_210, %reshape3A_211 : vector<1x1xf32>
    %swap3A_213 = arith.constant 0 : index
    %swap3A_214 = arith.constant 0 : index
    %swap3A_215 = vector.load %arg6[%swap3A_213, %swap3A_214] : memref<1x1xf32, #tpu.memory_space<vmem>>, vector<1x1xf32>
    tpu.vector_store %arg6[%swap3A_213, %swap3A_214], %add3A_212 {strides = array<i32>} : memref<1x1xf32, #tpu.memory_space<vmem>>, vector<1x1xf32>,
    %eq3A_216 = arith.constant 1 : i32
    %eq3A_217 = arith.cmpi eq, %arg0, %eq3A_216 : i32
    %convert_element_type3A_218 = arith.extui %eq3A_217 : i1 to i32
    %cond3A_219 = arith.constant 0 : i32
    %cond3A_220 = arith.cmpi ne, %convert_element_type3A_218, %cond3A_219 : i32
    scf.if %cond3A_220 {
      %get3A_221 = arith.constant 0 : index
      %get3A_222 = arith.constant 0 : index
      %get3A_223 = vector.load %arg5[%get3A_221, %get3A_222] : memref<1x1xf32, #tpu.memory_space<vmem>>, vector<1x1xf32>
      %mul3A_224 = arith.constant 2.44140625E-4 : f32
      %mul3A_225 = vector.broadcast %mul3A_224 : f32 to vector<1x1xf32>
      %mul3A_226 = arith.mulf %get3A_223, %mul3A_225 : vector<1x1xf32>
      %swap3A_227 = arith.constant 0 : index
      %swap3A_228 = arith.constant 0 : index
      %swap3A_229 = vector.load %arg5[%swap3A_227, %swap3A_228] : memref<1x1xf32, #tpu.memory_space<vmem>>, vector<1x1xf32>
      tpu.vector_store %arg5[%swap3A_227, %swap3A_228], %mul3A_226 {strides = array<i32>} : memref<1x1xf32, #tpu.memory_space<vmem>>, vector<1x1xf32>,
      %get3A_230 = arith.constant 0 : index
      %get3A_231 = arith.constant 0 : index
      %get3A_232 = vector.load %arg6[%get3A_230, %get3A_231] : memref<1x1xf32, #tpu.memory_space<vmem>>, vector<1x1xf32>
      %mul3A_233 = arith.constant 9.765625E-4 : f32
      %mul3A_234 = vector.broadcast %mul3A_233 : f32 to vector<1x1xf32>
      %mul3A_235 = arith.mulf %get3A_232, %mul3A_234 : vector<1x1xf32>
      %swap3A_236 = arith.constant 0 : index
      %swap3A_237 = arith.constant 0 : index
      %swap3A_238 = vector.load %arg6[%swap3A_236, %swap3A_237] : memref<1x1xf32, #tpu.memory_space<vmem>>, vector<1x1xf32>
      tpu.vector_store %arg6[%swap3A_236, %swap3A_237], %mul3A_235 {strides = array<i32>} : memref<1x1xf32, #tpu.memory_space<vmem>>, vector<1x1xf32>,
    } else {
    }
    return
  }
  func.func @transform_0(%arg0: i32) -> (i32, i32) {
    %c0_i32 = arith.constant 0 : i32
    %c0_i32_0 = arith.constant 0 : i32
    return %arg0, %c0_i32 : i32, i32
  }
  func.func @transform_1(%arg0: i32) -> (i32, i32) {
    %c0_i32 = arith.constant 0 : i32
    %c0_i32_0 = arith.constant 0 : i32
    return %arg0, %c0_i32 : i32, i32
  }
  func.func @transform_2(%arg0: i32) -> (i32, i32) {
    %c0_i32 = arith.constant 0 : i32
    %c0_i32_0 = arith.constant 0 : i32
    return %arg0, %c0_i32 : i32, i32
  }
  func.func @transform_3(%arg0: i32) -> (i32, i32) {
    %c0_i32 = arith.constant 0 : i32
    %c0_i32_0 = arith.constant 0 : i32
    %c0_i32_1 = arith.constant 0 : i32
    return %c0_i32, %c0_i32_0 : i32, i32
  }
  func.func @transform_4(%arg0: i32) -> (i32, i32) {
    %c0_i32 = arith.constant 0 : i32
    %c0_i32_0 = arith.constant 0 : i32
    %c0_i32_1 = arith.constant 0 : i32
    return %c0_i32, %c0_i32_0 : i32, i32
  }
  func.func @transform_5(%arg0: i32) -> (i32, i32) {
    %c0_i32 = arith.constant 0 : i32
    %c0_i32_0 = arith.constant 0 : i32
    %c0_i32_1 = arith.constant 0 : i32
    return %c0_i32, %c0_i32_0 : i32, i32
  }
}

</mosaic_0001>

<sc_bundles>
// kernel: _run.4.cloned.1.call-start
scs
__scs_entry_jumppad:
0x0: {  	(pc) =	sbr.rel $0x88, $3  }
0x1: {  	(tag) =	ssettag $0x0;
	lr =	simm.s32 $0x1  }
0x2: {  	[smem:$0x3F9C] =	sst lr;
	_ =	strace $0xD0000000  }
0x3: {  	_ = 	snop  }
0x4: {  	_ = 	snop  }
0x5: {  	_ = 	snop  }
0x6: {  	_ = 	snop  }
0x7: {  	_ = 	snop  }
__scs_overlays_trampoline_lowered:
0x8: {  	[smem:$0x3FAB] =	sst s0  }
0x9: {  	[smem:$0x3FAC] =	sst s1  }
0xa: {  	[smem:$0x3FAD] =	sst s2  }
0xb: {  	[smem:$0x3FAE] =	sst s3  }
0xc: {  	[smem:$0x3FAF] =	sst s4  }
0xd: {  	[smem:$0x3FB0] =	sst s5  }
0xe: {  	[smem:$0x3FB1] =	sst s6  }
0xf: {  	[smem:$0x3FB2] =	sst s7  }
0x10: {  	[smem:$0x3FB3] =	sst s8  }
0x11: {  	[smem:$0x3FB4] =	sst s9;
	s0 =	simm.s32 @!p0 $0x0  }
0x12: {  	s1 =	sld [smem:$0x3F9A];
	s0 =	simm.s32 @p0 $0x1  }
0x13: {  	[smem:$0x3FB5] =	sst s0;
	s0 =	simm.s32 @!p1 $0x0  }
0x14: {  	s2 =	sld [smem:$0x3F99];
	s0 =	simm.s32 @p1 $0x1  }
0x15: {  	[smem:$0x3FB6] =	sst s0;
	s0 =	simm.s32 @!p2 $0x0  }
0x16: {  	s3 =	sld [smem:$0x3FDB];
	s0 =	simm.s32 @p2 $0x1  }
0x17: {  	s4 =	simm.s32 $0x1BF5;
	[smem:$0x3FB8] =	sst s0  }
0x18: {  	s0 =	sld [smem:$0x3F9B];
	_ =	swait.ge [sflag:s4], $0x0  }
0x19: {  	s7 =	sld [smem:$0x3F9C]  }
0x1a: {  	s8 =	sadd.s32 $0xFFFFE003, lr  }
0x1b: {  	s9 =	sadd.s32 $0xFFFFFEF7, lr;
	s5 =	simm.s32 $0xFFFFFFFF;
	p2 =	slt.u32 s8, $0xFFFFF086  }
0x1c: {  	p1 =	slt.u32 s9, $0xF7A;
	s5 =	simm.s32 @!p2 $0x0  }
0x1d: {  	s5 =	simm.s32 @p1 $0x1;
	p0 =	seq.s32 s7, s2  }
0x1e: {  	s7 =	smul.u32 @!p0 $0xF7A, s2;
	p2 =	seq.s32 @!p0 s5, $0x0  }
0x1f: {  	s9 =	smul.u32 $0xF7A, s1;
	s8 =	simm.s32 @!p0 $0x1BF5;
	p2 =	por !p2, p0  }
0x20: {  	[sflag:s8] =	ssyncset.s32 @!p0 $0xFFFFF086;
	s6 =	sadd.s32 @!p0 s3, s7;
	s7 =	simm.s32 @!p0 $0x108  }
0x21: {  	s3 =	sadd.s32 s3, s9;
	s6 =	sadd.s32 @!p0 $0x88, s6;
	s7 =	simm.s32 @p2 $0x1082  }
0x22: {  	[simem:s7], [sflag:s8] =	dma.local @!p0 [hbm:s6], $0xF7A  }
0x23: {  	s9 =	sor.u32 $0xD0000000, s2;
	s6 =	simm.s32 $0x108;
	_ =	swait.ge @!p0 [sflag:s8], $0x0  }
0x24: {  	s3 =	sadd.s32 $0x88, s3;
	s6 =	simm.s32 @!p1 $0x1082;
	[sflag:s4] =	ssyncset.s32 $0xFFFFF086  }
0x25: {  	[simem:s6], [sflag:s4] =	dma.local [hbm:s3], $0xF7A  }
0x26: {  	[smem:$0x3F9C] =	sst s1;
	(tag) =	ssettag s2;
	_ =	strace s9  }
0x27: {  	s1 =	sld [smem:$0x3FAC]  }
0x28: {  	s2 =	sld [smem:$0x3FAD]  }
0x29: {  	s4 =	sld [smem:$0x3FAF]  }
0x2a: {  	p0 =	seq.s32 s5, $0x0;
	s5 =	sld [smem:$0x3FB0]  }
0x2b: {  	s6 =	sld [smem:$0x3FB1]  }
0x2c: {  	s7 =	sld [smem:$0x3FB2]  }
0x2d: {  	s3 =	simm.s32 $0x108;
	s8 =	sld [smem:$0x3FB3]  }
0x2e: {  	s3 =	simm.s32 @!p0 $0x1082;
	s9 =	sld [smem:$0x3FB4]  }
0x2f: {  	lr =	sadd.s32 s0, s3;
	s0 =	sld [smem:$0x3FAB]  }
0x30: {  	s3 =	sld [smem:$0x3FAE]  }
0x31: {  	[smem:$0x3FB7] =	sst s10  }
0x32: {  	s10 =	sld [smem:$0x3FB5];
	_ =	sdelay $0x3  }
0x33: {  	p0 =	seq.s32 s10, $0x1;
	s10 =	sld [smem:$0x3FB7];
	_ =	sdelay $0x3  }
0x34: {  	[smem:$0x3FB7] =	sst s10  }
0x35: {  	s10 =	sld [smem:$0x3FB6];
	_ =	sdelay $0x3  }
0x36: {  	p1 =	seq.s32 s10, $0x1;
	s10 =	sld [smem:$0x3FB7];
	_ =	sdelay $0x3  }
0x37: {  	[smem:$0x3FB7] =	sst s10  }
0x38: {  	s10 =	sld [smem:$0x3FB8]  }
0x39: {  	_ = 	snop;
	(pc) =	sbr.ind lr, $3  }
0x3a: {  	_ = 	snop  }
0x3b: {  	_ = 	snop  }
0x3c: {  	p2 =	seq.s32 s10, $0x1;
	s10 =	sld [smem:$0x3FB7]  }
0x3d: {  	_ =	shalt  }
0x3e: {  	_ =	shalt  }
0x3f: {  	_ =	shalt  }
0x40: {  	_ =	shalt  }
0x41: {  	_ =	shalt  }
0x42: {  	_ =	shalt  }
0x43: {  	_ =	shalt  }
0x44: {  	_ =	shalt  }
0x45: {  	_ =	shalt  }
0x46: {  	_ =	shalt  }
0x47: {  	_ =	shalt  }
0x48: {  	_ =	shalt  }
0x49: {  	_ =	shalt  }
0x4a: {  	_ =	shalt  }
0x4b: {  	_ =	shalt  }
0x4c: {  	_ =	shalt  }
0x4d: {  	_ =	shalt  }
0x4e: {  	_ =	shalt  }
0x4f: {  	_ =	shalt  }
0x50: {  	_ =	shalt  }
0x51: {  	_ =	shalt  }
0x52: {  	_ =	shalt  }
0x53: {  	_ =	shalt  }
0x54: {  	_ =	shalt  }
0x55: {  	_ =	shalt  }
0x56: {  	_ =	shalt  }
0x57: {  	_ =	shalt  }
0x58: {  	_ =	shalt  }
0x59: {  	_ =	shalt  }
0x5a: {  	_ =	shalt  }
0x5b: {  	_ =	shalt  }
0x5c: {  	_ =	shalt  }
0x5d: {  	_ =	shalt  }
0x5e: {  	_ =	shalt  }
0x5f: {  	_ =	shalt  }
0x60: {  	_ =	shalt  }
0x61: {  	_ =	shalt  }
0x62: {  	_ =	shalt  }
0x63: {  	_ =	shalt  }
0x64: {  	_ =	shalt  }
0x65: {  	_ =	shalt  }
0x66: {  	_ =	shalt  }
0x67: {  	_ =	shalt  }
0x68: {  	_ =	shalt  }
0x69: {  	_ =	shalt  }
0x6a: {  	_ =	shalt  }
0x6b: {  	_ =	shalt  }
0x6c: {  	_ =	shalt  }
0x6d: {  	_ =	shalt  }
0x6e: {  	_ =	shalt  }
0x6f: {  	_ =	shalt  }
0x70: {  	_ =	shalt  }
0x71: {  	_ =	shalt  }
0x72: {  	_ =	shalt  }
0x73: {  	_ =	shalt  }
0x74: {  	_ =	shalt  }
0x75: {  	_ =	shalt  }
0x76: {  	_ =	shalt  }
0x77: {  	_ =	shalt  }
0x78: {  	_ =	shalt  }
0x79: {  	_ =	shalt  }
0x7a: {  	_ =	shalt  }
0x7b: {  	_ =	shalt  }
0x7c: {  	_ =	shalt  }
0x7d: {  	_ =	shalt  }
0x7e: {  	_ =	shalt  }
0x7f: {  	_ =	shalt  }
0x80: {  	_ =	shalt  }
0x81: {  	_ =	shalt  }
0x82: {  	_ =	shalt  }
0x83: {  	_ =	shalt  }
0x84: {  	_ =	shalt  }
0x85: {  	_ =	shalt  }
0x86: {  	_ =	shalt  }
0x87: {  	_ =	shalt  }
.Lfunc_end0:
.L_simem_size_0:
called_computation_lowered:
.L_overlay_start_0:
0x88: {  	s2 =	sld [smem:$0x3FD9]  }
0x89: {  	s3 =	sld [smem:$0x3FFE];
	_ =	sdelay $0x1  }
0x8a: {  	s1 =	srdreg.scid  }
0x8b: {  	s0 =	sand.u32 $0x1, s1  }
0x8c: {  	s17 =	sshll.u32 s0, $0xA;
	s2 =	sadd.s32 s3, s2  }
0x8d: {  	s2 =	sadd.s32 s2, s17  }
0x8e: {  	[smem:$0x3FC3] =	sst s2  }
0x8f: {  	_ = 	snop  }
0x90: {  	s2 =	sld [smem:$0x3FC9]  }
0x91: {  	s18 =	sld [smem:$0x3FC8]  }
0x92: {  	s4 =	sld [smem:$0x3FC6];
	(tm) =	ssettm $0x1  }
0x93: {  	s5 =	sld [smem:$0x3FFB];
	_ =	sdelay $0x3  }
0x94: {  	_ =	strace s5  }
0x95: {  	s5 =	sld [smem:$0x3FFC];
	_ =	sdelay $0x3  }
0x96: {  	_ =	strace s5  }
0x97: {  	s5 =	sld [smem:$0x3FFD];
	_ =	sdelay $0x3  }
0x98: {  	_ =	strace s5  }
0x99: {  	_ =	strace $0x8FFFFFFF  }
0x9a: {  	s19 =	sld [smem:$0x3FDB];
	_ =	sdelay $0x1  }
0x9b: {  	s6 =	simm.s32 $_scs_section_size  }
0x9c: {  	s7 =	simm.s32 $_size__tile_overlayer_lowered;
	s8 =	simm.s32 $_tile_overlayer_lowered  }
0x9d: {  	s22 =	simm.s32 $0x1BFF;
	s21 =	sshll.u32 s8, $0x1;
	s5 =	sadd.s32 s6, s19  }
0x9e: {  	s9 =	simm.s32 $0x0;
	s20 =	sshll.u32 s7, $0x1;
	s7 =	sadd.s32 s21, s5  }
0x9f: {  	[timem:s9], [sflag:s22] =	dma.local [hbm:s7], s20  }
0xa0: {  	_ =	swait.ge [sflag:s22], s20  }
0xa1: {  	s6 =	ssub.s32 $0x0, s20;
	[sflag:s22] =	ssyncset.done $0x0  }
0xa2: {  	[sflag:s22] =	ssyncadd.s32 s6;
	_ =	sdelay $0x1  }
0xa3: {  	s23 =	simm.s32 $0x1B8B  }
0xa4: {  	_ =	swait.ge [sflag:s23], $0x1  }
0xa5: {  	[sflag:s23] =	ssyncset.done $0x0  }
0xa6: {  	s25 =	simm.s32 $0x1B8E;
	s24 =	sld [smem:$0x3FFE];
	[sflag:s23] =	ssyncadd.s32 $0xFFFFFFFF  }
0xa7: {  	s26 =	simm.s32 $execute0_lowered;
	[smem:$0x3FD2] =	sst s25  }
0xa8: {  	s7 =	sshll.u32 s26, $0x1;
	_ =	strace $0x80000046;
	[dreg:$0x1] =	wrdreg $0xFFFFFFFF  }
0xa9: {  	s28 =	simm.s32 $_size_execute0_lowered;
	s5 =	sadd.s32 s5, s7;
	[dreg:$0x0] =	wrdreg $0x0  }
0xaa: {  	s7 =	sshll.u32 s28, $0x1;
	[dreg:$0x2] =	wrdreg s5  }
0xab: {  	[dreg:$0x3] =	wrdreg s7  }
0xac: {  	[dreg:$0x4] =	wrdreg $0xC0  }
0xad: {  	_ =	task [dreg:s9], $0x5FFFF  }
0xae: {  	[dreg:$0x1] =	wrdreg $0xFFFFFFFF  }
0xaf: {  	[dreg:$0x0] =	wrdreg $0x60  }
0xb0: {  	[dreg:$0x2] =	wrdreg s2  }
0xb1: {  	[dreg:$0x3] =	wrdreg s18  }
0xb2: {  	[dreg:$0x4] =	wrdreg s4  }
0xb3: {  	[dreg:$0x5] =	wrdreg s24  }
0xb4: {  	[dreg:$0x6] =	wrdreg $0x9  }
0xb5: {  	_ =	task.clear_ibuf [dreg:s9], $0x7FFFF;
	_ =	strace $0x90000046  }
0xb6: {  	s29 =	simm.s32 $0x9;
	_ =	strace $0x80000048  }
0xb7: {  	_ =	swait.ge [sflag:s29], $0x1  }
0xb8: {  	[sflag:s29] =	ssyncadd.s32 $0xFFFFFFFF  }
0xb9: {  	_ =	strace $0x90000048  }
0xba: {  	_ =	sfence  }
0xbb: {  	s30 =	sld [smem:$0x0];
	_ =	sdelay $0x2  }
0xbc: {  	s31 =	sshll.u32 s1, $0xD;
	s1 =	sshrl.u32 s1, $0x2  }
0xbd: {  	s3 =	sand.u32 $0x4000, s31;
	s1 =	sadd.s32 s1, s30  }
0xbe: {  	s0 =	sor.u32 s3, s0;
	s1 =	sshll.u32 s1, $0x11  }
0xbf: {  	s0 =	sor.u32 s1, s0  }
0xc0: {  	s0 =	sadd.s32 $0x8F2B, s0  }
0xc1: {  	[sflag:s0] =	ssyncadd.remote.s32 $0x1  }
0xc2: {  	_ =	sfence.sel $0xFFFF  }
0xc3: {  	[dreg:$0x0] =	wrdreg $0xFFFFFFFF;
	(pc) =	sbr.abs _section_cstart, $3  }
0xc4: {  	[dreg:$0x1] =	wrdreg $0xFFFFFFFF  }
0xc5: {  	_ =	task.clear_ibuf [dreg:s9], $0x2FFFF;
	_ =	strace $0x9FFFFFFF  }
0xc6: {  	(tm) =	ssettm $0x7FFFFFFF  }
0xc7: {  	_ =	shalt  }
tec
execute0_lowered:
.L_overlay_start_1:
0x0: {  	(tag) =	ssettag $0x1  }
0x1: {  	s0 =	rddreg [dreg:$0x0]  }
0x2: {  	s1 =	rddreg [dreg:$0x1]  }
0x3: {  	s2 =	rddreg [dreg:$0x2];
	s3 =	srdreg.scid  }
0x4: {  	s6 =	stileid.u32;
	s4 =	rddreg [dreg:$0x3];
	s12 =	simm.s32 $0x3  }
0x5: {  	s30 =	simm.s32 $0x9280;
	s31 =	simm.s32 $0x9A80;
	s13 =	simm.s32 $0x9AE0  }
0x6: {  	s14 =	simm.s32 $0x1;
	s15 =	simm.s32 $0x100;
	s16 =	simm.s32 $0x2  }
0x7: {  	s5 =	sand.u32 $0x1, s3;
	s6 =	sshll.u32 s6, $0x1;
	s3 =	simm.s32 $0x0  }
0x8: {  	s17 =	simm.s32 $0x0;
	s6 =	sor.u32 s5, s6;
	[smem:$0x7FF] =	sst s3  }
0x9: {  	s5 =	ssub.s32 $0x2, s5;
	s7 =	smul.u32 $0x300, s6;
	s6 =	sshll.u32 s6, $0x2  }
0xa: {  	_ =	strace $0x80000047;
	s29 =	sshrl.u32 s5, $0x1;
	s9 =	sadd.s32 s6, s4  }
0xb: {  	s11 =	ssub.s32 s5, s29;
	s5 =	sadd.s32 s1, s6;
	s1 =	simm.s32 $0x9AA0  }
0xc: {  	v2 =	vlaneseq.u32;
	s10 =	sadd.s32 s7, s4;
	s4 =	sadd.s32 s0, s6;
	s6 =	sadd.s32 $0xE00, s9  }
0xd: {  	vm0 =	vmmov $0xffff;
	v3 =	vimm.s32 $0xFFFFFFFF;
	v1 =	vshrl.u32 v2, $0x3;
	s7 =	sadd.s32 $0xE80, s9;
	s8 =	sadd.s32 $0xF00, s9;
	s9 =	sadd.s32 $0xF80, s9  }
0xe: {  	v0 =	vand.u32 $0x7, v2;
	v2 =	vor.u32 $0x8, v2;
	v1 =	vmul.u32 $0x8, v1;
	s11 =	smax.u32 s11, $0x1;
	s0 =	simm.s32 $0x9AC0;
	s10 =	sadd.s32 $0x1000, s10  }
.LBB2_1:
0xf: {  	[tilespmem:s3], [sflag:$0x3] =	stream.linear.gather [hbm4b:s4+s3], $0x20, $0x38;
	[tilespmem:$0x9B00] =	vst v63  }
0x10: {  	_ =	swait.ge [sflag:s12], $0x20  }
0x11: {  	[sflag:s12] =	ssyncset.done $0x0  }
0x12: {  	s18 =	simm.s32 $0x80;
	[sflag:s12] =	ssyncadd.s32 $0xFFFFFFE0  }
0x13: {  	[tilespmem:s18], [sflag:$0x3] =	stream.linear.gather [hbm4b:s5+s3], $0x20, $0x38;
	[tilespmem:$0x9B00] =	vst v63  }
0x14: {  	_ =	swait.ge [sflag:s12], $0x20  }
0x15: {  	[sflag:s12] =	ssyncset.done $0x0  }
0x16: {  	[sflag:s12] =	ssyncadd.s32 $0xFFFFFFE0  }
0x17: {  	v4 =	vld [tilespmem:$0x0]  }
0x18: {  	v5 =	vld [tilespmem:$0x80]  }
0x19: {  	v13 =	vld [tilespmem:$0x90];
	_ =	sdelay $0x3  }
0x1a: {  	v4 =	vmul.f32 $6.250000000e-02, v4  }
0x1b: {  	v5 =	vmul.f32 $6.250000000e-02, v5;
	v13 =	vmul.f32 $6.250000000e-02, v13  }
0x1c: {  	v4 =	vadd.f32 $-5.000000000e-01, v4  }
0x1d: {  	v5 =	vadd.f32 $-5.000000000e-01, v5;
	v13 =	vadd.f32 $-5.000000000e-01, v13  }
0x1e: {  	v6 =	vtrunc.f32 v4  }
0x1f: {  	v7 =	vtrunc.f32 v5;
	v16 =	vtrunc.f32 v13  }
0x20: {  	v6 =	vcvt.f32.s32 v6;
	v7 =	vcvt.f32.s32 v7  }
0x21: {  	v16 =	vcvt.f32.s32 v16  }
0x22: {  	v6 =	vcvt.s32.f32 v6;
	v7 =	vcvt.s32.f32 v7  }
0x23: {  	v16 =	vcvt.s32.f32 v16  }
0x24: {  	v8 =	vadd.f32 $-1.000000000e+00, v6;
	v9 =	vadd.f32 $-1.000000000e+00, v7  }
0x25: {  	vm1 =	vlt.f32 v4, v6;
	vm2 =	vlt.f32 v5, v7;
	v18 =	vadd.f32 $-1.000000000e+00, v16  }
0x26: {  	vm9 =	vlt.f32 v13, v16;
	v6 =	vsel vm1, v8, v6;
	v7 =	vsel vm2, v9, v7  }
0x27: {  	v16 =	vsel vm9, v18, v16;
	v4 =	vsub.f32 v4, v6;
	v5 =	vsub.f32 v5, v7  }
0x28: {  	v11 =	vadd.f32 $1.000000000e+00, v6;
	v12 =	vadd.f32 $1.000000000e+00, v7;
	vm1 =	vge.f32 v7, $0.0e+00  }
0x29: {  	vm2 =	vle.f32 v7, $3.100000000e+01;
	v7 =	vmax.f32 v7, $0.0e+00;
	v14 =	vmax.f32 v6, $0.0e+00  }
0x2a: {  	v13 =	vsub.f32 v13, v16;
	v20 =	vadd.f32 $1.000000000e+00, v16;
	v42 =	vmax.f32 v16, $0.0e+00  }
0x2b: {  	vm4 =	vmand vm1, vm2;
	vm1 =	vge.f32 v6, $0.0e+00;
	v7 =	vmin.f32 v7, $3.100000000e+01  }
0x2c: {  	vm2 =	vle.f32 v6, $3.100000000e+01;
	v8 =	vsub.f32 $1.000000000e+00, v4;
	v9 =	vsub.f32 $1.000000000e+00, v5  }
0x2d: {  	vm3 =	vmand vm1, vm4;
	v7 =	vtrunc.f32 v7;
	vm13 =	vle.f32 v11, $3.100000000e+01  }
0x2e: {  	vm14 =	vge.f32 v12, $0.0e+00;
	v10 =	vmul.f32 v9, v8;
	v9 =	vmul.f32 v9, v4  }
0x2f: {  	vm6 =	vle.f32 v12, $3.100000000e+01;
	v8 =	vmul.f32 v8, v5;
	v4 =	vmul.f32 v5, v4;
	v5 =	vld [tilespmem:$0x10]  }
0x30: {  	v12 =	vmax.f32 v12, $0.0e+00;
	v40 =	vsub.f32 $1.000000000e+00, v13;
	vm12 =	vge.f32 v20, $0.0e+00  }
0x31: {  	v6 =	vcvt.f32.s32 v7;
	v7 =	vmin.f32 v14, $3.100000000e+01;
	v12 =	vmin.f32 v12, $3.100000000e+01  }
0x32: {  	vm3 =	vmand vm2, vm3;
	v7 =	vtrunc.f32 v7;
	v12 =	vtrunc.f32 v12  }
0x33: {  	v7 =	vcvt.f32.s32 v7;
	v6 =	vshll.u32 v6, $0x5;
	v10 =	vnsel vm3, $0x0, v10  }
0x34: {  	vm3 =	vge.f32 v11, $0.0e+00;
	v11 =	vmax.f32 v11, $0.0e+00;
	v5 =	vmul.f32 $6.250000000e-02, v5  }
0x35: {  	v12 =	vcvt.f32.s32 v12;
	v38 =	vadd.s32 v7, v6;
	v11 =	vmin.f32 v11, $3.100000000e+01  }
0x36: {  	vm5 =	vmand vm3, vm4;
	v11 =	vtrunc.f32 v11;
	v5 =	vadd.f32 $-5.000000000e-01, v5  }
0x37: {  	v12 =	vshll.u32 v12, $0x5;
	vm5 =	vmand vm13, vm5;
	v11 =	vcvt.f32.s32 v11  }
0x38: {  	v9 =	vnsel vm5, $0x0, v9;
	vm5 =	vmand vm14, vm6;
	v15 =	vtrunc.f32 v5  }
0x39: {  	v7 =	vadd.s32 v7, v12;
	[tilespmem:$0x1900] =	vst v38;
	vm1 =	vmand vm1, vm5;
	v15 =	vcvt.f32.s32 v15  }
0x3a: {  	v45 =	vld [tilespmem:$0x1900];
	[tilespmem:$0x1940] =	vst v7;
	v7 =	vmax.f32 v20, $0.0e+00;
	v6 =	vadd.s32 v11, v6;
	vm1 =	vmand vm2, vm1  }
0x3b: {  	vm2 =	vmand vm3, vm5;
	v11 =	vadd.s32 v11, v12;
	v15 =	vcvt.s32.f32 v15  }
0x3c: {  	vm2 =	vmand vm13, vm2;
	v8 =	vnsel vm1, $0x0, v8;
	vm1 =	vge.f32 v16, $0.0e+00  }
0x3d: {  	vm13 =	vle.f32 v20, $3.100000000e+01;
	v4 =	vnsel vm2, $0x0, v4;
	v17 =	vadd.f32 $-1.000000000e+00, v15  }
0x3e: {  	vm2 =	vle.f32 v16, $3.100000000e+01;
	vm5 =	vmand vm12, vm13;
	vm15 =	vlt.f32 v5, v15  }
0x3f: {  	[tilespmem:$0x19C0] =	vst v8;
	vm10 =	vmand vm1, vm2;
	v8 =	vand.u32 $0x7, v45;
	v15 =	vsel vm15, v17, v15  }
0x40: {  	v5 =	vsub.f32 v5, v15;
	v19 =	vadd.f32 $1.000000000e+00, v15;
	v43 =	vmax.f32 v15, $0.0e+00  }
0x41: {  	vm2 =	vge.f32 v15, $0.0e+00;
	vm3 =	vle.f32 v15, $3.100000000e+01;
	v16 =	vmin.f32 v43, $3.100000000e+01  }
0x42: {  	vm1 =	vmand vm2, vm10;
	vm2 =	vmand vm2, vm5;
	v18 =	vmul.f32 v40, v5  }
0x43: {  	v39 =	vsub.f32 $1.000000000e+00, v5;
	v5 =	vmul.f32 v13, v5;
	v16 =	vtrunc.f32 v16  }
0x44: {  	[tilespmem:$0x1920] =	vst v6;
	vm11 =	vmand vm3, vm1;
	vm1 =	vge.f32 v19, $0.0e+00;
	v6 =	vmax.f32 v19, $0.0e+00  }
0x45: {  	vm14 =	vle.f32 v19, $3.100000000e+01;
	v44 =	vcvt.f32.s32 v16;
	vm4 =	vmand vm1, vm10  }
0x46: {  	v6 =	vmin.f32 v6, $3.100000000e+01;
	vm1 =	vmand vm1, vm5;
	v41 =	vmul.f32 v40, v39  }
0x47: {  	[tilespmem:$0x1980] =	vst v10;
	v17 =	vmul.f32 v39, v13;
	v13 =	vmin.f32 v42, $3.100000000e+01;
	vm4 =	vmand vm14, vm4  }
0x48: {  	[tilespmem:$0x19A0] =	vst v9;
	v6 =	vtrunc.f32 v6;
	vm1 =	vmand vm14, vm1;
	v13 =	vtrunc.f32 v13  }
0x49: {  	[tilespmem:$0x19E0] =	vst v4;
	v4 =	vcvt.f32.s32 v6;
	v6 =	vmin.f32 v7, $3.100000000e+01;
	v7 =	vshll.u32 v45, $0x1  }
0x4a: {  	[tilespmem:$0x1960] =	vst v11;
	v5 =	vnsel vm1, $0x0, v5;
	v13 =	vcvt.f32.s32 v13;
	v7 =	vand.u32 $0xFFFFFFF0, v7  }
0x4b: {  	v9 =	vnsel vm11, $0x0, v41;
	v6 =	vtrunc.f32 v6;
	[tilespmem:$0x19F0] =	vst v5;
	v7 =	vor.u32 v8, v7  }
0x4c: {  	[tilespmem:$0x1990] =	vst v9;
	v8 =	vnsel vm4, $0x0, v18;
	v10 =	vshll.u32 v13, $0x5;
	v9 =	vperm.xlane v7, v0  }
0x4d: {  	vm2 =	vmand vm3, vm2;
	v6 =	vcvt.f32.s32 v6;
	[tilespmem:$0x19B0] =	vst v8;
	v8 =	vadd.s32 v4, v10  }
0x4e: {  	v7 =	vperm.xlane v7, v2;
	v46 =	vadd.s32 v44, v10;
	[tilespmem:$0x1930] =	vst v8;
	v8 =	vadd.s32 v1, v9  }
0x4f: {  	v10 =	vnsel vm2, $0x0, v17;
	v6 =	vshll.u32 v6, $0x5;
	[tilespmem:$0x1910] =	vst v46  }
0x50: {  	[tilespmem:$0x19D0] =	vst v10;
	v9 =	vadd.s32 v44, v6;
	v7 =	vadd.s32 v1, v7  }
0x51: {  	v4 =	vadd.s32 v4, v6;
	[tilespmem:$0x1950] =	vst v9  }
0x52: {  	s22 =	simm.s32 $0x1A80;
	[tilespmem:$0x1970] =	vst v4  }
0x53: {  	[tilespmem:s22], [sflag:$0x1] =	stream.indirect_vreg.gather [hbm4b:s2+s3], $0x80, v8, vm0, $0xb8;
	[tilespmem:$0x9B00] =	vst v63  }
0x54: {  	s23 =	simm.s32 $0x2280  }
0x55: {  	[tilespmem:s23], [sflag:$0x1] =	stream.indirect_vreg.gather [hbm4b:s2+s3], $0x80, v7, vm0, $0xb8;
	[tilespmem:$0x9B00] =	vst v63  }
0x56: {  	v4 =	vld [tilespmem:$0x1910];
	_ =	sdelay $0x4  }
0x57: {  	v5 =	vshll.u32 v4, $0x1  }
0x58: {  	v4 =	vand.u32 $0x7, v4;
	v5 =	vand.u32 $0xFFFFFFF0, v5  }
0x59: {  	v4 =	vor.u32 v4, v5  }
0x5a: {  	v5 =	vperm.xlane v4, v0;
	_ =	sdelay $0x1  }
0x5b: {  	v4 =	vperm.xlane v4, v2;
	v5 =	vadd.s32 v1, v5;
	_ =	sdelay $0x1  }
0x5c: {  	v4 =	vadd.s32 v1, v4;
	_ =	sdelay $0x1  }
0x5d: {  	s24 =	simm.s32 $0x2A80  }
0x5e: {  	[tilespmem:s24], [sflag:$0x1] =	stream.indirect_vreg.gather [hbm4b:s2+s3], $0x80, v5, vm0, $0xb8;
	[tilespmem:$0x9B00] =	vst v63  }
0x5f: {  	s25 =	simm.s32 $0x3280  }
0x60: {  	[tilespmem:s25], [sflag:$0x1] =	stream.indirect_vreg.gather [hbm4b:s2+s3], $0x80, v4, vm0, $0xb8;
	[tilespmem:$0x9B00] =	vst v63  }
0x61: {  	v4 =	vld [tilespmem:$0x1920];
	_ =	sdelay $0x4  }
0x62: {  	v5 =	vshll.u32 v4, $0x1  }
0x63: {  	v4 =	vand.u32 $0x7, v4;
	v5 =	vand.u32 $0xFFFFFFF0, v5  }
0x64: {  	v4 =	vor.u32 v4, v5  }
0x65: {  	v5 =	vperm.xlane v4, v0;
	_ =	sdelay $0x1  }
0x66: {  	v4 =	vperm.xlane v4, v2;
	v5 =	vadd.s32 v1, v5;
	_ =	sdelay $0x1  }
0x67: {  	v4 =	vadd.s32 v1, v4;
	_ =	sdelay $0x1  }
0x68: {  	s26 =	simm.s32 $0x3A80  }
0x69: {  	[tilespmem:s26], [sflag:$0x1] =	stream.indirect_vreg.gather [hbm4b:s2+s3], $0x80, v5, vm0, $0xb8;
	[tilespmem:$0x9B00] =	vst v63  }
0x6a: {  	s28 =	simm.s32 $0x4280  }
0x6b: {  	[tilespmem:s28], [sflag:$0x1] =	stream.indirect_vreg.gather [hbm4b:s2+s3], $0x80, v4, vm0, $0xb8;
	[tilespmem:$0x9B00] =	vst v63  }
0x6c: {  	v4 =	vld [tilespmem:$0x1930];
	_ =	sdelay $0x4  }
0x6d: {  	v5 =	vshll.u32 v4, $0x1  }
0x6e: {  	v4 =	vand.u32 $0x7, v4;
	v5 =	vand.u32 $0xFFFFFFF0, v5  }
0x6f: {  	v4 =	vor.u32 v4, v5  }
0x70: {  	v5 =	vperm.xlane v4, v0;
	_ =	sdelay $0x1  }
0x71: {  	v4 =	vperm.xlane v4, v2;
	v5 =	vadd.s32 v1, v5;
	_ =	sdelay $0x1  }
0x72: {  	v4 =	vadd.s32 v1, v4;
	_ =	sdelay $0x1  }
0x73: {  	s29 =	simm.s32 $0x4A80  }
0x74: {  	[tilespmem:s29], [sflag:$0x1] =	stream.indirect_vreg.gather [hbm4b:s2+s3], $0x80, v5, vm0, $0xb8;
	[tilespmem:$0x9B00] =	vst v63  }
0x75: {  	s19 =	simm.s32 $0x5280  }
0x76: {  	[tilespmem:s19], [sflag:$0x1] =	stream.indirect_vreg.gather [hbm4b:s2+s3], $0x80, v4, vm0, $0xb8;
	[tilespmem:$0x9B00] =	vst v63  }
0x77: {  	v4 =	vld [tilespmem:$0x1940];
	_ =	sdelay $0x4  }
0x78: {  	v5 =	vshll.u32 v4, $0x1  }
0x79: {  	v4 =	vand.u32 $0x7, v4;
	v5 =	vand.u32 $0xFFFFFFF0, v5  }
0x7a: {  	v4 =	vor.u32 v4, v5  }
0x7b: {  	v5 =	vperm.xlane v4, v0;
	_ =	sdelay $0x1  }
0x7c: {  	v4 =	vperm.xlane v4, v2;
	v5 =	vadd.s32 v1, v5;
	_ =	sdelay $0x1  }
0x7d: {  	v4 =	vadd.s32 v1, v4;
	_ =	sdelay $0x1  }
0x7e: {  	s20 =	simm.s32 $0x5A80  }
0x7f: {  	[tilespmem:s20], [sflag:$0x1] =	stream.indirect_vreg.gather [hbm4b:s2+s3], $0x80, v5, vm0, $0xb8;
	[tilespmem:$0x9B00] =	vst v63  }
0x80: {  	s21 =	simm.s32 $0x6280  }
0x81: {  	[tilespmem:s21], [sflag:$0x1] =	stream.indirect_vreg.gather [hbm4b:s2+s3], $0x80, v4, vm0, $0xb8;
	[tilespmem:$0x9B00] =	vst v63  }
0x82: {  	v4 =	vld [tilespmem:$0x1950];
	_ =	sdelay $0x4  }
0x83: {  	v5 =	vshll.u32 v4, $0x1  }
0x84: {  	v4 =	vand.u32 $0x7, v4;
	v5 =	vand.u32 $0xFFFFFFF0, v5  }
0x85: {  	v4 =	vor.u32 v4, v5  }
0x86: {  	v5 =	vperm.xlane v4, v0;
	_ =	sdelay $0x1  }
0x87: {  	v4 =	vperm.xlane v4, v2;
	v5 =	vadd.s32 v1, v5;
	_ =	sdelay $0x1  }
0x88: {  	v4 =	vadd.s32 v1, v4;
	_ =	sdelay $0x1  }
0x89: {  	s22 =	simm.s32 $0x6A80  }
0x8a: {  	[tilespmem:s22], [sflag:$0x1] =	stream.indirect_vreg.gather [hbm4b:s2+s3], $0x80, v5, vm0, $0xb8;
	[tilespmem:$0x9B00] =	vst v63  }
0x8b: {  	s23 =	simm.s32 $0x7280  }
0x8c: {  	[tilespmem:s23], [sflag:$0x1] =	stream.indirect_vreg.gather [hbm4b:s2+s3], $0x80, v4, vm0, $0xb8;
	[tilespmem:$0x9B00] =	vst v63  }
0x8d: {  	v4 =	vld [tilespmem:$0x1960];
	_ =	sdelay $0x4  }
0x8e: {  	v5 =	vshll.u32 v4, $0x1  }
0x8f: {  	v4 =	vand.u32 $0x7, v4;
	v5 =	vand.u32 $0xFFFFFFF0, v5  }
0x90: {  	v4 =	vor.u32 v4, v5  }
0x91: {  	v5 =	vperm.xlane v4, v0;
	_ =	sdelay $0x1  }
0x92: {  	v4 =	vperm.xlane v4, v2;
	v5 =	vadd.s32 v1, v5;
	_ =	sdelay $0x1  }
0x93: {  	v4 =	vadd.s32 v1, v4;
	_ =	sdelay $0x1  }
0x94: {  	s24 =	simm.s32 $0x7A80  }
0x95: {  	[tilespmem:s24], [sflag:$0x1] =	stream.indirect_vreg.gather [hbm4b:s2+s3], $0x80, v5, vm0, $0xb8;
	[tilespmem:$0x9B00] =	vst v63  }
0x96: {  	s25 =	simm.s32 $0x8280  }
0x97: {  	[tilespmem:s25], [sflag:$0x1] =	stream.indirect_vreg.gather [hbm4b:s2+s3], $0x80, v4, vm0, $0xb8;
	[tilespmem:$0x9B00] =	vst v63  }
0x98: {  	v4 =	vld [tilespmem:$0x1970];
	_ =	sdelay $0x4  }
0x99: {  	v5 =	vshll.u32 v4, $0x1  }
0x9a: {  	v4 =	vand.u32 $0x7, v4;
	v5 =	vand.u32 $0xFFFFFFF0, v5  }
0x9b: {  	v4 =	vor.u32 v4, v5  }
0x9c: {  	v5 =	vperm.xlane v4, v0;
	_ =	sdelay $0x1  }
0x9d: {  	v4 =	vperm.xlane v4, v2;
	v5 =	vadd.s32 v1, v5;
	_ =	sdelay $0x1  }
0x9e: {  	v4 =	vadd.s32 v1, v4;
	_ =	sdelay $0x1  }
0x9f: {  	s26 =	simm.s32 $0x8A80  }
0xa0: {  	[tilespmem:s26], [sflag:$0x1] =	stream.indirect_vreg.gather [hbm4b:s2+s3], $0x80, v5, vm0, $0xb8;
	[tilespmem:$0x9B00] =	vst v63  }
0xa1: {  	_ = 	snop  }
0xa2: {  	[tilespmem:s30], [sflag:$0x1] =	stream.indirect_vreg.gather [hbm4b:s2+s3], $0x80, v4, vm0, $0xb8;
	[tilespmem:$0x9B00] =	vst v63  }
0xa3: {  	v4 =	vld [tilespmem:$0x0];
	_ =	sdelay $0x1  }
0xa4: {  	v5 =	vld [tilespmem:$0x80];
	_ =	sdelay $0x2  }
0xa5: {  	v6 =	vmul.f32 $6.250000000e-02, v4;
	_ =	sdelay $0x1  }
0xa6: {  	v8 =	vmul.f32 $6.250000000e-02, v5;
	v6 =	vtrunc.f32 v6  }
0xa7: {  	v6 =	vcvt.f32.s32 v6  }
0xa8: {  	v8 =	vtrunc.f32 v8  }
0xa9: {  	v8 =	vcvt.f32.s32 v8;
	v7 =	vcvt.s32.f32 v6;
	_ =	sdelay $0x1  }
0xaa: {  	v9 =	vcvt.s32.f32 v8;
	v7 =	vmul.f32 $1.600000000e+01, v7;
	_ =	sdelay $0x1  }
0xab: {  	v9 =	vmul.f32 $1.600000000e+01, v9;
	v7 =	vadd.f32 $8.000000000e+00, v7;
	_ =	sdelay $0x1  }
0xac: {  	v9 =	vadd.f32 $8.000000000e+00, v9;
	v7 =	vsub.f32 v4, v7;
	_ =	sdelay $0x1  }
0xad: {  	v9 =	vsub.f32 v5, v9;
	vm1 =	vge.f32 v7, $0.0e+00  }
0xae: {  	v10 =	vsel vm1, $0x1, v3  }
0xaf: {  	vm3 =	vge.f32 v9, $0.0e+00;
	v11 =	vadd.s32 v6, v10  }
0xb0: {  	v47 =	vsub.s32 v6, v10;
	v10 =	vshll.u32 v10, $0x1;
	vm1 =	vlt.u32 v11, $0x20  }
0xb1: {  	v49 =	vsel vm3, $0x1, v3;
	v48 =	vsel vm1, v11, v47;
	v11 =	vsub.s32 v6, v10  }
0xb2: {  	vm2 =	vlt.u32 v47, $0x20;
	v10 =	vadd.s32 v6, v10;
	v11 =	vsel vm1, v47, v11  }
0xb3: {  	v52 =	vsub.s32 v8, v49;
	v50 =	vsel vm2, v11, v10;
	v11 =	vadd.s32 v8, v49  }
0xb4: {  	v10 =	vcvt.s32.f32 v48;
	vm2 =	vlt.u32 v52, $0x20;
	vm1 =	vlt.u32 v11, $0x20  }
0xb5: {  	v51 =	vcvt.s32.f32 v50;
	v53 =	vsel vm1, v11, v52;
	v11 =	vshll.u32 v49, $0x1  }
0xb6: {  	v10 =	vmul.f32 $1.600000000e+01, v10;
	v55 =	vsub.s32 v8, v11;
	v56 =	vcvt.s32.f32 v53  }
0xb7: {  	v54 =	vmul.f32 $1.600000000e+01, v51;
	v11 =	vadd.s32 v8, v11;
	v13 =	vsel vm1, v52, v55  }
0xb8: {  	v10 =	vadd.f32 $8.000000000e+00, v10;
	v57 =	vsel vm2, v13, v11;
	v11 =	vmul.f32 $1.600000000e+01, v56  }
0xb9: {  	v12 =	vadd.f32 $8.000000000e+00, v54;
	v13 =	vcvt.s32.f32 v57  }
0xba: {  	v10 =	vsub.f32 v4, v10;
	v11 =	vadd.f32 $8.000000000e+00, v11  }
0xbb: {  	v7 =	vmul.f32 v7, v7;
	v4 =	vsub.f32 v4, v12;
	v58 =	vmul.f32 $1.600000000e+01, v13  }
0xbc: {  	v9 =	vmul.f32 v9, v9;
	v10 =	vmul.f32 v10, v10;
	v11 =	vsub.f32 v5, v11  }
0xbd: {  	v4 =	vmul.f32 v4, v4;
	v12 =	vadd.f32 $8.000000000e+00, v58  }
0xbe: {  	v59 =	vadd.f32 v9, v7;
	v60 =	vadd.f32 v10, v9;
	v11 =	vmul.f32 v11, v11  }
0xbf: {  	v21 =	vadd.f32 v4, v9;
	v5 =	vsub.f32 v5, v12  }
0xc0: {  	v9 =	vmin.f32 v59, v60;
	v22 =	vadd.f32 v11, v7  }
0xc1: {  	v23 =	vadd.f32 v11, v10;
	v9 =	vmin.f32 v9, v21;
	v5 =	vmul.f32 v5, v5  }
0xc2: {  	v24 =	vadd.f32 v11, v4;
	v9 =	vmin.f32 v9, v22  }
0xc3: {  	v25 =	vadd.f32 v5, v7;
	v7 =	vmin.f32 v9, v23  }
0xc4: {  	v26 =	vadd.f32 v5, v10;
	v7 =	vmin.f32 v7, v24  }
0xc5: {  	v8 =	vshll.u32 v8, $0x5;
	v27 =	vadd.f32 v5, v4;
	v4 =	vmin.f32 v7, v25  }
0xc6: {  	v15 =	vadd.s32 v6, v8;
	v4 =	vmin.f32 v4, v26  }
0xc7: {  	vm1 =	vlt.s32 v15, $0x40000000;
	v28 =	vmin.f32 v4, v27  }
0xc8: {  	v13 =	vnsel vm1, $0x40000000, v15;
	vm2 =	veq.f32 v59, v28  }
0xc9: {  	v12 =	vadd.s32 v8, v48;
	v4 =	vnsel vm2, $0x40000000, v13  }
0xca: {  	v11 =	vadd.s32 v8, v50;
	vm1 =	vlt.s32 v4, v12  }
0xcb: {  	vm2 =	veq.f32 v60, v28;
	v5 =	vsel vm1, v4, v12;
	vm1 =	veq.f32 v21, v28  }
0xcc: {  	v7 =	vshll.u32 v53, $0x5;
	v4 =	vsel vm2, v5, v4;
	v5 =	vnsel vm1, $0x40000000, v11  }
0xcd: {  	v10 =	vadd.s32 v6, v7;
	vm2 =	veq.f32 v22, v28;
	vm1 =	vlt.s32 v4, v5  }
0xce: {  	v4 =	vsel vm1, v4, v5;
	v5 =	vnsel vm2, $0x40000000, v10  }
0xcf: {  	v9 =	vadd.s32 v48, v7;
	vm2 =	veq.f32 v23, v28;
	vm1 =	vlt.s32 v4, v5  }
0xd0: {  	v4 =	vsel vm1, v4, v5;
	v5 =	vnsel vm2, $0x40000000, v9  }
0xd1: {  	v8 =	vadd.s32 v50, v7;
	vm2 =	veq.f32 v24, v28;
	vm1 =	vlt.s32 v4, v5  }
0xd2: {  	v61 =	vshll.u32 v57, $0x5;
	v4 =	vsel vm1, v4, v5;
	v5 =	vnsel vm2, $0x40000000, v8  }
0xd3: {  	v7 =	vadd.s32 v6, v61;
	vm2 =	veq.f32 v25, v28;
	vm1 =	vlt.s32 v4, v5  }
0xd4: {  	v6 =	vnsel vm2, $0x40000000, v7;
	v4 =	vsel vm1, v4, v5  }
0xd5: {  	vm2 =	veq.f32 v26, v28;
	v5 =	vadd.s32 v48, v61;
	vm1 =	vlt.s32 v4, v6  }
0xd6: {  	v14 =	vnsel vm2, $0x40000000, v5;
	v6 =	vsel vm1, v4, v6  }
0xd7: {  	vm2 =	veq.f32 v27, v28;
	v4 =	vadd.s32 v50, v61;
	vm1 =	vlt.s32 v6, v14  }
0xd8: {  	v62 =	vnsel vm2, $0x40000000, v4;
	v6 =	vsel vm1, v6, v14  }
0xd9: {  	vm1 =	vlt.s32 v6, v62  }
0xda: {  	v6 =	vsel vm1, v6, v62  }
0xdb: {  	vm1 =	veq.s32 v15, v6;
	vm2 =	veq.s32 v12, v6  }
0xdc: {  	v63 =	vsel vm1, $0x7149F2CA, v59;
	v30 =	vsel vm2, $0x7149F2CA, v60;
	vm1 =	veq.s32 v11, v6  }
0xdd: {  	v31 =	vsel vm1, $0x7149F2CA, v21;
	vm1 =	veq.s32 v10, v6;
	v35 =	vmin.f32 v63, v30  }
0xde: {  	v36 =	vsel vm1, $0x7149F2CA, v22;
	vm1 =	veq.s32 v9, v6;
	v14 =	vmin.f32 v35, v31  }
0xdf: {  	v37 =	vsel vm1, $0x7149F2CA, v23;
	vm1 =	veq.s32 v8, v6;
	v14 =	vmin.f32 v14, v36  }
0xe0: {  	v38 =	vsel vm1, $0x7149F2CA, v24;
	vm1 =	veq.s32 v7, v6;
	v14 =	vmin.f32 v14, v37  }
0xe1: {  	v39 =	vsel vm1, $0x7149F2CA, v25;
	vm1 =	veq.s32 v5, v6;
	v14 =	vmin.f32 v14, v38  }
0xe2: {  	v40 =	vsel vm1, $0x7149F2CA, v26;
	vm1 =	veq.s32 v4, v6;
	v14 =	vmin.f32 v14, v39  }
0xe3: {  	v41 =	vsel vm1, $0x7149F2CA, v27;
	v14 =	vmin.f32 v14, v40  }
0xe4: {  	v14 =	vmin.f32 v14, v41  }
0xe5: {  	v49 =	vld [tilespmem:$0x10];
	vm1 =	veq.f32 v63, v14  }
0xe6: {  	v42 =	vnsel vm1, $0x40000000, v13  }
0xe7: {  	vm1 =	vlt.s32 v42, v12  }
0xe8: {  	v53 =	vld [tilespmem:$0x90];
	vm2 =	veq.f32 v30, v14;
	v43 =	vsel vm1, v42, v12;
	vm1 =	veq.f32 v31, v14  }
0xe9: {  	v25 =	vsel vm2, v43, v42;
	v44 =	vnsel vm1, $0x40000000, v11  }
0xea: {  	v54 =	vmul.f32 $6.250000000e-02, v49;
	vm2 =	veq.f32 v36, v14;
	vm1 =	vlt.s32 v25, v44  }
0xeb: {  	v45 =	vnsel vm2, $0x40000000, v10;
	v25 =	vsel vm1, v25, v44  }
0xec: {  	v55 =	vtrunc.f32 v54;
	vm2 =	veq.f32 v37, v14;
	vm1 =	vlt.s32 v25, v45  }
0xed: {  	v57 =	vmul.f32 $6.250000000e-02, v53;
	v46 =	vnsel vm2, $0x40000000, v9;
	v25 =	vsel vm1, v25, v45  }
0xee: {  	v16 =	vcvt.f32.s32 v55;
	vm2 =	veq.f32 v38, v14;
	vm1 =	vlt.s32 v25, v46  }
0xef: {  	v18 =	vtrunc.f32 v57;
	v47 =	vnsel vm2, $0x40000000, v8;
	v25 =	vsel vm1, v25, v46  }
0xf0: {  	v18 =	vcvt.f32.s32 v18;
	vm2 =	veq.f32 v39, v14;
	vm1 =	vlt.s32 v25, v47  }
0xf1: {  	v56 =	vcvt.s32.f32 v16;
	v48 =	vnsel vm2, $0x40000000, v7;
	v25 =	vsel vm1, v25, v47  }
0xf2: {  	v59 =	vcvt.s32.f32 v18;
	vm2 =	veq.f32 v40, v14;
	vm1 =	vlt.s32 v25, v48  }
0xf3: {  	v17 =	vmul.f32 $1.600000000e+01, v56;
	v50 =	vnsel vm2, $0x40000000, v5;
	v25 =	vsel vm1, v25, v48  }
0xf4: {  	v20 =	vmul.f32 $1.600000000e+01, v59;
	vm2 =	veq.f32 v41, v14;
	vm1 =	vlt.s32 v25, v50  }
0xf5: {  	v17 =	vadd.f32 $8.000000000e+00, v17;
	v52 =	vnsel vm2, $0x40000000, v4;
	v51 =	vsel vm1, v25, v50  }
0xf6: {  	v20 =	vadd.f32 $8.000000000e+00, v20;
	vm1 =	vlt.s32 v51, v52  }
0xf7: {  	v17 =	vsub.f32 v49, v17;
	v14 =	vsel vm1, v51, v52  }
0xf8: {  	v20 =	vsub.f32 v53, v20;
	vm1 =	veq.s32 v15, v14;
	vm2 =	veq.s32 v9, v14  }
0xf9: {  	vm3 =	veq.s32 v8, v14;
	v35 =	vsel vm1, $0x7149F2CA, v63;
	vm1 =	veq.s32 v12, v14  }
0xfa: {  	v28 =	vsel vm3, $0x7149F2CA, v38;
	vm3 =	vge.f32 v20, $0.0e+00;
	v34 =	vsel vm1, $0x7149F2CA, v30  }
0xfb: {  	vm1 =	veq.s32 v11, v14;
	v30 =	vsel vm2, $0x7149F2CA, v37;
	v42 =	vsel vm3, $0x1, v3  }
0xfc: {  	v32 =	vsel vm1, $0x7149F2CA, v31;
	vm1 =	veq.s32 v10, v14;
	v58 =	vmin.f32 v35, v34  }
0xfd: {  	v44 =	vadd.s32 v18, v42;
	v33 =	vsel vm1, $0x7149F2CA, v36;
	v19 =	vmin.f32 v58, v32  }
0xfe: {  	v24 =	vshll.u32 v42, $0x1;
	vm1 =	veq.s32 v7, v14;
	v19 =	vmin.f32 v19, v33  }
0xff: {  	v29 =	vsel vm1, $0x7149F2CA, v39;
	vm1 =	veq.s32 v5, v14;
	v19 =	vmin.f32 v19, v30  }
0x100: {  	v21 =	vsel vm1, $0x7149F2CA, v40;
	vm1 =	veq.s32 v4, v14;
	v19 =	vmin.f32 v19, v28  }
0x101: {  	v22 =	vsel vm1, $0x7149F2CA, v41;
	vm1 =	vge.f32 v17, $0.0e+00;
	v19 =	vmin.f32 v19, v29  }
0x102: {  	v39 =	vsub.s32 v18, v42;
	v60 =	vsel vm1, $0x1, v3;
	v19 =	vmin.f32 v19, v21  }
0x103: {  	v61 =	vadd.s32 v16, v60;
	v62 =	vsub.s32 v16, v60;
	v36 =	vmin.f32 v19, v22  }
0x104: {  	vm2 =	vlt.u32 v61, $0x20;
	v19 =	vshll.u32 v60, $0x1;
	vm1 =	veq.f32 v35, v36  }
0x105: {  	v37 =	vsel vm2, v61, v62;
	v41 =	vsub.s32 v16, v19;
	v19 =	vadd.s32 v16, v19  }
0x106: {  	v63 =	vnsel vm1, $0x40000000, v13;
	vm1 =	vlt.u32 v62, $0x20;
	v23 =	vsel vm2, v62, v41  }
0x107: {  	v43 =	vcvt.s32.f32 v37;
	v38 =	vsel vm1, v23, v19;
	vm1 =	vlt.u32 v44, $0x20  }
0x108: {  	v40 =	vsub.s32 v18, v24;
	v31 =	vcvt.s32.f32 v38;
	v23 =	vsel vm1, v44, v39  }
0x109: {  	v24 =	vadd.s32 v18, v24;
	v19 =	vmul.f32 $1.600000000e+01, v43;
	v41 =	vcvt.s32.f32 v23  }
0x10a: {  	vm2 =	vlt.u32 v39, $0x20;
	v39 =	vsel vm1, v39, v40;
	v31 =	vmul.f32 $1.600000000e+01, v31  }
0x10b: {  	v39 =	vsel vm2, v39, v24;
	v19 =	vadd.f32 $8.000000000e+00, v19;
	v45 =	vmul.f32 $1.600000000e+01, v41  }
0x10c: {  	v20 =	vmul.f32 v20, v20;
	v46 =	vcvt.s32.f32 v39;
	v31 =	vadd.f32 $8.000000000e+00, v31  }
0x10d: {  	v17 =	vmul.f32 v17, v17;
	v19 =	vsub.f32 v49, v19;
	v24 =	vadd.f32 $8.000000000e+00, v45  }
0x10e: {  	vm1 =	veq.f32 v34, v36;
	v47 =	vmul.f32 $1.600000000e+01, v46;
	v27 =	vsub.f32 v49, v31  }
0x10f: {  	vm2 =	vlt.s32 v63, v12;
	v19 =	vmul.f32 v19, v19;
	v24 =	vsub.f32 v53, v24  }
0x110: {  	v48 =	vsel vm2, v63, v12;
	v31 =	vadd.f32 $8.000000000e+00, v47;
	v27 =	vmul.f32 v27, v27  }
0x111: {  	v41 =	vadd.f32 v20, v17;
	v42 =	vadd.f32 v19, v20;
	v24 =	vmul.f32 v24, v24  }
0x112: {  	v26 =	vsel vm1, v48, v63;
	v25 =	vsub.f32 v53, v31;
	v40 =	vadd.f32 v27, v20  }
0x113: {  	vm1 =	veq.f32 v32, v36;
	v49 =	vmin.f32 v41, v42;
	v43 =	vadd.f32 v24, v17  }
0x114: {  	v25 =	vmul.f32 v25, v25;
	v44 =	vadd.f32 v24, v19;
	v20 =	vmin.f32 v49, v40  }
0x115: {  	v50 =	vnsel vm1, $0x40000000, v11;
	v45 =	vadd.f32 v24, v27;
	v20 =	vmin.f32 v20, v43  }
0x116: {  	vm1 =	vlt.s32 v26, v50;
	v46 =	vadd.f32 v25, v17;
	v51 =	vmin.f32 v20, v44  }
0x117: {  	v52 =	vsel vm1, v26, v50;
	v47 =	vadd.f32 v25, v19;
	v17 =	vmin.f32 v51, v45  }
0x118: {  	v53 =	vshll.u32 v18, $0x5;
	v48 =	vadd.f32 v25, v27;
	v17 =	vmin.f32 v17, v46  }
0x119: {  	vm1 =	veq.f32 v33, v36;
	v31 =	vadd.s32 v16, v53;
	v17 =	vmin.f32 v17, v47  }
0x11a: {  	v54 =	vnsel vm1, $0x40000000, v10;
	vm1 =	vlt.s32 v31, $0x40000000;
	v27 =	vmin.f32 v17, v48  }
0x11b: {  	v58 =	vshll.u32 v23, $0x5;
	v26 =	vnsel vm1, $0x40000000, v31;
	vm3 =	veq.f32 v41, v27  }
0x11c: {  	vm2 =	vlt.s32 v52, v54;
	v18 =	vadd.s32 v53, v37;
	v56 =	vnsel vm3, $0x40000000, v26  }
0x11d: {  	v55 =	vsel vm2, v52, v54;
	v19 =	vadd.s32 v53, v38;
	vm2 =	vlt.s32 v56, v18  }
0x11e: {  	vm3 =	veq.f32 v42, v27;
	v57 =	vsel vm2, v56, v18;
	vm2 =	veq.f32 v40, v27  }
0x11f: {  	v23 =	vadd.s32 v16, v58;
	v20 =	vsel vm3, v57, v56;
	v59 =	vnsel vm2, $0x40000000, v19  }
0x120: {  	vm1 =	veq.f32 v30, v36;
	vm3 =	veq.f32 v43, v27;
	vm2 =	vlt.s32 v20, v59  }
0x121: {  	v24 =	vadd.s32 v37, v58;
	v50 =	vnsel vm3, $0x40000000, v23;
	v20 =	vsel vm2, v20, v59  }
0x122: {  	v49 =	vnsel vm1, $0x40000000, v9;
	vm2 =	veq.f32 v44, v27;
	vm1 =	vlt.s32 v20, v50  }
0x123: {  	v39 =	vshll.u32 v39, $0x5;
	v60 =	vnsel vm2, $0x40000000, v24;
	v20 =	vsel vm1, v20, v50  }
0x124: {  	v25 =	vadd.s32 v38, v58;
	vm2 =	veq.f32 v45, v27;
	vm1 =	vlt.s32 v20, v60  }
0x125: {  	v17 =	vadd.s32 v38, v39;
	v51 =	vnsel vm2, $0x40000000, v25;
	v50 =	vsel vm1, v20, v60  }
0x126: {  	vm2 =	veq.f32 v46, v27;
	v20 =	vadd.s32 v16, v39;
	vm1 =	vlt.s32 v50, v51  }
0x127: {  	vm3 =	vlt.s32 v55, v49;
	v62 =	vnsel vm2, $0x40000000, v20;
	v61 =	vsel vm1, v50, v51  }
0x128: {  	v16 =	vadd.s32 v37, v39;
	vm2 =	veq.f32 v47, v27;
	vm1 =	vlt.s32 v61, v62  }
0x129: {  	v49 =	vsel vm3, v55, v49;
	v52 =	vnsel vm2, $0x40000000, v16;
	v63 =	vsel vm1, v61, v62  }
0x12a: {  	vm3 =	veq.f32 v48, v27;
	vm1 =	veq.f32 v28, v36;
	vm2 =	vlt.s32 v63, v52  }
0x12b: {  	v38 =	vnsel vm3, $0x40000000, v17;
	v53 =	vnsel vm1, $0x40000000, v8;
	v37 =	vsel vm2, v63, v52  }
0x12c: {  	vm1 =	vlt.s32 v49, v53;
	vm2 =	vlt.s32 v37, v38  }
0x12d: {  	v54 =	vsel vm1, v49, v53;
	v27 =	vsel vm2, v37, v38  }
0x12e: {  	vm1 =	veq.f32 v29, v36;
	vm2 =	veq.s32 v31, v27;
	vm3 =	veq.s32 v18, v27  }
0x12f: {  	v37 =	vsel vm2, $0x7149F2CA, v41;
	v55 =	vsel vm3, $0x7149F2CA, v42;
	vm2 =	veq.s32 v19, v27  }
0x130: {  	v40 =	vsel vm2, $0x7149F2CA, v40;
	vm2 =	veq.s32 v23, v27;
	v41 =	vmin.f32 v37, v55  }
0x131: {  	v42 =	vsel vm2, $0x7149F2CA, v43;
	vm2 =	veq.s32 v24, v27;
	v41 =	vmin.f32 v41, v40  }
0x132: {  	v43 =	vsel vm2, $0x7149F2CA, v44;
	vm2 =	veq.s32 v25, v27;
	v41 =	vmin.f32 v41, v42  }
0x133: {  	v44 =	vsel vm2, $0x7149F2CA, v45;
	vm2 =	veq.s32 v20, v27;
	v41 =	vmin.f32 v41, v43  }
0x134: {  	v45 =	vsel vm2, $0x7149F2CA, v46;
	vm2 =	veq.s32 v16, v27;
	v41 =	vmin.f32 v41, v44  }
0x135: {  	v46 =	vsel vm2, $0x7149F2CA, v47;
	vm2 =	veq.s32 v17, v27;
	v41 =	vmin.f32 v41, v45  }
0x136: {  	v56 =	vnsel vm1, $0x40000000, v7;
	v48 =	vsel vm2, $0x7149F2CA, v48;
	v41 =	vmin.f32 v41, v46  }
0x137: {  	vm1 =	vlt.s32 v54, v56;
	vm2 =	veq.f32 v21, v36;
	v41 =	vmin.f32 v41, v48  }
0x138: {  	v39 =	vsel vm1, v54, v56;
	v57 =	vnsel vm2, $0x40000000, v5;
	vm1 =	veq.f32 v37, v41  }
0x139: {  	vm3 =	veq.f32 v22, v36;
	vm2 =	vlt.s32 v39, v57;
	v58 =	vnsel vm1, $0x40000000, v26  }
0x13a: {  	v59 =	vnsel vm3, $0x40000000, v4;
	v39 =	vsel vm2, v39, v57;
	vm1 =	vlt.s32 v58, v18  }
0x13b: {  	vm2 =	veq.f32 v55, v41;
	v60 =	vsel vm1, v58, v18;
	vm1 =	veq.f32 v40, v41  }
0x13c: {  	v49 =	vsel vm2, v60, v58;
	vm2 =	vlt.s32 v39, v59;
	v61 =	vnsel vm1, $0x40000000, v19  }
0x13d: {  	v36 =	vsel vm2, v39, v59;
	vm1 =	vlt.s32 v49, v61;
	vm2 =	veq.f32 v42, v41  }
0x13e: {  	vm3 =	veq.s32 v15, v36;
	v62 =	vsel vm1, v49, v61;
	v63 =	vnsel vm2, $0x40000000, v23  }
0x13f: {  	vm2 =	veq.f32 v43, v41;
	v35 =	vsel vm3, $0x7149F2CA, v35;
	vm1 =	vlt.s32 v62, v63  }
0x140: {  	vm3 =	veq.s32 v12, v36;
	v47 =	vnsel vm2, $0x40000000, v24;
	v15 =	vsel vm1, v62, v63  }
0x141: {  	vm2 =	veq.f32 v44, v41;
	v34 =	vsel vm3, $0x7149F2CA, v34;
	vm1 =	vlt.s32 v15, v47  }
0x142: {  	vm3 =	veq.s32 v11, v36;
	v49 =	vnsel vm2, $0x40000000, v25;
	v15 =	vsel vm1, v15, v47  }
0x143: {  	vm2 =	veq.f32 v45, v41;
	v32 =	vsel vm3, $0x7149F2CA, v32;
	vm1 =	vlt.s32 v15, v49  }
0x144: {  	vm3 =	veq.s32 v10, v36;
	v50 =	vnsel vm2, $0x40000000, v20;
	v15 =	vsel vm1, v15, v49  }
0x145: {  	vm2 =	veq.f32 v46, v41;
	v53 =	vmin.f32 v35, v34;
	vm1 =	vlt.s32 v15, v50  }
0x146: {  	v33 =	vsel vm3, $0x7149F2CA, v33;
	v51 =	vnsel vm2, $0x40000000, v16;
	v15 =	vsel vm1, v15, v50  }
0x147: {  	vm3 =	veq.s32 v9, v36;
	vm2 =	veq.f32 v48, v41;
	vm1 =	vlt.s32 v15, v51  }
0x148: {  	v54 =	vmin.f32 v53, v32;
	v52 =	vnsel vm2, $0x40000000, v17;
	v15 =	vsel vm1, v15, v51  }
0x149: {  	v30 =	vsel vm3, $0x7149F2CA, v30;
	vm3 =	veq.s32 v8, v36;
	vm2 =	vlt.s32 v15, v52  }
0x14a: {  	v39 =	vmin.f32 v54, v33;
	vm1 =	veq.s32 v7, v36;
	v15 =	vsel vm2, v15, v52  }
0x14b: {  	v29 =	vsel vm1, $0x7149F2CA, v29;
	vm1 =	veq.s32 v31, v15;
	vm2 =	veq.s32 v18, v15  }
0x14c: {  	v37 =	vsel vm1, $0x7149F2CA, v37;
	v38 =	vsel vm2, $0x7149F2CA, v55;
	vm1 =	veq.s32 v19, v15  }
0x14d: {  	v40 =	vsel vm1, $0x7149F2CA, v40;
	vm1 =	veq.s32 v23, v15;
	v55 =	vmin.f32 v37, v38  }
0x14e: {  	v42 =	vsel vm1, $0x7149F2CA, v42;
	vm1 =	veq.s32 v24, v15;
	v41 =	vmin.f32 v55, v40  }
0x14f: {  	v43 =	vsel vm1, $0x7149F2CA, v43;
	vm1 =	veq.s32 v25, v15;
	v41 =	vmin.f32 v41, v42  }
0x150: {  	v44 =	vsel vm1, $0x7149F2CA, v44;
	vm1 =	veq.s32 v20, v15;
	v41 =	vmin.f32 v41, v43  }
0x151: {  	v45 =	vsel vm1, $0x7149F2CA, v45;
	vm1 =	veq.s32 v16, v15;
	v41 =	vmin.f32 v41, v44  }
0x152: {  	v46 =	vsel vm1, $0x7149F2CA, v46;
	vm1 =	veq.s32 v17, v15;
	v41 =	vmin.f32 v41, v45  }
0x153: {  	v28 =	vsel vm3, $0x7149F2CA, v28;
	v47 =	vsel vm1, $0x7149F2CA, v48;
	v41 =	vmin.f32 v41, v46  }
0x154: {  	v39 =	vmin.f32 v39, v30;
	vm1 =	veq.s32 v5, v36;
	v41 =	vmin.f32 v41, v47  }
0x155: {  	v39 =	vmin.f32 v39, v28;
	v21 =	vsel vm1, $0x7149F2CA, v21;
	vm1 =	veq.f32 v37, v41  }
0x156: {  	v39 =	vmin.f32 v39, v29;
	vm2 =	veq.s32 v4, v36;
	v56 =	vnsel vm1, $0x40000000, v26  }
0x157: {  	v22 =	vsel vm2, $0x7149F2CA, v22;
	v39 =	vmin.f32 v39, v21;
	vm1 =	vlt.s32 v56, v18  }
0x158: {  	vm2 =	veq.f32 v38, v41;
	v57 =	vsel vm1, v56, v18;
	vm1 =	veq.f32 v40, v41  }
0x159: {  	vm3 =	veq.f32 v42, v41;
	v48 =	vsel vm2, v57, v56;
	v58 =	vnsel vm1, $0x40000000, v19  }
0x15a: {  	v39 =	vmin.f32 v39, v22;
	v60 =	vnsel vm3, $0x40000000, v23;
	vm2 =	vlt.s32 v48, v58  }
0x15b: {  	vm3 =	veq.f32 v43, v41;
	vm1 =	veq.f32 v35, v39;
	v59 =	vsel vm2, v48, v58  }
0x15c: {  	v61 =	vnsel vm3, $0x40000000, v24;
	v13 =	vnsel vm1, $0x40000000, v13;
	vm1 =	vlt.s32 v59, v60  }
0x15d: {  	vm2 =	veq.f32 v34, v39;
	v34 =	vsel vm1, v59, v60;
	vm1 =	vlt.s32 v13, v12  }
0x15e: {  	vm3 =	veq.f32 v44, v41;
	v12 =	vsel vm1, v13, v12;
	vm1 =	vlt.s32 v34, v61  }
0x15f: {  	v63 =	vnsel vm3, $0x40000000, v25;
	vm3 =	veq.f32 v45, v41;
	v62 =	vsel vm1, v34, v61  }
0x160: {  	v12 =	vsel vm2, v12, v13;
	vm1 =	veq.f32 v32, v39;
	vm2 =	vlt.s32 v62, v63  }
0x161: {  	v48 =	vnsel vm3, $0x40000000, v20;
	v11 =	vnsel vm1, $0x40000000, v11;
	v13 =	vsel vm2, v62, v63  }
0x162: {  	vm3 =	veq.f32 v46, v41;
	vm1 =	vlt.s32 v12, v11;
	vm2 =	vlt.s32 v13, v48  }
0x163: {  	v50 =	vnsel vm3, $0x40000000, v16;
	v11 =	vsel vm1, v12, v11;
	v49 =	vsel vm2, v13, v48  }
0x164: {  	vm1 =	veq.f32 v33, v39;
	vm2 =	veq.f32 v47, v41;
	vm3 =	vlt.s32 v49, v50  }
0x165: {  	v10 =	vnsel vm1, $0x40000000, v10;
	v51 =	vnsel vm2, $0x40000000, v17;
	v12 =	vsel vm3, v49, v50  }
0x166: {  	vm1 =	vlt.s32 v11, v10;
	vm2 =	vlt.s32 v12, v51  }
0x167: {  	v10 =	vsel vm1, v11, v10;
	v11 =	vsel vm2, v12, v51  }
0x168: {  	vm1 =	veq.f32 v30, v39;
	vm2 =	veq.s32 v31, v11;
	vm3 =	veq.s32 v18, v11  }
0x169: {  	v52 =	vsel vm2, $0x7149F2CA, v37;
	v53 =	vsel vm3, $0x7149F2CA, v38;
	vm2 =	veq.s32 v19, v11  }
0x16a: {  	v54 =	vsel vm2, $0x7149F2CA, v40;
	vm2 =	veq.s32 v23, v11;
	v55 =	vmin.f32 v52, v53  }
0x16b: {  	v56 =	vsel vm2, $0x7149F2CA, v42;
	vm2 =	veq.s32 v24, v11;
	v31 =	vmin.f32 v55, v54  }
0x16c: {  	v57 =	vsel vm2, $0x7149F2CA, v43;
	vm2 =	veq.s32 v25, v11;
	v31 =	vmin.f32 v31, v56  }
0x16d: {  	v58 =	vsel vm2, $0x7149F2CA, v44;
	vm2 =	veq.s32 v20, v11;
	v31 =	vmin.f32 v31, v57  }
0x16e: {  	v59 =	vsel vm2, $0x7149F2CA, v45;
	vm2 =	veq.s32 v16, v11;
	v31 =	vmin.f32 v31, v58  }
0x16f: {  	v60 =	vsel vm2, $0x7149F2CA, v46;
	vm2 =	veq.s32 v17, v11;
	v31 =	vmin.f32 v31, v59  }
0x170: {  	v9 =	vnsel vm1, $0x40000000, v9;
	v61 =	vsel vm2, $0x7149F2CA, v47;
	v31 =	vmin.f32 v31, v60  }
0x171: {  	vm1 =	veq.f32 v28, v39;
	vm2 =	vlt.s32 v10, v9;
	v62 =	vmin.f32 v31, v61  }
0x172: {  	v8 =	vnsel vm1, $0x40000000, v8;
	v9 =	vsel vm2, v10, v9;
	vm2 =	veq.f32 v52, v62  }
0x173: {  	vm1 =	vlt.s32 v9, v8;
	v10 =	vnsel vm2, $0x40000000, v26  }
0x174: {  	vm3 =	veq.f32 v53, v62;
	vm15 =	veq.f32 v54, v62;
	vm2 =	vlt.s32 v10, v18  }
0x175: {  	v8 =	vsel vm1, v9, v8;
	vm1 =	veq.f32 v29, v39;
	v9 =	vsel vm2, v10, v18  }
0x176: {  	v7 =	vnsel vm1, $0x40000000, v7;
	v9 =	vsel vm3, v9, v10;
	v10 =	vnsel vm15, $0x40000000, v19  }
0x177: {  	vm1 =	veq.f32 v56, v62;
	vm2 =	vlt.s32 v8, v7;
	vm3 =	vlt.s32 v9, v10  }
0x178: {  	v7 =	vsel vm2, v8, v7;
	v8 =	vsel vm3, v9, v10;
	v9 =	vnsel vm1, $0x40000000, v23  }
0x179: {  	vm2 =	veq.f32 v57, v62;
	vm1 =	veq.f32 v21, v39;
	vm3 =	vlt.s32 v8, v9  }
0x17a: {  	v5 =	vnsel vm1, $0x40000000, v5;
	v8 =	vsel vm3, v8, v9;
	v9 =	vnsel vm2, $0x40000000, v24  }
0x17b: {  	vm1 =	vlt.s32 v7, v5;
	vm3 =	veq.f32 v58, v62;
	vm2 =	vlt.s32 v8, v9  }
0x17c: {  	v5 =	vsel vm1, v7, v5;
	v7 =	vsel vm2, v8, v9;
	v8 =	vnsel vm3, $0x40000000, v25  }
0x17d: {  	vm1 =	veq.f32 v22, v39;
	vm3 =	veq.f32 v59, v62;
	vm2 =	vlt.s32 v7, v8  }
0x17e: {  	[tilespmem:$0x9A80] =	vst v6;
	v4 =	vnsel vm1, $0x40000000, v4;
	v6 =	vsel vm2, v7, v8;
	v7 =	vnsel vm3, $0x40000000, v20  }
0x17f: {  	[tilespmem:$0x9AA0] =	vst v14;
	vm1 =	vlt.s32 v5, v4;
	vm3 =	veq.f32 v60, v62;
	vm2 =	vlt.s32 v6, v7  }
0x180: {  	[tilespmem:$0x9A90] =	vst v27;
	v4 =	vsel vm1, v5, v4;
	v5 =	vsel vm2, v6, v7;
	v6 =	vnsel vm3, $0x40000000, v16  }
0x181: {  	[tilespmem:$0x9AC0] =	vst v36;
	vm2 =	veq.f32 v61, v62;
	vm1 =	vlt.s32 v5, v6  }
0x182: {  	[tilespmem:$0x9AE0] =	vst v4;
	v4 =	vsel vm1, v5, v6;
	v5 =	vnsel vm2, $0x40000000, v17  }
0x183: {  	[tilespmem:$0x9AB0] =	vst v15;
	vm1 =	vlt.s32 v4, v5  }
0x184: {  	[tilespmem:$0x9AD0] =	vst v11;
	v4 =	vsel vm1, v4, v5  }
0x185: {  	[tilespmem:$0x9AF0] =	vst v4  }
0x186: {  	[hbm4b:s6+s3] =	stream.linear.scatter [tilespmem:s31], [sflag:$0x2], $0x20, $0x38;
	[tilespmem:$0x9B00] =	vst v63  }
0x187: {  	_ = 	snop  }
0x188: {  	[hbm4b:s7+s3] =	stream.linear.scatter [tilespmem:s1], [sflag:$0x2], $0x20, $0x38;
	[tilespmem:$0x9B00] =	vst v63  }
0x189: {  	_ = 	snop  }
0x18a: {  	[hbm4b:s8+s3] =	stream.linear.scatter [tilespmem:s0], [sflag:$0x2], $0x20, $0x38;
	[tilespmem:$0x9B00] =	vst v63  }
0x18b: {  	_ = 	snop  }
0x18c: {  	[hbm4b:s9+s3] =	stream.linear.scatter [tilespmem:s13], [sflag:$0x2], $0x20, $0x38;
	[tilespmem:$0x9B00] =	vst v63  }
0x18d: {  	_ =	swait.ge [sflag:s14], $0x8000  }
0x18e: {  	[sflag:s14] =	ssyncset.done $0x0  }
0x18f: {  	s18 =	simm.s32 $0x19C0;
	[sflag:s14] =	ssyncadd.s32 $0xFFFF8000  }
0x190: {  	s19 =	simm.s32 $0x2000;
	v4 =	vld [tilespmem:s18+$0xFFFFFFE0]  }
0x191: {  	s19 =	sand.u32 $0x3800, s19;
	s22 =	sand.u32 $0x380, s3;
	v5 =	vld [tilespmem:s18+$0xFFFFFFC0]  }
0x192: {  	s21 =	sand.u32 $0x1800, s3;
	s20 =	sor.u32 s22, s19;
	v6 =	vld [tilespmem:s18+$0x0]  }
0x193: {  	s24 =	sor.u32 s22, s21;
	v7 =	vld [tilespmem:s20+$0x1A80]  }
0x194: {  	s28 =	simm.s32 $0x4000;
	v8 =	vld [tilespmem:s24+$0x1A80]  }
0x195: {  	s19 =	sand.u32 $0x5800, s28;
	v9 =	vld [tilespmem:s18+$0x20]  }
0x196: {  	s29 =	simm.s32 $0x6000;
	s21 =	sor.u32 s22, s19;
	v4 =	vadd.f32 $0.0e+00, v4;
	v5 =	vadd.f32 $0.0e+00, v5  }
0x197: {  	s19 =	sand.u32 $0x7800, s29;
	v10 =	vld [tilespmem:s21+$0x1A80];
	v6 =	vadd.f32 $0.0e+00, v6  }
0x198: {  	s22 =	sor.u32 s22, s19;
	v5 =	vbroadcast v5, $0x0;
	v4 =	vbroadcast v4, $0x0  }
0x199: {  	v11 =	vld [tilespmem:s22+$0x1A80];
	v6 =	vbroadcast v6, $0x0  }
0x19a: {  	v9 =	vadd.f32 $0.0e+00, v9;
	v8 =	vmul.f32 v8, v5;
	v63 =	vmul.f32 v7, v4;
	_ =	sdelay $0x1  }
0x19b: {  	v7 =	vbroadcast v9, $0x0;
	v9 =	vmul.f32 v10, v6;
	v8 =	vadd.f32 v63, v8;
	_ =	sdelay $0x1  }
0x19c: {  	v10 =	vmul.f32 v11, v7;
	v8 =	vadd.f32 v9, v8;
	_ =	sdelay $0x1  }
0x19d: {  	v8 =	vadd.f32 v10, v8  }
0x19e: {  	s19 =	simm.s32 $0x160  }
0x19f: {  	[tilespmem:s19+$0xFFFFFFA0] =	vst v8  }
0x1a0: {  	v8 =	vld [tilespmem:s24+$0x1A90]  }
0x1a1: {  	v9 =	vld [tilespmem:s20+$0x1A90];
	_ =	sdelay $0x1  }
0x1a2: {  	v10 =	vld [tilespmem:s21+$0x1A90];
	_ =	sdelay $0x1  }
0x1a3: {  	v11 =	vld [tilespmem:s22+$0x1A90]  }
0x1a4: {  	v8 =	vmul.f32 v8, v5;
	v9 =	vmul.f32 v9, v4;
	_ =	sdelay $0x1  }
0x1a5: {  	v8 =	vadd.f32 v9, v8;
	v9 =	vmul.f32 v10, v6;
	_ =	sdelay $0x1  }
0x1a6: {  	v8 =	vadd.f32 v9, v8;
	v9 =	vmul.f32 v11, v7;
	_ =	sdelay $0x1  }
0x1a7: {  	v8 =	vadd.f32 v9, v8;
	_ =	sdelay $0x1  }
0x1a8: {  	[tilespmem:s19+$0xFFFFFFB0] =	vst v8  }
0x1a9: {  	v8 =	vld [tilespmem:s24+$0x1AA0]  }
0x1aa: {  	v9 =	vld [tilespmem:s20+$0x1AA0];
	_ =	sdelay $0x1  }
0x1ab: {  	v10 =	vld [tilespmem:s21+$0x1AA0];
	_ =	sdelay $0x1  }
0x1ac: {  	v11 =	vld [tilespmem:s22+$0x1AA0]  }
0x1ad: {  	v8 =	vmul.f32 v8, v5;
	v9 =	vmul.f32 v9, v4;
	_ =	sdelay $0x1  }
0x1ae: {  	v8 =	vadd.f32 v9, v8;
	v9 =	vmul.f32 v10, v6;
	_ =	sdelay $0x1  }
0x1af: {  	v8 =	vadd.f32 v9, v8;
	v9 =	vmul.f32 v11, v7;
	_ =	sdelay $0x1  }
0x1b0: {  	v8 =	vadd.f32 v9, v8;
	_ =	sdelay $0x1  }
0x1b1: {  	[tilespmem:s19+$0xFFFFFFC0] =	vst v8  }
0x1b2: {  	v8 =	vld [tilespmem:s24+$0x1AB0]  }
0x1b3: {  	v9 =	vld [tilespmem:s20+$0x1AB0];
	_ =	sdelay $0x1  }
0x1b4: {  	v10 =	vld [tilespmem:s21+$0x1AB0];
	_ =	sdelay $0x1  }
0x1b5: {  	v11 =	vld [tilespmem:s22+$0x1AB0]  }
0x1b6: {  	v8 =	vmul.f32 v8, v5;
	v9 =	vmul.f32 v9, v4;
	_ =	sdelay $0x1  }
0x1b7: {  	v10 =	vmul.f32 v10, v6;
	v8 =	vadd.f32 v9, v8;
	_ =	sdelay $0x1  }
0x1b8: {  	v9 =	vmul.f32 v11, v7;
	v8 =	vadd.f32 v10, v8;
	_ =	sdelay $0x1  }
0x1b9: {  	v8 =	vadd.f32 v9, v8;
	_ =	sdelay $0x1  }
0x1ba: {  	[tilespmem:s19+$0xFFFFFFD0] =	vst v8  }
0x1bb: {  	v8 =	vld [tilespmem:s24+$0x1AC0]  }
0x1bc: {  	v9 =	vld [tilespmem:s20+$0x1AC0];
	_ =	sdelay $0x1  }
0x1bd: {  	v10 =	vld [tilespmem:s21+$0x1AC0];
	_ =	sdelay $0x1  }
0x1be: {  	v11 =	vld [tilespmem:s22+$0x1AC0]  }
0x1bf: {  	v8 =	vmul.f32 v8, v5;
	v9 =	vmul.f32 v9, v4;
	_ =	sdelay $0x1  }
0x1c0: {  	v8 =	vadd.f32 v9, v8;
	v9 =	vmul.f32 v10, v6;
	_ =	sdelay $0x1  }
0x1c1: {  	v8 =	vadd.f32 v9, v8;
	v9 =	vmul.f32 v11, v7;
	_ =	sdelay $0x1  }
0x1c2: {  	v8 =	vadd.f32 v9, v8;
	_ =	sdelay $0x1  }
0x1c3: {  	[tilespmem:s19+$0xFFFFFFE0] =	vst v8  }
0x1c4: {  	v8 =	vld [tilespmem:s24+$0x1AD0]  }
0x1c5: {  	v9 =	vld [tilespmem:s20+$0x1AD0];
	_ =	sdelay $0x1  }
0x1c6: {  	v10 =	vld [tilespmem:s21+$0x1AD0];
	_ =	sdelay $0x1  }
0x1c7: {  	v11 =	vld [tilespmem:s22+$0x1AD0]  }
0x1c8: {  	v8 =	vmul.f32 v8, v5;
	v9 =	vmul.f32 v9, v4;
	_ =	sdelay $0x1  }
0x1c9: {  	v8 =	vadd.f32 v9, v8;
	v9 =	vmul.f32 v10, v6;
	_ =	sdelay $0x1  }
0x1ca: {  	v10 =	vmul.f32 v11, v7;
	v8 =	vadd.f32 v9, v8;
	_ =	sdelay $0x1  }
0x1cb: {  	v8 =	vadd.f32 v10, v8;
	_ =	sdelay $0x1  }
0x1cc: {  	[tilespmem:s19+$0xFFFFFFF0] =	vst v8  }
0x1cd: {  	v8 =	vld [tilespmem:s24+$0x1AE0]  }
0x1ce: {  	v9 =	vld [tilespmem:s20+$0x1AE0];
	_ =	sdelay $0x1  }
0x1cf: {  	v10 =	vld [tilespmem:s21+$0x1AE0];
	_ =	sdelay $0x1  }
0x1d0: {  	v11 =	vld [tilespmem:s22+$0x1AE0]  }
0x1d1: {  	v8 =	vmul.f32 v8, v5;
	v9 =	vmul.f32 v9, v4;
	_ =	sdelay $0x1  }
0x1d2: {  	v8 =	vadd.f32 v9, v8;
	v9 =	vmul.f32 v10, v6;
	_ =	sdelay $0x1  }
0x1d3: {  	v10 =	vmul.f32 v11, v7;
	v8 =	vadd.f32 v9, v8;
	_ =	sdelay $0x1  }
0x1d4: {  	v8 =	vadd.f32 v10, v8;
	_ =	sdelay $0x1  }
0x1d5: {  	[tilespmem:s19+$0x0] =	vst v8  }
0x1d6: {  	v8 =	vld [tilespmem:s20+$0x1AF0]  }
0x1d7: {  	v9 =	vld [tilespmem:s24+$0x1AF0];
	_ =	sdelay $0x1  }
0x1d8: {  	v10 =	vld [tilespmem:s21+$0x1AF0];
	_ =	sdelay $0x1  }
0x1d9: {  	v11 =	vld [tilespmem:s22+$0x1AF0]  }
0x1da: {  	v8 =	vmul.f32 v8, v4;
	v9 =	vmul.f32 v9, v5;
	_ =	sdelay $0x1  }
0x1db: {  	v8 =	vadd.f32 v8, v9;
	v9 =	vmul.f32 v10, v6;
	_ =	sdelay $0x1  }
0x1dc: {  	v10 =	vmul.f32 v11, v7;
	v8 =	vadd.f32 v9, v8;
	_ =	sdelay $0x1  }
0x1dd: {  	v8 =	vadd.f32 v10, v8;
	_ =	sdelay $0x1  }
0x1de: {  	[tilespmem:s19+$0x10] =	vst v8  }
0x1df: {  	v8 =	vld [tilespmem:s24+$0x1E80]  }
0x1e0: {  	v9 =	vld [tilespmem:s20+$0x1E80];
	_ =	sdelay $0x1  }
0x1e1: {  	v10 =	vld [tilespmem:s21+$0x1E80];
	_ =	sdelay $0x1  }
0x1e2: {  	v11 =	vld [tilespmem:s22+$0x1E80]  }
0x1e3: {  	v8 =	vmul.f32 v8, v5;
	v9 =	vmul.f32 v9, v4;
	_ =	sdelay $0x1  }
0x1e4: {  	v10 =	vmul.f32 v10, v6;
	v8 =	vadd.f32 v9, v8;
	_ =	sdelay $0x1  }
0x1e5: {  	v9 =	vmul.f32 v11, v7;
	v8 =	vadd.f32 v10, v8;
	_ =	sdelay $0x1  }
0x1e6: {  	v8 =	vadd.f32 v9, v8  }
0x1e7: {  	s23 =	sand.u32 $0x1FC0, s3  }
0x1e8: {  	[tilespmem:s23+$0x180] =	vst v8  }
0x1e9: {  	v8 =	vld [tilespmem:s24+$0x1E90]  }
0x1ea: {  	v9 =	vld [tilespmem:s20+$0x1E90];
	_ =	sdelay $0x1  }
0x1eb: {  	v10 =	vld [tilespmem:s21+$0x1E90];
	_ =	sdelay $0x1  }
0x1ec: {  	v11 =	vld [tilespmem:s22+$0x1E90]  }
0x1ed: {  	v8 =	vmul.f32 v8, v5;
	v9 =	vmul.f32 v9, v4;
	_ =	sdelay $0x1  }
0x1ee: {  	v8 =	vadd.f32 v9, v8;
	v9 =	vmul.f32 v10, v6;
	_ =	sdelay $0x1  }
0x1ef: {  	v10 =	vmul.f32 v11, v7;
	v8 =	vadd.f32 v9, v8;
	_ =	sdelay $0x1  }
0x1f0: {  	v8 =	vadd.f32 v10, v8;
	_ =	sdelay $0x1  }
0x1f1: {  	[tilespmem:s19+$0x30] =	vst v8  }
0x1f2: {  	v8 =	vld [tilespmem:s24+$0x1EA0]  }
0x1f3: {  	v9 =	vld [tilespmem:s20+$0x1EA0];
	_ =	sdelay $0x1  }
0x1f4: {  	v10 =	vld [tilespmem:s21+$0x1EA0];
	_ =	sdelay $0x1  }
0x1f5: {  	v11 =	vld [tilespmem:s22+$0x1EA0]  }
0x1f6: {  	v8 =	vmul.f32 v8, v5;
	v9 =	vmul.f32 v9, v4;
	_ =	sdelay $0x1  }
0x1f7: {  	v10 =	vmul.f32 v10, v6;
	v8 =	vadd.f32 v9, v8;
	_ =	sdelay $0x1  }
0x1f8: {  	v9 =	vmul.f32 v11, v7;
	v8 =	vadd.f32 v10, v8;
	_ =	sdelay $0x1  }
0x1f9: {  	v8 =	vadd.f32 v9, v8;
	_ =	sdelay $0x1  }
0x1fa: {  	s25 =	simm.s32 $0x0;
	[tilespmem:s19+$0x40] =	vst v8  }
0x1fb: {  	s26 =	simm.s32 $0x0;
	s23 =	simm.s32 $0x100;
	v8 =	vld [tilespmem:s24+$0x1EB0];
	s24 =	simm.s32 $0x220  }
.LBB2_2:
0x1fc: {  	v9 =	vld [tilespmem:s20+$0x1EB0];
	s25 =	sadd.s32 $0xC0, s25;
	s18 =	sadd.s32 $0x1, s18;
	s26 =	sadd.s32 $0x80, s26  }
0x1fd: {  	p0 =	sne.s32 s23, $0x1F00;
	s29 =	smov.u32 s23;
	s23 =	sadd.s32 $0x100, s23;
	v10 =	vld [tilespmem:s21+$0x1EB0]  }
0x1fe: {  	v11 =	vld [tilespmem:s22+$0x1EB0];
	_ =	sdelay $0x1  }
0x1ff: {  	v5 =	vmul.f32 v8, v5  }
0x200: {  	v4 =	vmul.f32 v9, v4  }
0x201: {  	v6 =	vmul.f32 v10, v6  }
0x202: {  	v4 =	vadd.f32 v4, v5;
	v5 =	vmul.f32 v11, v7;
	_ =	sdelay $0x1  }
0x203: {  	v4 =	vadd.f32 v6, v4;
	_ =	sdelay $0x1  }
0x204: {  	v4 =	vadd.f32 v5, v4;
	_ =	sdelay $0x1  }
0x205: {  	[tilespmem:s19+$0x50] =	vst v4;
	s19 =	smov.u32 s24  }
0x206: {  	s20 =	sadd.s32 $0x2000, s29;
	v4 =	vld [tilespmem:s18+$0x0]  }
0x207: {  	s22 =	sand.u32 $0x380, s26;
	s20 =	sand.u32 $0x3800, s20;
	v5 =	vld [tilespmem:s18+$0xFFFFFFE0]  }
0x208: {  	s21 =	sand.u32 $0x1800, s29;
	s20 =	sor.u32 s22, s20;
	v6 =	vld [tilespmem:s18+$0xFFFFFFC0]  }
0x209: {  	s28 =	sor.u32 s22, s21;
	v7 =	vld [tilespmem:s20+$0x1A80]  }
0x20a: {  	s21 =	sadd.s32 $0x4000, s29;
	v8 =	vld [tilespmem:s28+$0x1A80]  }
0x20b: {  	s21 =	sand.u32 $0x5800, s21;
	v9 =	vld [tilespmem:s18+$0x20]  }
0x20c: {  	s29 =	sadd.s32 $0x6000, s29;
	s21 =	sor.u32 s22, s21;
	v10 =	vadd.f32 $0.0e+00, v5  }
0x20d: {  	s29 =	sand.u32 $0x7800, s29;
	v5 =	vadd.f32 $0.0e+00, v6;
	v6 =	vadd.f32 $0.0e+00, v4;
	v11 =	vld [tilespmem:s21+$0x1A80]  }
0x20e: {  	s22 =	sor.u32 s22, s29  }
0x20f: {  	v4 =	vbroadcast v10, $0x0;
	v5 =	vbroadcast v5, $0x0;
	v10 =	vld [tilespmem:s22+$0x1A80]  }
0x210: {  	v6 =	vbroadcast v6, $0x0;
	v9 =	vadd.f32 $0.0e+00, v9  }
0x211: {  	v12 =	vmul.f32 v7, v4;
	v8 =	vmul.f32 v8, v5  }
0x212: {  	v7 =	vbroadcast v9, $0x0;
	v9 =	vmul.f32 v11, v6  }
0x213: {  	v8 =	vadd.f32 v12, v8  }
0x214: {  	v10 =	vmul.f32 v10, v7  }
0x215: {  	v8 =	vadd.f32 v9, v8;
	_ =	sdelay $0x1  }
0x216: {  	v8 =	vadd.f32 v10, v8;
	_ =	sdelay $0x1  }
0x217: {  	[tilespmem:s24+$0xFFFFFFA0] =	vst v8  }
0x218: {  	v8 =	vld [tilespmem:s28+$0x1A90]  }
0x219: {  	v9 =	vld [tilespmem:s20+$0x1A90];
	_ =	sdelay $0x1  }
0x21a: {  	v10 =	vld [tilespmem:s21+$0x1A90];
	_ =	sdelay $0x1  }
0x21b: {  	v8 =	vmul.f32 v8, v5;
	v11 =	vld [tilespmem:s22+$0x1A90]  }
0x21c: {  	v9 =	vmul.f32 v9, v4;
	_ =	sdelay $0x1  }
0x21d: {  	v8 =	vadd.f32 v9, v8;
	v9 =	vmul.f32 v10, v6;
	_ =	sdelay $0x1  }
0x21e: {  	v8 =	vadd.f32 v9, v8;
	v9 =	vmul.f32 v11, v7;
	_ =	sdelay $0x1  }
0x21f: {  	v8 =	vadd.f32 v9, v8;
	_ =	sdelay $0x1  }
0x220: {  	[tilespmem:s24+$0xFFFFFFB0] =	vst v8  }
0x221: {  	v8 =	vld [tilespmem:s28+$0x1AA0]  }
0x222: {  	v9 =	vld [tilespmem:s20+$0x1AA0];
	_ =	sdelay $0x1  }
0x223: {  	v10 =	vld [tilespmem:s21+$0x1AA0];
	_ =	sdelay $0x1  }
0x224: {  	v8 =	vmul.f32 v8, v5;
	v11 =	vld [tilespmem:s22+$0x1AA0]  }
0x225: {  	v9 =	vmul.f32 v9, v4;
	_ =	sdelay $0x1  }
0x226: {  	v8 =	vadd.f32 v9, v8;
	v9 =	vmul.f32 v10, v6;
	_ =	sdelay $0x1  }
0x227: {  	v8 =	vadd.f32 v9, v8;
	v9 =	vmul.f32 v11, v7;
	_ =	sdelay $0x1  }
0x228: {  	v8 =	vadd.f32 v9, v8;
	_ =	sdelay $0x1  }
0x229: {  	[tilespmem:s24+$0xFFFFFFC0] =	vst v8  }
0x22a: {  	v8 =	vld [tilespmem:s28+$0x1AB0]  }
0x22b: {  	v9 =	vld [tilespmem:s20+$0x1AB0]  }
0x22c: {  	v10 =	vld [tilespmem:s21+$0x1AB0]  }
0x22d: {  	v11 =	vld [tilespmem:s22+$0x1AB0];
	_ =	sdelay $0x1  }
0x22e: {  	v8 =	vmul.f32 v8, v5  }
0x22f: {  	v9 =	vmul.f32 v9, v4  }
0x230: {  	v10 =	vmul.f32 v10, v6  }
0x231: {  	v8 =	vadd.f32 v9, v8;
	v9 =	vmul.f32 v11, v7;
	_ =	sdelay $0x1  }
0x232: {  	v8 =	vadd.f32 v10, v8;
	_ =	sdelay $0x1  }
0x233: {  	v8 =	vadd.f32 v9, v8;
	_ =	sdelay $0x1  }
0x234: {  	[tilespmem:s24+$0xFFFFFFD0] =	vst v8  }
0x235: {  	v8 =	vld [tilespmem:s28+$0x1AC0]  }
0x236: {  	v9 =	vld [tilespmem:s20+$0x1AC0];
	_ =	sdelay $0x1  }
0x237: {  	v10 =	vld [tilespmem:s21+$0x1AC0];
	_ =	sdelay $0x1  }
0x238: {  	v8 =	vmul.f32 v8, v5;
	v11 =	vld [tilespmem:s22+$0x1AC0]  }
0x239: {  	v9 =	vmul.f32 v9, v4;
	_ =	sdelay $0x1  }
0x23a: {  	v8 =	vadd.f32 v9, v8;
	v9 =	vmul.f32 v10, v6;
	_ =	sdelay $0x1  }
0x23b: {  	v8 =	vadd.f32 v9, v8;
	v9 =	vmul.f32 v11, v7;
	_ =	sdelay $0x1  }
0x23c: {  	v8 =	vadd.f32 v9, v8;
	_ =	sdelay $0x1  }
0x23d: {  	[tilespmem:s24+$0xFFFFFFE0] =	vst v8  }
0x23e: {  	v8 =	vld [tilespmem:s28+$0x1AD0]  }
0x23f: {  	v9 =	vld [tilespmem:s20+$0x1AD0]  }
0x240: {  	v10 =	vld [tilespmem:s22+$0x1AD0]  }
0x241: {  	v11 =	vld [tilespmem:s21+$0x1AD0];
	_ =	sdelay $0x1  }
0x242: {  	v8 =	vmul.f32 v8, v5  }
0x243: {  	v9 =	vmul.f32 v9, v4  }
0x244: {  	v10 =	vmul.f32 v10, v7  }
0x245: {  	v8 =	vadd.f32 v9, v8;
	v9 =	vmul.f32 v11, v6;
	_ =	sdelay $0x1  }
0x246: {  	v8 =	vadd.f32 v9, v8;
	_ =	sdelay $0x1  }
0x247: {  	v8 =	vadd.f32 v10, v8;
	_ =	sdelay $0x1  }
0x248: {  	[tilespmem:s24+$0xFFFFFFF0] =	vst v8  }
0x249: {  	v8 =	vld [tilespmem:s28+$0x1AE0]  }
0x24a: {  	v9 =	vld [tilespmem:s20+$0x1AE0]  }
0x24b: {  	v10 =	vld [tilespmem:s22+$0x1AE0]  }
0x24c: {  	v11 =	vld [tilespmem:s21+$0x1AE0];
	_ =	sdelay $0x1  }
0x24d: {  	v8 =	vmul.f32 v8, v5  }
0x24e: {  	v9 =	vmul.f32 v9, v4  }
0x24f: {  	v10 =	vmul.f32 v10, v7  }
0x250: {  	v8 =	vadd.f32 v9, v8;
	v9 =	vmul.f32 v11, v6;
	_ =	sdelay $0x1  }
0x251: {  	v8 =	vadd.f32 v9, v8;
	_ =	sdelay $0x1  }
0x252: {  	v8 =	vadd.f32 v10, v8;
	_ =	sdelay $0x1  }
0x253: {  	[tilespmem:s24+$0x0] =	vst v8  }
0x254: {  	v8 =	vld [tilespmem:s20+$0x1AF0]  }
0x255: {  	v9 =	vld [tilespmem:s28+$0x1AF0]  }
0x256: {  	v10 =	vld [tilespmem:s21+$0x1AF0]  }
0x257: {  	v11 =	vld [tilespmem:s22+$0x1AF0];
	_ =	sdelay $0x1  }
0x258: {  	v8 =	vmul.f32 v8, v4  }
0x259: {  	v9 =	vmul.f32 v9, v5;
	_ =	sdelay $0x1  }
0x25a: {  	v8 =	vadd.f32 v8, v9;
	v9 =	vmul.f32 v10, v6;
	v10 =	vmul.f32 v11, v7;
	_ =	sdelay $0x1  }
0x25b: {  	v8 =	vadd.f32 v9, v8;
	_ =	sdelay $0x1  }
0x25c: {  	v8 =	vadd.f32 v10, v8;
	_ =	sdelay $0x1  }
0x25d: {  	[tilespmem:s24+$0x10] =	vst v8  }
0x25e: {  	v8 =	vld [tilespmem:s28+$0x1E80]  }
0x25f: {  	v9 =	vld [tilespmem:s20+$0x1E80]  }
0x260: {  	v10 =	vld [tilespmem:s21+$0x1E80]  }
0x261: {  	v11 =	vld [tilespmem:s22+$0x1E80];
	_ =	sdelay $0x1  }
0x262: {  	v8 =	vmul.f32 v8, v5  }
0x263: {  	v9 =	vmul.f32 v9, v4  }
0x264: {  	v10 =	vmul.f32 v10, v6  }
0x265: {  	v8 =	vadd.f32 v9, v8;
	v9 =	vmul.f32 v11, v7;
	_ =	sdelay $0x1  }
0x266: {  	v8 =	vadd.f32 v10, v8;
	_ =	sdelay $0x1  }
0x267: {  	v8 =	vadd.f32 v9, v8  }
0x268: {  	s29 =	sand.u32 $0x1FC0, s25  }
0x269: {  	[tilespmem:s29+$0x180] =	vst v8  }
0x26a: {  	v8 =	vld [tilespmem:s28+$0x1E90]  }
0x26b: {  	v9 =	vld [tilespmem:s20+$0x1E90]  }
0x26c: {  	v10 =	vld [tilespmem:s21+$0x1E90]  }
0x26d: {  	v11 =	vld [tilespmem:s22+$0x1E90];
	_ =	sdelay $0x1  }
0x26e: {  	v8 =	vmul.f32 v8, v5  }
0x26f: {  	v9 =	vmul.f32 v9, v4;
	_ =	sdelay $0x1  }
0x270: {  	v8 =	vadd.f32 v9, v8;
	v9 =	vmul.f32 v10, v6;
	v10 =	vmul.f32 v11, v7;
	_ =	sdelay $0x1  }
0x271: {  	v8 =	vadd.f32 v9, v8;
	_ =	sdelay $0x1  }
0x272: {  	v8 =	vadd.f32 v10, v8;
	_ =	sdelay $0x1  }
0x273: {  	[tilespmem:s24+$0x30] =	vst v8  }
0x274: {  	v8 =	vld [tilespmem:s28+$0x1EA0]  }
0x275: {  	v9 =	vld [tilespmem:s20+$0x1EA0]  }
0x276: {  	v10 =	vld [tilespmem:s21+$0x1EA0]  }
0x277: {  	v11 =	vld [tilespmem:s22+$0x1EA0];
	_ =	sdelay $0x1  }
0x278: {  	v8 =	vmul.f32 v8, v5  }
0x279: {  	v9 =	vmul.f32 v9, v4  }
0x27a: {  	v10 =	vmul.f32 v10, v6  }
0x27b: {  	v8 =	vadd.f32 v9, v8;
	v9 =	vmul.f32 v11, v7;
	_ =	sdelay $0x1  }
0x27c: {  	v8 =	vadd.f32 v10, v8  }
.Ltmp0:
0x27d: {  	(pc) =	sbr.rel @p0 .LBB2_2-.Ltmp0, $3  }
0x27e: {  	v8 =	vadd.f32 v9, v8;
	_ =	sdelay $0x1  }
0x27f: {  	[tilespmem:s24+$0x40] =	vst v8  }
0x280: {  	s24 =	sadd.s32 $0xC0, s24;
	v8 =	vld [tilespmem:s28+$0x1EB0]  }
0x281: {  	v9 =	vld [tilespmem:s20+$0x1EB0];
	_ =	sdelay $0x1  }
0x282: {  	v10 =	vld [tilespmem:s21+$0x1EB0];
	_ =	sdelay $0x1  }
0x283: {  	v11 =	vld [tilespmem:s22+$0x1EB0]  }
0x284: {  	v5 =	vmul.f32 v8, v5;
	v4 =	vmul.f32 v9, v4;
	_ =	sdelay $0x1  }
0x285: {  	v6 =	vmul.f32 v10, v6;
	v4 =	vadd.f32 v4, v5;
	_ =	sdelay $0x1  }
0x286: {  	v5 =	vmul.f32 v11, v7;
	v4 =	vadd.f32 v6, v4;
	_ =	sdelay $0x1  }
0x287: {  	v4 =	vadd.f32 v5, v4;
	_ =	sdelay $0x1  }
0x288: {  	[tilespmem:s19+$0x50] =	vst v4  }
0x289: {  	[hbm4b:s10+s3] =	stream.linear.scatter [tilespmem:s15], [sflag:$0x3], $0x1800, $0x38;
	[tilespmem:$0x9B00] =	vst v63  }
0x28a: {  	_ =	swait.ge [sflag:s12], $0x1800  }
0x28b: {  	[sflag:s12] =	ssyncset.done $0x0  }
0x28c: {  	[sflag:s12] =	ssyncadd.s32 $0xFFFFE800  }
0x28d: {  	_ =	swait.ge [sflag:s16], $0x20  }
0x28e: {  	[sflag:s16] =	ssyncset.done $0x0  }
0x28f: {  	[sflag:s16] =	ssyncadd.s32 $0xFFFFFFE0  }
0x290: {  	_ =	swait.ge [sflag:s16], $0x20  }
0x291: {  	[sflag:s16] =	ssyncset.done $0x0  }
0x292: {  	s17 =	sadd.s32 $0x1, s17;
	[sflag:s16] =	ssyncadd.s32 $0xFFFFFFE0  }
0x293: {  	p0 =	sne.s32 s17, s11;
	_ =	swait.ge [sflag:s16], $0x20  }
.Ltmp1:
0x294: {  	[sflag:s16] =	ssyncset.done $0x0;
	(pc) =	sbr.rel @p0 .LBB2_1-.Ltmp1, $4  }
0x295: {  	[sflag:s16] =	ssyncadd.s32 $0xFFFFFFE0  }
0x296: {  	_ =	swait.ge [sflag:s16], $0x20  }
0x297: {  	[sflag:s16] =	ssyncset.done $0x0  }
0x298: {  	[sflag:s16] =	ssyncadd.s32 $0xFFFFFFE0  }
0x299: {  	_ =	sfence.sel $0x180000  }
0x29a: {  	[bflag:$0x0] =	sbarrier.arrive $0xFFFF  }
0x29b: {  	_ =	strace $0x90000047  }
0x29c: {  	s0 =	stileid.u32;
	[bflag:$0x2] =	sbarrier.arrive $0xFFFF  }
0x29d: {  	p0 =	sne.s32 s0, $0x0;
	s0 =	rddreg [dreg:$0x4]  }
0x29e: {  	s0 =	sadd.s32 @!p0 $0x100000, s0  }
0x29f: {  	[sflag:s0] =	ssyncadd.tile.s32 @!p0 $0x1;
	_ =	shalt  }
.Lfunc_end2:
_tile_overlayer_lowered:
.L_overlay_start_2:
0x2a0: {  	(tag) =	ssettag $0x2  }
0x2a1: {  	s0 =	rddreg [dreg:$0x0];
	s2 =	stileid.u32  }
0x2a2: {  	s1 =	rddreg [dreg:$0x1];
	p0 =	sne.s32 s2, $0x0  }
0x2a3: {  	s3 =	rddreg [dreg:$0x2];
	[bflag:$0x3] =	sbarrier.arrive $0xFFFF;
	s2 =	simm.s32 @!p0 $0x1C03  }
0x2a4: {  	[timem:s3], [sflag:s2] =	dma.local @!p0 [hbm:s0], s1  }
0x2a5: {  	s0 =	simm.s32 @!p0 $0x3  }
0x2a6: {  	_ =	swait.ge @!p0 [sflag:s0], s1  }
0x2a7: {  	s1 =	ssub.s32 @!p0 $0x0, s1;
	[sflag:s0] =	ssyncset.done @!p0 $0x0  }
0x2a8: {  	[sflag:s0] =	ssyncadd.s32 @!p0 s1  }
0x2a9: {  	[bflag:$0x3] =	sbarrier.arrive $0xFFFF  }
0x2aa: {  	_ =	shalt  }

</sc_bundles>
